<compile_context>
chip_gen: v7x
topology: tpu7x:2x2x1
jax: 0.10.2.dev20260603
libtpu: 0.0.44.dev20260713+nightly
codegen_flags: <defaults>
</compile_context>

<pallas_src>
import jax
import jax.numpy as jnp
from jax import lax
from jax.experimental import pallas as pl
from jax.experimental.pallas import tpu as pltpu
from jax.experimental.pallas import tpu_sc as plsc

B = 4
S = 8192
D = 1024
L = 16
NC = 2
NS = 16
NW = NC * NS
S_PER_W = S // NW
K = 8
NCHUNK = S_PER_W // K
NPAIR = NCHUNK // 2
SEG = 4
SEGV = D // L // SEG


def _body(ids_hbm, tok_hbm, pos_hbm, out_hbm,
          idx_v, buf0, buf1, pos0, pos1,
          gsem0, gsem1, osem0, osem1, psem0, psem1, isem0, isem1):
    wid = lax.axis_index("s") * NC + lax.axis_index("c")
    base = wid * S_PER_W
    bufs = (buf0, buf1)
    poss = (pos0, pos1)
    gsems = (gsem0, gsem1)
    osems = (osem0, osem1)
    psems = (psem0, psem1)
    isems = (isem0, isem1)

    def add_chunk(jp):
        buf = bufs[jp]
        pos_ref = poss[jp]

        @plsc.parallel_loop(0, K * SEG)
        def _(i):
            r = i // SEG
            c0 = (i % SEG) * (SEGV * L)
            for l in range(SEGV):
                sl = pl.ds(c0 + l * L, L)
                pv = pos_ref[r, sl]
                for b in range(B):
                    plsc.addupdate(buf.at[b * K + r, sl], pv)

    def issue_gather(jp, ip):
        pltpu.async_copy(tok_hbm.at[idx_v.at[ip]], bufs[jp], gsems[jp])

    def wait_gather(jp):
        pltpu.make_async_copy(tok_hbm.at[idx_v.at[0]], bufs[jp],
                              gsems[jp]).wait()

    def issue_write(jp, b, off):
        pltpu.async_copy(bufs[jp].at[pl.ds(b * K, K)],
                         out_hbm.at[b, pl.ds(off, K)], osems[jp])

    def wait_writes(jp):
        for b in range(B):
            pltpu.make_async_copy(bufs[jp].at[pl.ds(b * K, K)],
                                  out_hbm.at[0, pl.ds(0, K)],
                                  osems[jp]).wait()

    def prefetch(jp, off):
        pltpu.async_copy(pos_hbm.at[pl.ds(off, K)], poss[jp], psems[jp])
        for b in range(B):
            pltpu.async_copy(ids_hbm.at[b, pl.ds(off, K)],
                             idx_v.at[jp, pl.ds(b * K, K)], isems[jp])

    def wait_pos(jp):
        pltpu.make_async_copy(pos_hbm.at[pl.ds(0, K)], poss[jp],
                              psems[jp]).wait()

    def wait_idx(jp):
        for b in range(B):
            pltpu.make_async_copy(ids_hbm.at[0, pl.ds(0, K)],
                                  idx_v.at[jp, pl.ds(b * K, K)],
                                  isems[jp]).wait()

    prefetch(0, base)
    prefetch(1, base + K)
    wait_idx(0)
    issue_gather(0, 0)

    def pair(m, carry):
        for jj in range(2):
            j = 2 * m + jj
            off = base + j * K
            wait_gather(jj)
            wait_pos(jj)
            if jj == 0:
                @pl.when(m > 0)
                def _():
                    wait_writes(1)
                wait_idx(1)
                issue_gather(1, 1)
            else:
                wait_writes(0)

                @pl.when(m < NPAIR - 1)
                def _():
                    wait_idx(0)
                    issue_gather(0, 0)
            add_chunk(jj)
            for b in range(B):
                issue_write(jj, b, off)
            @pl.when(m < NPAIR - 1)
            def _():
                prefetch(jj, off + 2 * K)
        return carry

    lax.fori_loop(0, NPAIR, pair, 0)
    wait_writes(1)


def kernel(input_ids, tok_table, pos_table):
    mesh = plsc.VectorSubcoreMesh(core_axis_name="c", subcore_axis_name="s")
    k = pl.kernel(
        _body,
        out_type=jax.ShapeDtypeStruct((B, S, D), jnp.float32),
        mesh=mesh,
        scratch_types=[
            pltpu.VMEM((2, B * K), jnp.int32),
            pltpu.VMEM((B * K, D), jnp.float32),
            pltpu.VMEM((B * K, D), jnp.float32),
            pltpu.VMEM((K, D), jnp.float32),
            pltpu.VMEM((K, D), jnp.float32),
            pltpu.SemaphoreType.DMA,
            pltpu.SemaphoreType.DMA,
            pltpu.SemaphoreType.DMA,
            pltpu.SemaphoreType.DMA,
            pltpu.SemaphoreType.DMA,
            pltpu.SemaphoreType.DMA,
            pltpu.SemaphoreType.DMA,
            pltpu.SemaphoreType.DMA,
        ],
    )
    return k(input_ids, tok_table, pos_table)

# --- scband reference (transcript-rebuilt; emitter-appended) ---
"""Pipeline reference for scband-gpt2-embedding-4904852652170 (READ-ONLY COPY).

The authoritative reference and input builder live on the scoring server;
editing this copy changes nothing except your own understanding.
"""

import jax, jax.numpy as jnp
import numpy as np

VOCAB = 50257
D_MODEL = 1024
N_CTX = 8192
BATCH = 4
SEQ = 8192

def setup_inputs(seed: int = 0) -> dict:
    key = jax.random.key(seed)
    k1, k2, k3 = jax.random.split(key, 3)
    input_ids = jax.random.randint(k1, (BATCH, SEQ), 0, VOCAB, dtype=jnp.int64) if jax.config.jax_enable_x64 else jax.random.randint(k1, (BATCH, SEQ), 0, VOCAB, dtype=jnp.int32)
    tok_table = jax.random.normal(k2, (VOCAB, D_MODEL), dtype=jnp.float32) * 0.02
    pos_table = jax.random.normal(k3, (N_CTX, D_MODEL), dtype=jnp.float32) * 0.02
    return {"input_ids": input_ids, "tok_table": tok_table, "pos_table": pos_table}

def reference(input_ids, tok_table, pos_table):
    # GPT2Embedding.forward with start_pos=0, dropout in eval mode (identity)
    seq_len = input_ids.shape[-1]
    positions = jnp.arange(0, seq_len)[None, :]  # [1, S]
    token_embeds = jnp.take(tok_table, input_ids, axis=0)      # [B, S, D]
    position_embeds = jnp.take(pos_table, positions, axis=0)   # [1, S, D]
    embeddings = token_embeds + position_embeds
    return embeddings

if __name__ == "__main__":
    import jax
    _d = setup_inputs()
    print(jax.jit(kernel)(*tuple(_d.values())))

</pallas_src>

<mosaic_0001>
#map = affine_map<(d0, d1) -> (0, 0)>
#map1 = affine_map<(d0, d1) -> (0, 0, 0)>
module attributes {stable_mosaic.version = 14 : i64} {
  func.func @_body(%arg0: i32, %arg1: i32, %arg2: memref<4x8192xi32, #tpu.memory_space<hbm>>, %arg3: memref<50257x1024xf32, #tpu.memory_space<hbm>>, %arg4: memref<8192x1024xf32, #tpu.memory_space<hbm>>, %arg5: memref<4x8192x1024xf32, #tpu.memory_space<hbm>>, %arg6: memref<2x32xi32, #tpu.memory_space<vmem>>, %arg7: memref<32x1024xf32, #tpu.memory_space<vmem>>, %arg8: memref<32x1024xf32, #tpu.memory_space<vmem>>, %arg9: memref<8x1024xf32, #tpu.memory_space<vmem>>, %arg10: memref<8x1024xf32, #tpu.memory_space<vmem>>, %arg11: memref<!tpu.dma_semaphore, #tpu.memory_space<semaphore_mem>>, %arg12: memref<!tpu.dma_semaphore, #tpu.memory_space<semaphore_mem>>, %arg13: memref<!tpu.dma_semaphore, #tpu.memory_space<semaphore_mem>>, %arg14: memref<!tpu.dma_semaphore, #tpu.memory_space<semaphore_mem>>, %arg15: memref<!tpu.dma_semaphore, #tpu.memory_space<semaphore_mem>>, %arg16: memref<!tpu.dma_semaphore, #tpu.memory_space<semaphore_mem>>, %arg17: memref<!tpu.dma_semaphore, #tpu.memory_space<semaphore_mem>>, %arg18: memref<!tpu.dma_semaphore, #tpu.memory_space<semaphore_mem>>) attributes {dimension_semantics = [#tpu.dimension_semantics<core_parallel>, #tpu.dimension_semantics<subcore_parallel>], iteration_bounds = array<i64: 2, 16>, scalar_prefetch = 0 : i64, scratch_operands = 13 : i64, tpu.core_type = #tpu.core_type<sc_vector_subcore>, window_params = [{transform_indices = #map}, {transform_indices = #map}, {transform_indices = #map}, {transform_indices = #map1}]} {
    %mul3A = arith.constant 2 : i32
    %mul3A_0 = arith.muli %arg1, %mul3A : i32
    %add3A = arith.addi %mul3A_0, %arg0 : i32
    %mul3A_1 = arith.constant 256 : i32
    %mul3A_2 = arith.muli %add3A, %mul3A_1 : i32
    %dma_start3A = arith.constant 0 : i32
    %dma_start3A_3 = tpu.memref_slice %arg4[%mul3A_2, %dma_start3A] : memref<8192x1024xf32, #tpu.memory_space<hbm>> -> memref<8x1024xf32, #tpu.memory_space<hbm>>
    %dma_start3A_4 = arith.constant 0 : i32
    %dma_start3A_5 = tpu.memref_slice %arg4[%mul3A_2, %dma_start3A_4] : memref<8192x1024xf32, #tpu.memory_space<hbm>> -> memref<8x1024xf32, #tpu.memory_space<hbm>>
    tpu.enqueue_dma source(%dma_start3A_5 : memref<8x1024xf32, #tpu.memory_space<hbm>>) target(%arg9 : memref<8x1024xf32, #tpu.memory_space<vmem>>) target_semaphore(%arg15 : memref<!tpu.dma_semaphore, #tpu.memory_space<semaphore_mem>>)
    %dma_start3A_6 = arith.constant 0 : i32
    %dma_start3A_7 = arith.constant 0 : i32
    %dma_start3A_8 = arith.constant 0 : i32
    %dma_start3A_9 = tpu.memref_slice %arg6[%dma_start3A_7, %dma_start3A_8] : memref<2x32xi32, #tpu.memory_space<vmem>> -> memref<1x8xi32, #tpu.memory_space<vmem>>
    %dma_start3A_10 = tpu.memref_squeeze %dma_start3A_9 : memref<1x8xi32, #tpu.memory_space<vmem>> -> memref<8xi32, #tpu.memory_space<vmem>>
    %dma_start3A_11 = tpu.memref_slice %arg2[%dma_start3A_6, %mul3A_2] : memref<4x8192xi32, #tpu.memory_space<hbm>> -> memref<1x8xi32, #tpu.memory_space<hbm>>
    %dma_start3A_12 = tpu.memref_squeeze %dma_start3A_11 : memref<1x8xi32, #tpu.memory_space<hbm>> -> memref<8xi32, #tpu.memory_space<hbm>>
    %dma_start3A_13 = arith.constant 0 : i32
    %dma_start3A_14 = tpu.memref_slice %arg6[%dma_start3A_7, %dma_start3A_13] : memref<2x32xi32, #tpu.memory_space<vmem>> -> memref<1x8xi32, #tpu.memory_space<vmem>>
    %dma_start3A_15 = tpu.memref_squeeze %dma_start3A_14 : memref<1x8xi32, #tpu.memory_space<vmem>> -> memref<8xi32, #tpu.memory_space<vmem>>
    %dma_start3A_16 = tpu.memref_slice %arg2[%dma_start3A_6, %mul3A_2] : memref<4x8192xi32, #tpu.memory_space<hbm>> -> memref<1x8xi32, #tpu.memory_space<hbm>>
    %dma_start3A_17 = tpu.memref_squeeze %dma_start3A_16 : memref<1x8xi32, #tpu.memory_space<hbm>> -> memref<8xi32, #tpu.memory_space<hbm>>
    tpu.enqueue_dma source(%dma_start3A_17 : memref<8xi32, #tpu.memory_space<hbm>>) target(%dma_start3A_15 : memref<8xi32, #tpu.memory_space<vmem>>) target_semaphore(%arg17 : memref<!tpu.dma_semaphore, #tpu.memory_space<semaphore_mem>>)
    %dma_start3A_18 = arith.constant 1 : i32
    %dma_start3A_19 = arith.constant 0 : i32
    %dma_start3A_20 = arith.constant 8 : i32
    %dma_start3A_21 = tpu.memref_slice %arg6[%dma_start3A_19, %dma_start3A_20] : memref<2x32xi32, #tpu.memory_space<vmem>> -> memref<1x8xi32, #tpu.memory_space<vmem>>
    %dma_start3A_22 = tpu.memref_squeeze %dma_start3A_21 : memref<1x8xi32, #tpu.memory_space<vmem>> -> memref<8xi32, #tpu.memory_space<vmem>>
    %dma_start3A_23 = tpu.memref_slice %arg2[%dma_start3A_18, %mul3A_2] : memref<4x8192xi32, #tpu.memory_space<hbm>> -> memref<1x8xi32, #tpu.memory_space<hbm>>
    %dma_start3A_24 = tpu.memref_squeeze %dma_start3A_23 : memref<1x8xi32, #tpu.memory_space<hbm>> -> memref<8xi32, #tpu.memory_space<hbm>>
    %dma_start3A_25 = arith.constant 8 : i32
    %dma_start3A_26 = tpu.memref_slice %arg6[%dma_start3A_19, %dma_start3A_25] : memref<2x32xi32, #tpu.memory_space<vmem>> -> memref<1x8xi32, #tpu.memory_space<vmem>>
    %dma_start3A_27 = tpu.memref_squeeze %dma_start3A_26 : memref<1x8xi32, #tpu.memory_space<vmem>> -> memref<8xi32, #tpu.memory_space<vmem>>
    %dma_start3A_28 = tpu.memref_slice %arg2[%dma_start3A_18, %mul3A_2] : memref<4x8192xi32, #tpu.memory_space<hbm>> -> memref<1x8xi32, #tpu.memory_space<hbm>>
    %dma_start3A_29 = tpu.memref_squeeze %dma_start3A_28 : memref<1x8xi32, #tpu.memory_space<hbm>> -> memref<8xi32, #tpu.memory_space<hbm>>
    tpu.enqueue_dma source(%dma_start3A_29 : memref<8xi32, #tpu.memory_space<hbm>>) target(%dma_start3A_27 : memref<8xi32, #tpu.memory_space<vmem>>) target_semaphore(%arg17 : memref<!tpu.dma_semaphore, #tpu.memory_space<semaphore_mem>>)
    %dma_start3A_30 = arith.constant 2 : i32
    %dma_start3A_31 = arith.constant 0 : i32
    %dma_start3A_32 = arith.constant 16 : i32
    %dma_start3A_33 = tpu.memref_slice %arg6[%dma_start3A_31, %dma_start3A_32] : memref<2x32xi32, #tpu.memory_space<vmem>> -> memref<1x8xi32, #tpu.memory_space<vmem>>
    %dma_start3A_34 = tpu.memref_squeeze %dma_start3A_33 : memref<1x8xi32, #tpu.memory_space<vmem>> -> memref<8xi32, #tpu.memory_space<vmem>>
    %dma_start3A_35 = tpu.memref_slice %arg2[%dma_start3A_30, %mul3A_2] : memref<4x8192xi32, #tpu.memory_space<hbm>> -> memref<1x8xi32, #tpu.memory_space<hbm>>
    %dma_start3A_36 = tpu.memref_squeeze %dma_start3A_35 : memref<1x8xi32, #tpu.memory_space<hbm>> -> memref<8xi32, #tpu.memory_space<hbm>>
    %dma_start3A_37 = arith.constant 16 : i32
    %dma_start3A_38 = tpu.memref_slice %arg6[%dma_start3A_31, %dma_start3A_37] : memref<2x32xi32, #tpu.memory_space<vmem>> -> memref<1x8xi32, #tpu.memory_space<vmem>>
    %dma_start3A_39 = tpu.memref_squeeze %dma_start3A_38 : memref<1x8xi32, #tpu.memory_space<vmem>> -> memref<8xi32, #tpu.memory_space<vmem>>
    %dma_start3A_40 = tpu.memref_slice %arg2[%dma_start3A_30, %mul3A_2] : memref<4x8192xi32, #tpu.memory_space<hbm>> -> memref<1x8xi32, #tpu.memory_space<hbm>>
    %dma_start3A_41 = tpu.memref_squeeze %dma_start3A_40 : memref<1x8xi32, #tpu.memory_space<hbm>> -> memref<8xi32, #tpu.memory_space<hbm>>
    tpu.enqueue_dma source(%dma_start3A_41 : memref<8xi32, #tpu.memory_space<hbm>>) target(%dma_start3A_39 : memref<8xi32, #tpu.memory_space<vmem>>) target_semaphore(%arg17 : memref<!tpu.dma_semaphore, #tpu.memory_space<semaphore_mem>>)
    %dma_start3A_42 = arith.constant 3 : i32
    %dma_start3A_43 = arith.constant 0 : i32
    %dma_start3A_44 = arith.constant 24 : i32
    %dma_start3A_45 = tpu.memref_slice %arg6[%dma_start3A_43, %dma_start3A_44] : memref<2x32xi32, #tpu.memory_space<vmem>> -> memref<1x8xi32, #tpu.memory_space<vmem>>
    %dma_start3A_46 = tpu.memref_squeeze %dma_start3A_45 : memref<1x8xi32, #tpu.memory_space<vmem>> -> memref<8xi32, #tpu.memory_space<vmem>>
    %dma_start3A_47 = tpu.memref_slice %arg2[%dma_start3A_42, %mul3A_2] : memref<4x8192xi32, #tpu.memory_space<hbm>> -> memref<1x8xi32, #tpu.memory_space<hbm>>
    %dma_start3A_48 = tpu.memref_squeeze %dma_start3A_47 : memref<1x8xi32, #tpu.memory_space<hbm>> -> memref<8xi32, #tpu.memory_space<hbm>>
    %dma_start3A_49 = arith.constant 24 : i32
    %dma_start3A_50 = tpu.memref_slice %arg6[%dma_start3A_43, %dma_start3A_49] : memref<2x32xi32, #tpu.memory_space<vmem>> -> memref<1x8xi32, #tpu.memory_space<vmem>>
    %dma_start3A_51 = tpu.memref_squeeze %dma_start3A_50 : memref<1x8xi32, #tpu.memory_space<vmem>> -> memref<8xi32, #tpu.memory_space<vmem>>
    %dma_start3A_52 = tpu.memref_slice %arg2[%dma_start3A_42, %mul3A_2] : memref<4x8192xi32, #tpu.memory_space<hbm>> -> memref<1x8xi32, #tpu.memory_space<hbm>>
    %dma_start3A_53 = tpu.memref_squeeze %dma_start3A_52 : memref<1x8xi32, #tpu.memory_space<hbm>> -> memref<8xi32, #tpu.memory_space<hbm>>
    tpu.enqueue_dma source(%dma_start3A_53 : memref<8xi32, #tpu.memory_space<hbm>>) target(%dma_start3A_51 : memref<8xi32, #tpu.memory_space<vmem>>) target_semaphore(%arg17 : memref<!tpu.dma_semaphore, #tpu.memory_space<semaphore_mem>>)
    %add3A_54 = arith.constant 8 : i32
    %add3A_55 = arith.addi %mul3A_2, %add3A_54 : i32
    %dma_start3A_56 = arith.constant 0 : i32
    %dma_start3A_57 = tpu.memref_slice %arg4[%add3A_55, %dma_start3A_56] : memref<8192x1024xf32, #tpu.memory_space<hbm>> -> memref<8x1024xf32, #tpu.memory_space<hbm>>
    %dma_start3A_58 = arith.constant 0 : i32
    %dma_start3A_59 = tpu.memref_slice %arg4[%add3A_55, %dma_start3A_58] : memref<8192x1024xf32, #tpu.memory_space<hbm>> -> memref<8x1024xf32, #tpu.memory_space<hbm>>
    tpu.enqueue_dma source(%dma_start3A_59 : memref<8x1024xf32, #tpu.memory_space<hbm>>) target(%arg10 : memref<8x1024xf32, #tpu.memory_space<vmem>>) target_semaphore(%arg16 : memref<!tpu.dma_semaphore, #tpu.memory_space<semaphore_mem>>)
    %dma_start3A_60 = arith.constant 0 : i32
    %dma_start3A_61 = arith.constant 1 : i32
    %dma_start3A_62 = arith.constant 0 : i32
    %dma_start3A_63 = tpu.memref_slice %arg6[%dma_start3A_61, %dma_start3A_62] : memref<2x32xi32, #tpu.memory_space<vmem>> -> memref<1x8xi32, #tpu.memory_space<vmem>>
    %dma_start3A_64 = tpu.memref_squeeze %dma_start3A_63 : memref<1x8xi32, #tpu.memory_space<vmem>> -> memref<8xi32, #tpu.memory_space<vmem>>
    %dma_start3A_65 = tpu.memref_slice %arg2[%dma_start3A_60, %add3A_55] : memref<4x8192xi32, #tpu.memory_space<hbm>> -> memref<1x8xi32, #tpu.memory_space<hbm>>
    %dma_start3A_66 = tpu.memref_squeeze %dma_start3A_65 : memref<1x8xi32, #tpu.memory_space<hbm>> -> memref<8xi32, #tpu.memory_space<hbm>>
    %dma_start3A_67 = arith.constant 0 : i32
    %dma_start3A_68 = tpu.memref_slice %arg6[%dma_start3A_61, %dma_start3A_67] : memref<2x32xi32, #tpu.memory_space<vmem>> -> memref<1x8xi32, #tpu.memory_space<vmem>>
    %dma_start3A_69 = tpu.memref_squeeze %dma_start3A_68 : memref<1x8xi32, #tpu.memory_space<vmem>> -> memref<8xi32, #tpu.memory_space<vmem>>
    %dma_start3A_70 = tpu.memref_slice %arg2[%dma_start3A_60, %add3A_55] : memref<4x8192xi32, #tpu.memory_space<hbm>> -> memref<1x8xi32, #tpu.memory_space<hbm>>
    %dma_start3A_71 = tpu.memref_squeeze %dma_start3A_70 : memref<1x8xi32, #tpu.memory_space<hbm>> -> memref<8xi32, #tpu.memory_space<hbm>>
    tpu.enqueue_dma source(%dma_start3A_71 : memref<8xi32, #tpu.memory_space<hbm>>) target(%dma_start3A_69 : memref<8xi32, #tpu.memory_space<vmem>>) target_semaphore(%arg18 : memref<!tpu.dma_semaphore, #tpu.memory_space<semaphore_mem>>)
    %dma_start3A_72 = arith.constant 1 : i32
    %dma_start3A_73 = arith.constant 1 : i32
    %dma_start3A_74 = arith.constant 8 : i32
    %dma_start3A_75 = tpu.memref_slice %arg6[%dma_start3A_73, %dma_start3A_74] : memref<2x32xi32, #tpu.memory_space<vmem>> -> memref<1x8xi32, #tpu.memory_space<vmem>>
    %dma_start3A_76 = tpu.memref_squeeze %dma_start3A_75 : memref<1x8xi32, #tpu.memory_space<vmem>> -> memref<8xi32, #tpu.memory_space<vmem>>
    %dma_start3A_77 = tpu.memref_slice %arg2[%dma_start3A_72, %add3A_55] : memref<4x8192xi32, #tpu.memory_space<hbm>> -> memref<1x8xi32, #tpu.memory_space<hbm>>
    %dma_start3A_78 = tpu.memref_squeeze %dma_start3A_77 : memref<1x8xi32, #tpu.memory_space<hbm>> -> memref<8xi32, #tpu.memory_space<hbm>>
    %dma_start3A_79 = arith.constant 8 : i32
    %dma_start3A_80 = tpu.memref_slice %arg6[%dma_start3A_73, %dma_start3A_79] : memref<2x32xi32, #tpu.memory_space<vmem>> -> memref<1x8xi32, #tpu.memory_space<vmem>>
    %dma_start3A_81 = tpu.memref_squeeze %dma_start3A_80 : memref<1x8xi32, #tpu.memory_space<vmem>> -> memref<8xi32, #tpu.memory_space<vmem>>
    %dma_start3A_82 = tpu.memref_slice %arg2[%dma_start3A_72, %add3A_55] : memref<4x8192xi32, #tpu.memory_space<hbm>> -> memref<1x8xi32, #tpu.memory_space<hbm>>
    %dma_start3A_83 = tpu.memref_squeeze %dma_start3A_82 : memref<1x8xi32, #tpu.memory_space<hbm>> -> memref<8xi32, #tpu.memory_space<hbm>>
    tpu.enqueue_dma source(%dma_start3A_83 : memref<8xi32, #tpu.memory_space<hbm>>) target(%dma_start3A_81 : memref<8xi32, #tpu.memory_space<vmem>>) target_semaphore(%arg18 : memref<!tpu.dma_semaphore, #tpu.memory_space<semaphore_mem>>)
    %dma_start3A_84 = arith.constant 2 : i32
    %dma_start3A_85 = arith.constant 1 : i32
    %dma_start3A_86 = arith.constant 16 : i32
    %dma_start3A_87 = tpu.memref_slice %arg6[%dma_start3A_85, %dma_start3A_86] : memref<2x32xi32, #tpu.memory_space<vmem>> -> memref<1x8xi32, #tpu.memory_space<vmem>>
    %dma_start3A_88 = tpu.memref_squeeze %dma_start3A_87 : memref<1x8xi32, #tpu.memory_space<vmem>> -> memref<8xi32, #tpu.memory_space<vmem>>
    %dma_start3A_89 = tpu.memref_slice %arg2[%dma_start3A_84, %add3A_55] : memref<4x8192xi32, #tpu.memory_space<hbm>> -> memref<1x8xi32, #tpu.memory_space<hbm>>
    %dma_start3A_90 = tpu.memref_squeeze %dma_start3A_89 : memref<1x8xi32, #tpu.memory_space<hbm>> -> memref<8xi32, #tpu.memory_space<hbm>>
    %dma_start3A_91 = arith.constant 16 : i32
    %dma_start3A_92 = tpu.memref_slice %arg6[%dma_start3A_85, %dma_start3A_91] : memref<2x32xi32, #tpu.memory_space<vmem>> -> memref<1x8xi32, #tpu.memory_space<vmem>>
    %dma_start3A_93 = tpu.memref_squeeze %dma_start3A_92 : memref<1x8xi32, #tpu.memory_space<vmem>> -> memref<8xi32, #tpu.memory_space<vmem>>
    %dma_start3A_94 = tpu.memref_slice %arg2[%dma_start3A_84, %add3A_55] : memref<4x8192xi32, #tpu.memory_space<hbm>> -> memref<1x8xi32, #tpu.memory_space<hbm>>
    %dma_start3A_95 = tpu.memref_squeeze %dma_start3A_94 : memref<1x8xi32, #tpu.memory_space<hbm>> -> memref<8xi32, #tpu.memory_space<hbm>>
    tpu.enqueue_dma source(%dma_start3A_95 : memref<8xi32, #tpu.memory_space<hbm>>) target(%dma_start3A_93 : memref<8xi32, #tpu.memory_space<vmem>>) target_semaphore(%arg18 : memref<!tpu.dma_semaphore, #tpu.memory_space<semaphore_mem>>)
    %dma_start3A_96 = arith.constant 3 : i32
    %dma_start3A_97 = arith.constant 1 : i32
    %dma_start3A_98 = arith.constant 24 : i32
    %dma_start3A_99 = tpu.memref_slice %arg6[%dma_start3A_97, %dma_start3A_98] : memref<2x32xi32, #tpu.memory_space<vmem>> -> memref<1x8xi32, #tpu.memory_space<vmem>>
    %dma_start3A_100 = tpu.memref_squeeze %dma_start3A_99 : memref<1x8xi32, #tpu.memory_space<vmem>> -> memref<8xi32, #tpu.memory_space<vmem>>
    %dma_start3A_101 = tpu.memref_slice %arg2[%dma_start3A_96, %add3A_55] : memref<4x8192xi32, #tpu.memory_space<hbm>> -> memref<1x8xi32, #tpu.memory_space<hbm>>
    %dma_start3A_102 = tpu.memref_squeeze %dma_start3A_101 : memref<1x8xi32, #tpu.memory_space<hbm>> -> memref<8xi32, #tpu.memory_space<hbm>>
    %dma_start3A_103 = arith.constant 24 : i32
    %dma_start3A_104 = tpu.memref_slice %arg6[%dma_start3A_97, %dma_start3A_103] : memref<2x32xi32, #tpu.memory_space<vmem>> -> memref<1x8xi32, #tpu.memory_space<vmem>>
    %dma_start3A_105 = tpu.memref_squeeze %dma_start3A_104 : memref<1x8xi32, #tpu.memory_space<vmem>> -> memref<8xi32, #tpu.memory_space<vmem>>
    %dma_start3A_106 = tpu.memref_slice %arg2[%dma_start3A_96, %add3A_55] : memref<4x8192xi32, #tpu.memory_space<hbm>> -> memref<1x8xi32, #tpu.memory_space<hbm>>
    %dma_start3A_107 = tpu.memref_squeeze %dma_start3A_106 : memref<1x8xi32, #tpu.memory_space<hbm>> -> memref<8xi32, #tpu.memory_space<hbm>>
    tpu.enqueue_dma source(%dma_start3A_107 : memref<8xi32, #tpu.memory_space<hbm>>) target(%dma_start3A_105 : memref<8xi32, #tpu.memory_space<vmem>>) target_semaphore(%arg18 : memref<!tpu.dma_semaphore, #tpu.memory_space<semaphore_mem>>)
    %dma_wait3A = arith.constant 0 : i32
    %dma_wait3A_108 = arith.constant 0 : i32
    %dma_wait3A_109 = arith.constant 0 : i32
    %dma_wait3A_110 = tpu.memref_slice %arg6[%dma_wait3A_108, %dma_wait3A_109] : memref<2x32xi32, #tpu.memory_space<vmem>> -> memref<1x8xi32, #tpu.memory_space<vmem>>
    %dma_wait3A_111 = tpu.memref_squeeze %dma_wait3A_110 : memref<1x8xi32, #tpu.memory_space<vmem>> -> memref<8xi32, #tpu.memory_space<vmem>>
    %dma_wait3A_112 = arith.constant 0 : i32
    %dma_wait3A_113 = tpu.memref_slice %arg2[%dma_wait3A, %dma_wait3A_112] : memref<4x8192xi32, #tpu.memory_space<hbm>> -> memref<1x8xi32, #tpu.memory_space<hbm>>
    %dma_wait3A_114 = tpu.memref_squeeze %dma_wait3A_113 : memref<1x8xi32, #tpu.memory_space<hbm>> -> memref<8xi32, #tpu.memory_space<hbm>>
    %dma_wait3A_115 = arith.constant 0 : i32
    %dma_wait3A_116 = tpu.memref_slice %arg6[%dma_wait3A_108, %dma_wait3A_115] : memref<2x32xi32, #tpu.memory_space<vmem>> -> memref<1x8xi32, #tpu.memory_space<vmem>>
    %dma_wait3A_117 = tpu.memref_squeeze %dma_wait3A_116 : memref<1x8xi32, #tpu.memory_space<vmem>> -> memref<8xi32, #tpu.memory_space<vmem>>
    %dma_wait3A_118 = arith.constant 0 : i32
    %dma_wait3A_119 = tpu.memref_slice %arg2[%dma_wait3A, %dma_wait3A_118] : memref<4x8192xi32, #tpu.memory_space<hbm>> -> memref<1x8xi32, #tpu.memory_space<hbm>>
    %dma_wait3A_120 = tpu.memref_squeeze %dma_wait3A_119 : memref<1x8xi32, #tpu.memory_space<hbm>> -> memref<8xi32, #tpu.memory_space<hbm>>
    tpu.wait_dma2 semaphore(%arg17 : memref<!tpu.dma_semaphore, #tpu.memory_space<semaphore_mem>>) src(%dma_wait3A_120 : memref<8xi32, #tpu.memory_space<hbm>>) dst(%dma_wait3A_117 : memref<8xi32, #tpu.memory_space<vmem>>)
    %dma_wait3A_121 = arith.constant 0 : i32
    %dma_wait3A_122 = arith.constant 0 : i32
    %dma_wait3A_123 = arith.constant 8 : i32
    %dma_wait3A_124 = tpu.memref_slice %arg6[%dma_wait3A_122, %dma_wait3A_123] : memref<2x32xi32, #tpu.memory_space<vmem>> -> memref<1x8xi32, #tpu.memory_space<vmem>>
    %dma_wait3A_125 = tpu.memref_squeeze %dma_wait3A_124 : memref<1x8xi32, #tpu.memory_space<vmem>> -> memref<8xi32, #tpu.memory_space<vmem>>
    %dma_wait3A_126 = arith.constant 0 : i32
    %dma_wait3A_127 = tpu.memref_slice %arg2[%dma_wait3A_121, %dma_wait3A_126] : memref<4x8192xi32, #tpu.memory_space<hbm>> -> memref<1x8xi32, #tpu.memory_space<hbm>>
    %dma_wait3A_128 = tpu.memref_squeeze %dma_wait3A_127 : memref<1x8xi32, #tpu.memory_space<hbm>> -> memref<8xi32, #tpu.memory_space<hbm>>
    %dma_wait3A_129 = arith.constant 8 : i32
    %dma_wait3A_130 = tpu.memref_slice %arg6[%dma_wait3A_122, %dma_wait3A_129] : memref<2x32xi32, #tpu.memory_space<vmem>> -> memref<1x8xi32, #tpu.memory_space<vmem>>
    %dma_wait3A_131 = tpu.memref_squeeze %dma_wait3A_130 : memref<1x8xi32, #tpu.memory_space<vmem>> -> memref<8xi32, #tpu.memory_space<vmem>>
    %dma_wait3A_132 = arith.constant 0 : i32
    %dma_wait3A_133 = tpu.memref_slice %arg2[%dma_wait3A_121, %dma_wait3A_132] : memref<4x8192xi32, #tpu.memory_space<hbm>> -> memref<1x8xi32, #tpu.memory_space<hbm>>
    %dma_wait3A_134 = tpu.memref_squeeze %dma_wait3A_133 : memref<1x8xi32, #tpu.memory_space<hbm>> -> memref<8xi32, #tpu.memory_space<hbm>>
    tpu.wait_dma2 semaphore(%arg17 : memref<!tpu.dma_semaphore, #tpu.memory_space<semaphore_mem>>) src(%dma_wait3A_134 : memref<8xi32, #tpu.memory_space<hbm>>) dst(%dma_wait3A_131 : memref<8xi32, #tpu.memory_space<vmem>>)
    %dma_wait3A_135 = arith.constant 0 : i32
    %dma_wait3A_136 = arith.constant 0 : i32
    %dma_wait3A_137 = arith.constant 16 : i32
    %dma_wait3A_138 = tpu.memref_slice %arg6[%dma_wait3A_136, %dma_wait3A_137] : memref<2x32xi32, #tpu.memory_space<vmem>> -> memref<1x8xi32, #tpu.memory_space<vmem>>
    %dma_wait3A_139 = tpu.memref_squeeze %dma_wait3A_138 : memref<1x8xi32, #tpu.memory_space<vmem>> -> memref<8xi32, #tpu.memory_space<vmem>>
    %dma_wait3A_140 = arith.constant 0 : i32
    %dma_wait3A_141 = tpu.memref_slice %arg2[%dma_wait3A_135, %dma_wait3A_140] : memref<4x8192xi32, #tpu.memory_space<hbm>> -> memref<1x8xi32, #tpu.memory_space<hbm>>
    %dma_wait3A_142 = tpu.memref_squeeze %dma_wait3A_141 : memref<1x8xi32, #tpu.memory_space<hbm>> -> memref<8xi32, #tpu.memory_space<hbm>>
    %dma_wait3A_143 = arith.constant 16 : i32
    %dma_wait3A_144 = tpu.memref_slice %arg6[%dma_wait3A_136, %dma_wait3A_143] : memref<2x32xi32, #tpu.memory_space<vmem>> -> memref<1x8xi32, #tpu.memory_space<vmem>>
    %dma_wait3A_145 = tpu.memref_squeeze %dma_wait3A_144 : memref<1x8xi32, #tpu.memory_space<vmem>> -> memref<8xi32, #tpu.memory_space<vmem>>
    %dma_wait3A_146 = arith.constant 0 : i32
    %dma_wait3A_147 = tpu.memref_slice %arg2[%dma_wait3A_135, %dma_wait3A_146] : memref<4x8192xi32, #tpu.memory_space<hbm>> -> memref<1x8xi32, #tpu.memory_space<hbm>>
    %dma_wait3A_148 = tpu.memref_squeeze %dma_wait3A_147 : memref<1x8xi32, #tpu.memory_space<hbm>> -> memref<8xi32, #tpu.memory_space<hbm>>
    tpu.wait_dma2 semaphore(%arg17 : memref<!tpu.dma_semaphore, #tpu.memory_space<semaphore_mem>>) src(%dma_wait3A_148 : memref<8xi32, #tpu.memory_space<hbm>>) dst(%dma_wait3A_145 : memref<8xi32, #tpu.memory_space<vmem>>)
    %dma_wait3A_149 = arith.constant 0 : i32
    %dma_wait3A_150 = arith.constant 0 : i32
    %dma_wait3A_151 = arith.constant 24 : i32
    %dma_wait3A_152 = tpu.memref_slice %arg6[%dma_wait3A_150, %dma_wait3A_151] : memref<2x32xi32, #tpu.memory_space<vmem>> -> memref<1x8xi32, #tpu.memory_space<vmem>>
    %dma_wait3A_153 = tpu.memref_squeeze %dma_wait3A_152 : memref<1x8xi32, #tpu.memory_space<vmem>> -> memref<8xi32, #tpu.memory_space<vmem>>
    %dma_wait3A_154 = arith.constant 0 : i32
    %dma_wait3A_155 = tpu.memref_slice %arg2[%dma_wait3A_149, %dma_wait3A_154] : memref<4x8192xi32, #tpu.memory_space<hbm>> -> memref<1x8xi32, #tpu.memory_space<hbm>>
    %dma_wait3A_156 = tpu.memref_squeeze %dma_wait3A_155 : memref<1x8xi32, #tpu.memory_space<hbm>> -> memref<8xi32, #tpu.memory_space<hbm>>
    %dma_wait3A_157 = arith.constant 24 : i32
    %dma_wait3A_158 = tpu.memref_slice %arg6[%dma_wait3A_150, %dma_wait3A_157] : memref<2x32xi32, #tpu.memory_space<vmem>> -> memref<1x8xi32, #tpu.memory_space<vmem>>
    %dma_wait3A_159 = tpu.memref_squeeze %dma_wait3A_158 : memref<1x8xi32, #tpu.memory_space<vmem>> -> memref<8xi32, #tpu.memory_space<vmem>>
    %dma_wait3A_160 = arith.constant 0 : i32
    %dma_wait3A_161 = tpu.memref_slice %arg2[%dma_wait3A_149, %dma_wait3A_160] : memref<4x8192xi32, #tpu.memory_space<hbm>> -> memref<1x8xi32, #tpu.memory_space<hbm>>
    %dma_wait3A_162 = tpu.memref_squeeze %dma_wait3A_161 : memref<1x8xi32, #tpu.memory_space<hbm>> -> memref<8xi32, #tpu.memory_space<hbm>>
    tpu.wait_dma2 semaphore(%arg17 : memref<!tpu.dma_semaphore, #tpu.memory_space<semaphore_mem>>) src(%dma_wait3A_162 : memref<8xi32, #tpu.memory_space<hbm>>) dst(%dma_wait3A_159 : memref<8xi32, #tpu.memory_space<vmem>>)
    %dma_start3A_163 = arith.constant 0 : i32
    %dma_start3A_164 = arith.constant 0 : i32
    %dma_start3A_165 = tpu.memref_slice %arg6[%dma_start3A_163, %dma_start3A_164] : memref<2x32xi32, #tpu.memory_space<vmem>> -> memref<1x32xi32, #tpu.memory_space<vmem>>
    %dma_start3A_166 = tpu.memref_squeeze %dma_start3A_165 : memref<1x32xi32, #tpu.memory_space<vmem>> -> memref<32xi32, #tpu.memory_space<vmem>>
    %dma_start3A_167 = arith.constant 0 : i32
    %dma_start3A_168 = arith.constant 0 : i32
    %dma_start3A_169 = tpu.memref_slice %arg3[%dma_start3A_167, %dma_start3A_168] : memref<50257x1024xf32, #tpu.memory_space<hbm>> -> memref<50257x1024xf32, #tpu.memory_space<hbm>>
    tpu.enqueue_indirect_dma source(%dma_start3A_169 : memref<50257x1024xf32, #tpu.memory_space<hbm>>) target(%arg7 : memref<32x1024xf32, #tpu.memory_space<vmem>>) offsets(%dma_start3A_166 : memref<32xi32, #tpu.memory_space<vmem>>) semaphore(%arg11 : memref<!tpu.dma_semaphore, #tpu.memory_space<semaphore_mem>>)
    %scan3A = arith.constant 0 : i32
    %scan3A_170 = arith.constant 0 : i32
    %scan3A_171 = arith.constant 16 : i32
    %scan3A_172 = arith.addi %scan3A_170, %scan3A_171 : i32
    %scan3A_173 = arith.constant 1 : i32
    scf.for %scan3A_235 = %scan3A_170 to %scan3A_172 step %scan3A_173  : i32 {
      %mul3A_236 = arith.constant 2 : i32
      %mul3A_237 = arith.muli %mul3A_236, %scan3A_235 : i32
      %add3A_238 = arith.constant 0 : i32
      %add3A_239 = arith.addi %mul3A_237, %add3A_238 : i32
      %mul3A_240 = arith.constant 8 : i32
      %mul3A_241 = arith.muli %add3A_239, %mul3A_240 : i32
      %add3A_242 = arith.addi %mul3A_2, %mul3A_241 : i32
      %dma_wait3A_243 = arith.constant 0 : i32
      %dma_wait3A_244 = arith.constant 0 : i32
      %dma_wait3A_245 = tpu.memref_slice %arg6[%dma_wait3A_243, %dma_wait3A_244] : memref<2x32xi32, #tpu.memory_space<vmem>> -> memref<1x32xi32, #tpu.memory_space<vmem>>
      %dma_wait3A_246 = tpu.memref_squeeze %dma_wait3A_245 : memref<1x32xi32, #tpu.memory_space<vmem>> -> memref<32xi32, #tpu.memory_space<vmem>>
      %dma_wait3A_247 = arith.constant 0 : i32
      %dma_wait3A_248 = arith.constant 0 : i32
      %dma_wait3A_249 = tpu.memref_slice %arg3[%dma_wait3A_247, %dma_wait3A_248] : memref<50257x1024xf32, #tpu.memory_space<hbm>> -> memref<50257x1024xf32, #tpu.memory_space<hbm>>
      tpu.wait_indirect_dma semaphore(%arg11 : memref<!tpu.dma_semaphore, #tpu.memory_space<semaphore_mem>>) src(%dma_wait3A_249 : memref<50257x1024xf32, #tpu.memory_space<hbm>>) dst(%arg7 : memref<32x1024xf32, #tpu.memory_space<vmem>>)
      %dma_wait3A_250 = arith.constant 0 : i32
      %dma_wait3A_251 = arith.constant 0 : i32
      %dma_wait3A_252 = tpu.memref_slice %arg4[%dma_wait3A_250, %dma_wait3A_251] : memref<8192x1024xf32, #tpu.memory_space<hbm>> -> memref<8x1024xf32, #tpu.memory_space<hbm>>
      %dma_wait3A_253 = arith.constant 0 : i32
      %dma_wait3A_254 = arith.constant 0 : i32
      %dma_wait3A_255 = tpu.memref_slice %arg4[%dma_wait3A_253, %dma_wait3A_254] : memref<8192x1024xf32, #tpu.memory_space<hbm>> -> memref<8x1024xf32, #tpu.memory_space<hbm>>
      tpu.wait_dma2 semaphore(%arg15 : memref<!tpu.dma_semaphore, #tpu.memory_space<semaphore_mem>>) src(%dma_wait3A_255 : memref<8x1024xf32, #tpu.memory_space<hbm>>) dst(%arg9 : memref<8x1024xf32, #tpu.memory_space<vmem>>)
      %gt3A = arith.constant 0 : i32
      %gt3A_256 = arith.cmpi sgt, %scan3A_235, %gt3A : i32
      %convert_element_type3A = arith.extui %gt3A_256 : i1 to i32
      %cond3A = arith.constant 0 : i32
      %cond3A_257 = arith.cmpi ne, %convert_element_type3A, %cond3A : i32
      scf.if %cond3A_257 {
        %dma_wait3A_524 = arith.constant 0 : i32
        %dma_wait3A_525 = arith.constant 0 : i32
        %dma_wait3A_526 = arith.constant 0 : i32
        %dma_wait3A_527 = tpu.memref_slice %arg8[%dma_wait3A_525, %dma_wait3A_526] : memref<32x1024xf32, #tpu.memory_space<vmem>> -> memref<8x1024xf32, #tpu.memory_space<vmem>>
        %dma_wait3A_528 = arith.constant 0 : i32
        %dma_wait3A_529 = arith.constant 0 : i32
        %dma_wait3A_530 = tpu.memref_slice %arg5[%dma_wait3A_524, %dma_wait3A_528, %dma_wait3A_529] : memref<4x8192x1024xf32, #tpu.memory_space<hbm>> -> memref<1x8x1024xf32, #tpu.memory_space<hbm>>
        %dma_wait3A_531 = tpu.memref_squeeze %dma_wait3A_530 : memref<1x8x1024xf32, #tpu.memory_space<hbm>> -> memref<8x1024xf32, #tpu.memory_space<hbm>>
        %dma_wait3A_532 = arith.constant 0 : i32
        %dma_wait3A_533 = arith.constant 0 : i32
        %dma_wait3A_534 = tpu.memref_slice %arg5[%dma_wait3A_524, %dma_wait3A_532, %dma_wait3A_533] : memref<4x8192x1024xf32, #tpu.memory_space<hbm>> -> memref<1x8x1024xf32, #tpu.memory_space<hbm>>
        %dma_wait3A_535 = tpu.memref_squeeze %dma_wait3A_534 : memref<1x8x1024xf32, #tpu.memory_space<hbm>> -> memref<8x1024xf32, #tpu.memory_space<hbm>>
        %dma_wait3A_536 = arith.constant 0 : i32
        %dma_wait3A_537 = arith.constant 0 : i32
        %dma_wait3A_538 = tpu.memref_slice %arg8[%dma_wait3A_536, %dma_wait3A_537] : memref<32x1024xf32, #tpu.memory_space<vmem>> -> memref<8x1024xf32, #tpu.memory_space<vmem>>
        tpu.wait_dma2 semaphore(%arg14 : memref<!tpu.dma_semaphore, #tpu.memory_space<semaphore_mem>>) src(%dma_wait3A_538 : memref<8x1024xf32, #tpu.memory_space<vmem>>) dst(%dma_wait3A_535 : memref<8x1024xf32, #tpu.memory_space<hbm>>)
        %dma_wait3A_539 = arith.constant 0 : i32
        %dma_wait3A_540 = arith.constant 8 : i32
        %dma_wait3A_541 = arith.constant 0 : i32
        %dma_wait3A_542 = tpu.memref_slice %arg8[%dma_wait3A_540, %dma_wait3A_541] : memref<32x1024xf32, #tpu.memory_space<vmem>> -> memref<8x1024xf32, #tpu.memory_space<vmem>>
        %dma_wait3A_543 = arith.constant 0 : i32
        %dma_wait3A_544 = arith.constant 0 : i32
        %dma_wait3A_545 = tpu.memref_slice %arg5[%dma_wait3A_539, %dma_wait3A_543, %dma_wait3A_544] : memref<4x8192x1024xf32, #tpu.memory_space<hbm>> -> memref<1x8x1024xf32, #tpu.memory_space<hbm>>
        %dma_wait3A_546 = tpu.memref_squeeze %dma_wait3A_545 : memref<1x8x1024xf32, #tpu.memory_space<hbm>> -> memref<8x1024xf32, #tpu.memory_space<hbm>>
        %dma_wait3A_547 = arith.constant 0 : i32
        %dma_wait3A_548 = arith.constant 0 : i32
        %dma_wait3A_549 = tpu.memref_slice %arg5[%dma_wait3A_539, %dma_wait3A_547, %dma_wait3A_548] : memref<4x8192x1024xf32, #tpu.memory_space<hbm>> -> memref<1x8x1024xf32, #tpu.memory_space<hbm>>
        %dma_wait3A_550 = tpu.memref_squeeze %dma_wait3A_549 : memref<1x8x1024xf32, #tpu.memory_space<hbm>> -> memref<8x1024xf32, #tpu.memory_space<hbm>>
        %dma_wait3A_551 = arith.constant 8 : i32
        %dma_wait3A_552 = arith.constant 0 : i32
        %dma_wait3A_553 = tpu.memref_slice %arg8[%dma_wait3A_551, %dma_wait3A_552] : memref<32x1024xf32, #tpu.memory_space<vmem>> -> memref<8x1024xf32, #tpu.memory_space<vmem>>
        tpu.wait_dma2 semaphore(%arg14 : memref<!tpu.dma_semaphore, #tpu.memory_space<semaphore_mem>>) src(%dma_wait3A_553 : memref<8x1024xf32, #tpu.memory_space<vmem>>) dst(%dma_wait3A_550 : memref<8x1024xf32, #tpu.memory_space<hbm>>)
        %dma_wait3A_554 = arith.constant 0 : i32
        %dma_wait3A_555 = arith.constant 16 : i32
        %dma_wait3A_556 = arith.constant 0 : i32
        %dma_wait3A_557 = tpu.memref_slice %arg8[%dma_wait3A_555, %dma_wait3A_556] : memref<32x1024xf32, #tpu.memory_space<vmem>> -> memref<8x1024xf32, #tpu.memory_space<vmem>>
        %dma_wait3A_558 = arith.constant 0 : i32
        %dma_wait3A_559 = arith.constant 0 : i32
        %dma_wait3A_560 = tpu.memref_slice %arg5[%dma_wait3A_554, %dma_wait3A_558, %dma_wait3A_559] : memref<4x8192x1024xf32, #tpu.memory_space<hbm>> -> memref<1x8x1024xf32, #tpu.memory_space<hbm>>
        %dma_wait3A_561 = tpu.memref_squeeze %dma_wait3A_560 : memref<1x8x1024xf32, #tpu.memory_space<hbm>> -> memref<8x1024xf32, #tpu.memory_space<hbm>>
        %dma_wait3A_562 = arith.constant 0 : i32
        %dma_wait3A_563 = arith.constant 0 : i32
        %dma_wait3A_564 = tpu.memref_slice %arg5[%dma_wait3A_554, %dma_wait3A_562, %dma_wait3A_563] : memref<4x8192x1024xf32, #tpu.memory_space<hbm>> -> memref<1x8x1024xf32, #tpu.memory_space<hbm>>
        %dma_wait3A_565 = tpu.memref_squeeze %dma_wait3A_564 : memref<1x8x1024xf32, #tpu.memory_space<hbm>> -> memref<8x1024xf32, #tpu.memory_space<hbm>>
        %dma_wait3A_566 = arith.constant 16 : i32
        %dma_wait3A_567 = arith.constant 0 : i32
        %dma_wait3A_568 = tpu.memref_slice %arg8[%dma_wait3A_566, %dma_wait3A_567] : memref<32x1024xf32, #tpu.memory_space<vmem>> -> memref<8x1024xf32, #tpu.memory_space<vmem>>
        tpu.wait_dma2 semaphore(%arg14 : memref<!tpu.dma_semaphore, #tpu.memory_space<semaphore_mem>>) src(%dma_wait3A_568 : memref<8x1024xf32, #tpu.memory_space<vmem>>) dst(%dma_wait3A_565 : memref<8x1024xf32, #tpu.memory_space<hbm>>)
        %dma_wait3A_569 = arith.constant 0 : i32
        %dma_wait3A_570 = arith.constant 24 : i32
        %dma_wait3A_571 = arith.constant 0 : i32
        %dma_wait3A_572 = tpu.memref_slice %arg8[%dma_wait3A_570, %dma_wait3A_571] : memref<32x1024xf32, #tpu.memory_space<vmem>> -> memref<8x1024xf32, #tpu.memory_space<vmem>>
        %dma_wait3A_573 = arith.constant 0 : i32
        %dma_wait3A_574 = arith.constant 0 : i32
        %dma_wait3A_575 = tpu.memref_slice %arg5[%dma_wait3A_569, %dma_wait3A_573, %dma_wait3A_574] : memref<4x8192x1024xf32, #tpu.memory_space<hbm>> -> memref<1x8x1024xf32, #tpu.memory_space<hbm>>
        %dma_wait3A_576 = tpu.memref_squeeze %dma_wait3A_575 : memref<1x8x1024xf32, #tpu.memory_space<hbm>> -> memref<8x1024xf32, #tpu.memory_space<hbm>>
        %dma_wait3A_577 = arith.constant 0 : i32
        %dma_wait3A_578 = arith.constant 0 : i32
        %dma_wait3A_579 = tpu.memref_slice %arg5[%dma_wait3A_569, %dma_wait3A_577, %dma_wait3A_578] : memref<4x8192x1024xf32, #tpu.memory_space<hbm>> -> memref<1x8x1024xf32, #tpu.memory_space<hbm>>
        %dma_wait3A_580 = tpu.memref_squeeze %dma_wait3A_579 : memref<1x8x1024xf32, #tpu.memory_space<hbm>> -> memref<8x1024xf32, #tpu.memory_space<hbm>>
        %dma_wait3A_581 = arith.constant 24 : i32
        %dma_wait3A_582 = arith.constant 0 : i32
        %dma_wait3A_583 = tpu.memref_slice %arg8[%dma_wait3A_581, %dma_wait3A_582] : memref<32x1024xf32, #tpu.memory_space<vmem>> -> memref<8x1024xf32, #tpu.memory_space<vmem>>
        tpu.wait_dma2 semaphore(%arg14 : memref<!tpu.dma_semaphore, #tpu.memory_space<semaphore_mem>>) src(%dma_wait3A_583 : memref<8x1024xf32, #tpu.memory_space<vmem>>) dst(%dma_wait3A_580 : memref<8x1024xf32, #tpu.memory_space<hbm>>)
      } else {
      }
      %dma_wait3A_258 = arith.constant 0 : i32
      %dma_wait3A_259 = arith.constant 1 : i32
      %dma_wait3A_260 = arith.constant 0 : i32
      %dma_wait3A_261 = tpu.memref_slice %arg6[%dma_wait3A_259, %dma_wait3A_260] : memref<2x32xi32, #tpu.memory_space<vmem>> -> memref<1x8xi32, #tpu.memory_space<vmem>>
      %dma_wait3A_262 = tpu.memref_squeeze %dma_wait3A_261 : memref<1x8xi32, #tpu.memory_space<vmem>> -> memref<8xi32, #tpu.memory_space<vmem>>
      %dma_wait3A_263 = arith.constant 0 : i32
      %dma_wait3A_264 = tpu.memref_slice %arg2[%dma_wait3A_258, %dma_wait3A_263] : memref<4x8192xi32, #tpu.memory_space<hbm>> -> memref<1x8xi32, #tpu.memory_space<hbm>>
      %dma_wait3A_265 = tpu.memref_squeeze %dma_wait3A_264 : memref<1x8xi32, #tpu.memory_space<hbm>> -> memref<8xi32, #tpu.memory_space<hbm>>
      %dma_wait3A_266 = arith.constant 0 : i32
      %dma_wait3A_267 = tpu.memref_slice %arg6[%dma_wait3A_259, %dma_wait3A_266] : memref<2x32xi32, #tpu.memory_space<vmem>> -> memref<1x8xi32, #tpu.memory_space<vmem>>
      %dma_wait3A_268 = tpu.memref_squeeze %dma_wait3A_267 : memref<1x8xi32, #tpu.memory_space<vmem>> -> memref<8xi32, #tpu.memory_space<vmem>>
      %dma_wait3A_269 = arith.constant 0 : i32
      %dma_wait3A_270 = tpu.memref_slice %arg2[%dma_wait3A_258, %dma_wait3A_269] : memref<4x8192xi32, #tpu.memory_space<hbm>> -> memref<1x8xi32, #tpu.memory_space<hbm>>
      %dma_wait3A_271 = tpu.memref_squeeze %dma_wait3A_270 : memref<1x8xi32, #tpu.memory_space<hbm>> -> memref<8xi32, #tpu.memory_space<hbm>>
      tpu.wait_dma2 semaphore(%arg18 : memref<!tpu.dma_semaphore, #tpu.memory_space<semaphore_mem>>) src(%dma_wait3A_271 : memref<8xi32, #tpu.memory_space<hbm>>) dst(%dma_wait3A_268 : memref<8xi32, #tpu.memory_space<vmem>>)
      %dma_wait3A_272 = arith.constant 0 : i32
      %dma_wait3A_273 = arith.constant 1 : i32
      %dma_wait3A_274 = arith.constant 8 : i32
      %dma_wait3A_275 = tpu.memref_slice %arg6[%dma_wait3A_273, %dma_wait3A_274] : memref<2x32xi32, #tpu.memory_space<vmem>> -> memref<1x8xi32, #tpu.memory_space<vmem>>
      %dma_wait3A_276 = tpu.memref_squeeze %dma_wait3A_275 : memref<1x8xi32, #tpu.memory_space<vmem>> -> memref<8xi32, #tpu.memory_space<vmem>>
      %dma_wait3A_277 = arith.constant 0 : i32
      %dma_wait3A_278 = tpu.memref_slice %arg2[%dma_wait3A_272, %dma_wait3A_277] : memref<4x8192xi32, #tpu.memory_space<hbm>> -> memref<1x8xi32, #tpu.memory_space<hbm>>
      %dma_wait3A_279 = tpu.memref_squeeze %dma_wait3A_278 : memref<1x8xi32, #tpu.memory_space<hbm>> -> memref<8xi32, #tpu.memory_space<hbm>>
      %dma_wait3A_280 = arith.constant 8 : i32
      %dma_wait3A_281 = tpu.memref_slice %arg6[%dma_wait3A_273, %dma_wait3A_280] : memref<2x32xi32, #tpu.memory_space<vmem>> -> memref<1x8xi32, #tpu.memory_space<vmem>>
      %dma_wait3A_282 = tpu.memref_squeeze %dma_wait3A_281 : memref<1x8xi32, #tpu.memory_space<vmem>> -> memref<8xi32, #tpu.memory_space<vmem>>
      %dma_wait3A_283 = arith.constant 0 : i32
      %dma_wait3A_284 = tpu.memref_slice %arg2[%dma_wait3A_272, %dma_wait3A_283] : memref<4x8192xi32, #tpu.memory_space<hbm>> -> memref<1x8xi32, #tpu.memory_space<hbm>>
      %dma_wait3A_285 = tpu.memref_squeeze %dma_wait3A_284 : memref<1x8xi32, #tpu.memory_space<hbm>> -> memref<8xi32, #tpu.memory_space<hbm>>
      tpu.wait_dma2 semaphore(%arg18 : memref<!tpu.dma_semaphore, #tpu.memory_space<semaphore_mem>>) src(%dma_wait3A_285 : memref<8xi32, #tpu.memory_space<hbm>>) dst(%dma_wait3A_282 : memref<8xi32, #tpu.memory_space<vmem>>)
      %dma_wait3A_286 = arith.constant 0 : i32
      %dma_wait3A_287 = arith.constant 1 : i32
      %dma_wait3A_288 = arith.constant 16 : i32
      %dma_wait3A_289 = tpu.memref_slice %arg6[%dma_wait3A_287, %dma_wait3A_288] : memref<2x32xi32, #tpu.memory_space<vmem>> -> memref<1x8xi32, #tpu.memory_space<vmem>>
      %dma_wait3A_290 = tpu.memref_squeeze %dma_wait3A_289 : memref<1x8xi32, #tpu.memory_space<vmem>> -> memref<8xi32, #tpu.memory_space<vmem>>
      %dma_wait3A_291 = arith.constant 0 : i32
      %dma_wait3A_292 = tpu.memref_slice %arg2[%dma_wait3A_286, %dma_wait3A_291] : memref<4x8192xi32, #tpu.memory_space<hbm>> -> memref<1x8xi32, #tpu.memory_space<hbm>>
      %dma_wait3A_293 = tpu.memref_squeeze %dma_wait3A_292 : memref<1x8xi32, #tpu.memory_space<hbm>> -> memref<8xi32, #tpu.memory_space<hbm>>
      %dma_wait3A_294 = arith.constant 16 : i32
      %dma_wait3A_295 = tpu.memref_slice %arg6[%dma_wait3A_287, %dma_wait3A_294] : memref<2x32xi32, #tpu.memory_space<vmem>> -> memref<1x8xi32, #tpu.memory_space<vmem>>
      %dma_wait3A_296 = tpu.memref_squeeze %dma_wait3A_295 : memref<1x8xi32, #tpu.memory_space<vmem>> -> memref<8xi32, #tpu.memory_space<vmem>>
      %dma_wait3A_297 = arith.constant 0 : i32
      %dma_wait3A_298 = tpu.memref_slice %arg2[%dma_wait3A_286, %dma_wait3A_297] : memref<4x8192xi32, #tpu.memory_space<hbm>> -> memref<1x8xi32, #tpu.memory_space<hbm>>
      %dma_wait3A_299 = tpu.memref_squeeze %dma_wait3A_298 : memref<1x8xi32, #tpu.memory_space<hbm>> -> memref<8xi32, #tpu.memory_space<hbm>>
      tpu.wait_dma2 semaphore(%arg18 : memref<!tpu.dma_semaphore, #tpu.memory_space<semaphore_mem>>) src(%dma_wait3A_299 : memref<8xi32, #tpu.memory_space<hbm>>) dst(%dma_wait3A_296 : memref<8xi32, #tpu.memory_space<vmem>>)
      %dma_wait3A_300 = arith.constant 0 : i32
      %dma_wait3A_301 = arith.constant 1 : i32
      %dma_wait3A_302 = arith.constant 24 : i32
      %dma_wait3A_303 = tpu.memref_slice %arg6[%dma_wait3A_301, %dma_wait3A_302] : memref<2x32xi32, #tpu.memory_space<vmem>> -> memref<1x8xi32, #tpu.memory_space<vmem>>
      %dma_wait3A_304 = tpu.memref_squeeze %dma_wait3A_303 : memref<1x8xi32, #tpu.memory_space<vmem>> -> memref<8xi32, #tpu.memory_space<vmem>>
      %dma_wait3A_305 = arith.constant 0 : i32
      %dma_wait3A_306 = tpu.memref_slice %arg2[%dma_wait3A_300, %dma_wait3A_305] : memref<4x8192xi32, #tpu.memory_space<hbm>> -> memref<1x8xi32, #tpu.memory_space<hbm>>
      %dma_wait3A_307 = tpu.memref_squeeze %dma_wait3A_306 : memref<1x8xi32, #tpu.memory_space<hbm>> -> memref<8xi32, #tpu.memory_space<hbm>>
      %dma_wait3A_308 = arith.constant 24 : i32
      %dma_wait3A_309 = tpu.memref_slice %arg6[%dma_wait3A_301, %dma_wait3A_308] : memref<2x32xi32, #tpu.memory_space<vmem>> -> memref<1x8xi32, #tpu.memory_space<vmem>>
      %dma_wait3A_310 = tpu.memref_squeeze %dma_wait3A_309 : memref<1x8xi32, #tpu.memory_space<vmem>> -> memref<8xi32, #tpu.memory_space<vmem>>
      %dma_wait3A_311 = arith.constant 0 : i32
      %dma_wait3A_312 = tpu.memref_slice %arg2[%dma_wait3A_300, %dma_wait3A_311] : memref<4x8192xi32, #tpu.memory_space<hbm>> -> memref<1x8xi32, #tpu.memory_space<hbm>>
      %dma_wait3A_313 = tpu.memref_squeeze %dma_wait3A_312 : memref<1x8xi32, #tpu.memory_space<hbm>> -> memref<8xi32, #tpu.memory_space<hbm>>
      tpu.wait_dma2 semaphore(%arg18 : memref<!tpu.dma_semaphore, #tpu.memory_space<semaphore_mem>>) src(%dma_wait3A_313 : memref<8xi32, #tpu.memory_space<hbm>>) dst(%dma_wait3A_310 : memref<8xi32, #tpu.memory_space<vmem>>)
      %dma_start3A_314 = arith.constant 1 : i32
      %dma_start3A_315 = arith.constant 0 : i32
      %dma_start3A_316 = tpu.memref_slice %arg6[%dma_start3A_314, %dma_start3A_315] : memref<2x32xi32, #tpu.memory_space<vmem>> -> memref<1x32xi32, #tpu.memory_space<vmem>>
      %dma_start3A_317 = tpu.memref_squeeze %dma_start3A_316 : memref<1x32xi32, #tpu.memory_space<vmem>> -> memref<32xi32, #tpu.memory_space<vmem>>
      %dma_start3A_318 = arith.constant 0 : i32
      %dma_start3A_319 = arith.constant 0 : i32
      %dma_start3A_320 = tpu.memref_slice %arg3[%dma_start3A_318, %dma_start3A_319] : memref<50257x1024xf32, #tpu.memory_space<hbm>> -> memref<50257x1024xf32, #tpu.memory_space<hbm>>
      tpu.enqueue_indirect_dma source(%dma_start3A_320 : memref<50257x1024xf32, #tpu.memory_space<hbm>>) target(%arg8 : memref<32x1024xf32, #tpu.memory_space<vmem>>) offsets(%dma_start3A_317 : memref<32xi32, #tpu.memory_space<vmem>>) semaphore(%arg12 : memref<!tpu.dma_semaphore, #tpu.memory_space<semaphore_mem>>)
      %parallel_loop3A = arith.constant 0 : i32
      %parallel_loop3A_321 = arith.constant 32 : i32
      %parallel_loop3A_322 = arith.constant 1 : i32
      scf.for %parallel_loop3A_524 = %parallel_loop3A to %parallel_loop3A_321 step %parallel_loop3A_322  : i32 {
        %parallel_loop3A_525 = arith.constant 4 : i32
        %parallel_loop3A_526 = arith.divsi %parallel_loop3A_524, %parallel_loop3A_525 : i32
        %parallel_loop3A_527 = arith.constant 0 : i32
        %parallel_loop3A_528 = arith.cmpi sgt, %parallel_loop3A_524, %parallel_loop3A_527 : i32
        %parallel_loop3A_529 = arith.extui %parallel_loop3A_528 : i1 to i32
        %parallel_loop3A_530 = arith.constant 0 : i32
        %parallel_loop3A_531 = arith.cmpi slt, %parallel_loop3A_524, %parallel_loop3A_530 : i32
        %parallel_loop3A_532 = arith.extui %parallel_loop3A_531 : i1 to i32
        %parallel_loop3A_533 = arith.subi %parallel_loop3A_529, %parallel_loop3A_532 : i32
        %parallel_loop3A_534 = arith.constant 0 : i32
        %parallel_loop3A_535 = arith.cmpi sgt, %parallel_loop3A_525, %parallel_loop3A_534 : i32
        %parallel_loop3A_536 = arith.extui %parallel_loop3A_535 : i1 to i32
        %parallel_loop3A_537 = arith.constant 0 : i32
        %parallel_loop3A_538 = arith.cmpi slt, %parallel_loop3A_525, %parallel_loop3A_537 : i32
        %parallel_loop3A_539 = arith.extui %parallel_loop3A_538 : i1 to i32
        %parallel_loop3A_540 = arith.subi %parallel_loop3A_536, %parallel_loop3A_539 : i32
        %parallel_loop3A_541 = arith.cmpi ne, %parallel_loop3A_533, %parallel_loop3A_540 : i32
        %parallel_loop3A_542 = arith.remsi %parallel_loop3A_524, %parallel_loop3A_525 : i32
        %parallel_loop3A_543 = arith.constant 0 : i32
        %parallel_loop3A_544 = arith.cmpi ne, %parallel_loop3A_542, %parallel_loop3A_543 : i32
        %parallel_loop3A_545 = arith.andi %parallel_loop3A_541, %parallel_loop3A_544 : i1
        %parallel_loop3A_546 = arith.constant 1 : i32
        %parallel_loop3A_547 = arith.subi %parallel_loop3A_526, %parallel_loop3A_546 : i32
        %parallel_loop3A_548 = arith.select %parallel_loop3A_545, %parallel_loop3A_547, %parallel_loop3A_526 : i32
        %parallel_loop3A_549 = arith.constant 4 : i32
        %parallel_loop3A_550 = arith.constant 0 : i32
        %parallel_loop3A_551 = arith.cmpi eq, %parallel_loop3A_549, %parallel_loop3A_550 : i32
        %parallel_loop3A_552 = arith.constant 1 : i32
        %parallel_loop3A_553 = arith.select %parallel_loop3A_551, %parallel_loop3A_552, %parallel_loop3A_549 : i32
        %parallel_loop3A_554 = arith.remsi %parallel_loop3A_524, %parallel_loop3A_553 : i32
        %parallel_loop3A_555 = arith.constant 0 : i32
        %parallel_loop3A_556 = arith.cmpi ne, %parallel_loop3A_554, %parallel_loop3A_555 : i32
        %parallel_loop3A_557 = arith.constant 0 : i32
        %parallel_loop3A_558 = arith.cmpi slt, %parallel_loop3A_554, %parallel_loop3A_557 : i32
        %parallel_loop3A_559 = arith.constant 0 : i32
        %parallel_loop3A_560 = arith.cmpi slt, %parallel_loop3A_553, %parallel_loop3A_559 : i32
        %parallel_loop3A_561 = arith.xori %parallel_loop3A_558, %parallel_loop3A_560 : i1
        %parallel_loop3A_562 = arith.andi %parallel_loop3A_561, %parallel_loop3A_556 : i1
        %parallel_loop3A_563 = arith.addi %parallel_loop3A_554, %parallel_loop3A_553 : i32
        %parallel_loop3A_564 = arith.select %parallel_loop3A_562, %parallel_loop3A_563, %parallel_loop3A_554 : i32
        %parallel_loop3A_565 = arith.constant 256 : i32
        %parallel_loop3A_566 = arith.muli %parallel_loop3A_564, %parallel_loop3A_565 : i32
        %parallel_loop3A_567 = arith.constant 0 : i32
        %parallel_loop3A_568 = arith.addi %parallel_loop3A_566, %parallel_loop3A_567 : i32
        %parallel_loop3A_569 = arith.index_cast %parallel_loop3A_548 : i32 to index
        %parallel_loop3A_570 = arith.index_cast %parallel_loop3A_568 : i32 to index
        %parallel_loop3A_571 = tpu.vector_load %arg9[%parallel_loop3A_569, %parallel_loop3A_570] {strides = array<i32>} : memref<8x1024xf32, #tpu.memory_space<vmem>>, vector<1x16xf32>,
        %parallel_loop3A_572 = vector.shape_cast %parallel_loop3A_571 : vector<1x16xf32> to vector<16xf32>
        %parallel_loop3A_573 = arith.constant 0 : i32
        %parallel_loop3A_574 = arith.addi %parallel_loop3A_573, %parallel_loop3A_548 : i32
        %parallel_loop3A_575 = arith.index_cast %parallel_loop3A_574 : i32 to index
        %parallel_loop3A_576 = arith.index_cast %parallel_loop3A_568 : i32 to index
        %parallel_loop3A_577 = tpu.vector_load %arg7[%parallel_loop3A_575, %parallel_loop3A_576] {strides = array<i32>} : memref<32x1024xf32, #tpu.memory_space<vmem>>, vector<1x16xf32>,
        %parallel_loop3A_578 = vector.shape_cast %parallel_loop3A_577 : vector<1x16xf32> to vector<16xf32>
        %parallel_loop3A_579 = vector.shape_cast %parallel_loop3A_572 : vector<16xf32> to vector<1x16xf32>
        tpu.vector_store %arg7[%parallel_loop3A_575, %parallel_loop3A_576], %parallel_loop3A_579 {add = true, strides = array<i32>} : memref<32x1024xf32, #tpu.memory_space<vmem>>, vector<1x16xf32>,
        %parallel_loop3A_580 = arith.constant 8 : i32
        %parallel_loop3A_581 = arith.addi %parallel_loop3A_580, %parallel_loop3A_548 : i32
        %parallel_loop3A_582 = arith.index_cast %parallel_loop3A_581 : i32 to index
        %parallel_loop3A_583 = arith.index_cast %parallel_loop3A_568 : i32 to index
        %parallel_loop3A_584 = tpu.vector_load %arg7[%parallel_loop3A_582, %parallel_loop3A_583] {strides = array<i32>} : memref<32x1024xf32, #tpu.memory_space<vmem>>, vector<1x16xf32>,
        %parallel_loop3A_585 = vector.shape_cast %parallel_loop3A_584 : vector<1x16xf32> to vector<16xf32>
        %parallel_loop3A_586 = vector.shape_cast %parallel_loop3A_572 : vector<16xf32> to vector<1x16xf32>
        tpu.vector_store %arg7[%parallel_loop3A_582, %parallel_loop3A_583], %parallel_loop3A_586 {add = true, strides = array<i32>} : memref<32x1024xf32, #tpu.memory_space<vmem>>, vector<1x16xf32>,
        %parallel_loop3A_587 = arith.constant 16 : i32
        %parallel_loop3A_588 = arith.addi %parallel_loop3A_587, %parallel_loop3A_548 : i32
        %parallel_loop3A_589 = arith.index_cast %parallel_loop3A_588 : i32 to index
        %parallel_loop3A_590 = arith.index_cast %parallel_loop3A_568 : i32 to index
        %parallel_loop3A_591 = tpu.vector_load %arg7[%parallel_loop3A_589, %parallel_loop3A_590] {strides = array<i32>} : memref<32x1024xf32, #tpu.memory_space<vmem>>, vector<1x16xf32>,
        %parallel_loop3A_592 = vector.shape_cast %parallel_loop3A_591 : vector<1x16xf32> to vector<16xf32>
        %parallel_loop3A_593 = vector.shape_cast %parallel_loop3A_572 : vector<16xf32> to vector<1x16xf32>
        tpu.vector_store %arg7[%parallel_loop3A_589, %parallel_loop3A_590], %parallel_loop3A_593 {add = true, strides = array<i32>} : memref<32x1024xf32, #tpu.memory_space<vmem>>, vector<1x16xf32>,
        %parallel_loop3A_594 = arith.constant 24 : i32
        %parallel_loop3A_595 = arith.addi %parallel_loop3A_594, %parallel_loop3A_548 : i32
        %parallel_loop3A_596 = arith.index_cast %parallel_loop3A_595 : i32 to index
        %parallel_loop3A_597 = arith.index_cast %parallel_loop3A_568 : i32 to index
        %parallel_loop3A_598 = tpu.vector_load %arg7[%parallel_loop3A_596, %parallel_loop3A_597] {strides = array<i32>} : memref<32x1024xf32, #tpu.memory_space<vmem>>, vector<1x16xf32>,
        %parallel_loop3A_599 = vector.shape_cast %parallel_loop3A_598 : vector<1x16xf32> to vector<16xf32>
        %parallel_loop3A_600 = vector.shape_cast %parallel_loop3A_572 : vector<16xf32> to vector<1x16xf32>
        tpu.vector_store %arg7[%parallel_loop3A_596, %parallel_loop3A_597], %parallel_loop3A_600 {add = true, strides = array<i32>} : memref<32x1024xf32, #tpu.memory_space<vmem>>, vector<1x16xf32>,
        %parallel_loop3A_601 = arith.constant 16 : i32
        %parallel_loop3A_602 = arith.addi %parallel_loop3A_566, %parallel_loop3A_601 : i32
        %parallel_loop3A_603 = arith.index_cast %parallel_loop3A_548 : i32 to index
        %parallel_loop3A_604 = arith.index_cast %parallel_loop3A_602 : i32 to index
        %parallel_loop3A_605 = tpu.vector_load %arg9[%parallel_loop3A_603, %parallel_loop3A_604] {strides = array<i32>} : memref<8x1024xf32, #tpu.memory_space<vmem>>, vector<1x16xf32>,
        %parallel_loop3A_606 = vector.shape_cast %parallel_loop3A_605 : vector<1x16xf32> to vector<16xf32>
        %parallel_loop3A_607 = arith.constant 0 : i32
        %parallel_loop3A_608 = arith.addi %parallel_loop3A_607, %parallel_loop3A_548 : i32
        %parallel_loop3A_609 = arith.index_cast %parallel_loop3A_608 : i32 to index
        %parallel_loop3A_610 = arith.index_cast %parallel_loop3A_602 : i32 to index
        %parallel_loop3A_611 = tpu.vector_load %arg7[%parallel_loop3A_609, %parallel_loop3A_610] {strides = array<i32>} : memref<32x1024xf32, #tpu.memory_space<vmem>>, vector<1x16xf32>,
        %parallel_loop3A_612 = vector.shape_cast %parallel_loop3A_611 : vector<1x16xf32> to vector<16xf32>
        %parallel_loop3A_613 = vector.shape_cast %parallel_loop3A_606 : vector<16xf32> to vector<1x16xf32>
        tpu.vector_store %arg7[%parallel_loop3A_609, %parallel_loop3A_610], %parallel_loop3A_613 {add = true, strides = array<i32>} : memref<32x1024xf32, #tpu.memory_space<vmem>>, vector<1x16xf32>,
        %parallel_loop3A_614 = arith.constant 8 : i32
        %parallel_loop3A_615 = arith.addi %parallel_loop3A_614, %parallel_loop3A_548 : i32
        %parallel_loop3A_616 = arith.index_cast %parallel_loop3A_615 : i32 to index
        %parallel_loop3A_617 = arith.index_cast %parallel_loop3A_602 : i32 to index
        %parallel_loop3A_618 = tpu.vector_load %arg7[%parallel_loop3A_616, %parallel_loop3A_617] {strides = array<i32>} : memref<32x1024xf32, #tpu.memory_space<vmem>>, vector<1x16xf32>,
        %parallel_loop3A_619 = vector.shape_cast %parallel_loop3A_618 : vector<1x16xf32> to vector<16xf32>
        %parallel_loop3A_620 = vector.shape_cast %parallel_loop3A_606 : vector<16xf32> to vector<1x16xf32>
        tpu.vector_store %arg7[%parallel_loop3A_616, %parallel_loop3A_617], %parallel_loop3A_620 {add = true, strides = array<i32>} : memref<32x1024xf32, #tpu.memory_space<vmem>>, vector<1x16xf32>,
        %parallel_loop3A_621 = arith.constant 16 : i32
        %parallel_loop3A_622 = arith.addi %parallel_loop3A_621, %parallel_loop3A_548 : i32
        %parallel_loop3A_623 = arith.index_cast %parallel_loop3A_622 : i32 to index
        %parallel_loop3A_624 = arith.index_cast %parallel_loop3A_602 : i32 to index
        %parallel_loop3A_625 = tpu.vector_load %arg7[%parallel_loop3A_623, %parallel_loop3A_624] {strides = array<i32>} : memref<32x1024xf32, #tpu.memory_space<vmem>>, vector<1x16xf32>,
        %parallel_loop3A_626 = vector.shape_cast %parallel_loop3A_625 : vector<1x16xf32> to vector<16xf32>
        %parallel_loop3A_627 = vector.shape_cast %parallel_loop3A_606 : vector<16xf32> to vector<1x16xf32>
        tpu.vector_store %arg7[%parallel_loop3A_623, %parallel_loop3A_624], %parallel_loop3A_627 {add = true, strides = array<i32>} : memref<32x1024xf32, #tpu.memory_space<vmem>>, vector<1x16xf32>,
        %parallel_loop3A_628 = arith.constant 24 : i32
        %parallel_loop3A_629 = arith.addi %parallel_loop3A_628, %parallel_loop3A_548 : i32
        %parallel_loop3A_630 = arith.index_cast %parallel_loop3A_629 : i32 to index
        %parallel_loop3A_631 = arith.index_cast %parallel_loop3A_602 : i32 to index
        %parallel_loop3A_632 = tpu.vector_load %arg7[%parallel_loop3A_630, %parallel_loop3A_631] {strides = array<i32>} : memref<32x1024xf32, #tpu.memory_space<vmem>>, vector<1x16xf32>,
        %parallel_loop3A_633 = vector.shape_cast %parallel_loop3A_632 : vector<1x16xf32> to vector<16xf32>
        %parallel_loop3A_634 = vector.shape_cast %parallel_loop3A_606 : vector<16xf32> to vector<1x16xf32>
        tpu.vector_store %arg7[%parallel_loop3A_630, %parallel_loop3A_631], %parallel_loop3A_634 {add = true, strides = array<i32>} : memref<32x1024xf32, #tpu.memory_space<vmem>>, vector<1x16xf32>,
        %parallel_loop3A_635 = arith.constant 32 : i32
        %parallel_loop3A_636 = arith.addi %parallel_loop3A_566, %parallel_loop3A_635 : i32
        %parallel_loop3A_637 = arith.index_cast %parallel_loop3A_548 : i32 to index
        %parallel_loop3A_638 = arith.index_cast %parallel_loop3A_636 : i32 to index
        %parallel_loop3A_639 = tpu.vector_load %arg9[%parallel_loop3A_637, %parallel_loop3A_638] {strides = array<i32>} : memref<8x1024xf32, #tpu.memory_space<vmem>>, vector<1x16xf32>,
        %parallel_loop3A_640 = vector.shape_cast %parallel_loop3A_639 : vector<1x16xf32> to vector<16xf32>
        %parallel_loop3A_641 = arith.constant 0 : i32
        %parallel_loop3A_642 = arith.addi %parallel_loop3A_641, %parallel_loop3A_548 : i32
        %parallel_loop3A_643 = arith.index_cast %parallel_loop3A_642 : i32 to index
        %parallel_loop3A_644 = arith.index_cast %parallel_loop3A_636 : i32 to index
        %parallel_loop3A_645 = tpu.vector_load %arg7[%parallel_loop3A_643, %parallel_loop3A_644] {strides = array<i32>} : memref<32x1024xf32, #tpu.memory_space<vmem>>, vector<1x16xf32>,
        %parallel_loop3A_646 = vector.shape_cast %parallel_loop3A_645 : vector<1x16xf32> to vector<16xf32>
        %parallel_loop3A_647 = vector.shape_cast %parallel_loop3A_640 : vector<16xf32> to vector<1x16xf32>
        tpu.vector_store %arg7[%parallel_loop3A_643, %parallel_loop3A_644], %parallel_loop3A_647 {add = true, strides = array<i32>} : memref<32x1024xf32, #tpu.memory_space<vmem>>, vector<1x16xf32>,
        %parallel_loop3A_648 = arith.constant 8 : i32
        %parallel_loop3A_649 = arith.addi %parallel_loop3A_648, %parallel_loop3A_548 : i32
        %parallel_loop3A_650 = arith.index_cast %parallel_loop3A_649 : i32 to index
        %parallel_loop3A_651 = arith.index_cast %parallel_loop3A_636 : i32 to index
        %parallel_loop3A_652 = tpu.vector_load %arg7[%parallel_loop3A_650, %parallel_loop3A_651] {strides = array<i32>} : memref<32x1024xf32, #tpu.memory_space<vmem>>, vector<1x16xf32>,
        %parallel_loop3A_653 = vector.shape_cast %parallel_loop3A_652 : vector<1x16xf32> to vector<16xf32>
        %parallel_loop3A_654 = vector.shape_cast %parallel_loop3A_640 : vector<16xf32> to vector<1x16xf32>
        tpu.vector_store %arg7[%parallel_loop3A_650, %parallel_loop3A_651], %parallel_loop3A_654 {add = true, strides = array<i32>} : memref<32x1024xf32, #tpu.memory_space<vmem>>, vector<1x16xf32>,
        %parallel_loop3A_655 = arith.constant 16 : i32
        %parallel_loop3A_656 = arith.addi %parallel_loop3A_655, %parallel_loop3A_548 : i32
        %parallel_loop3A_657 = arith.index_cast %parallel_loop3A_656 : i32 to index
        %parallel_loop3A_658 = arith.index_cast %parallel_loop3A_636 : i32 to index
        %parallel_loop3A_659 = tpu.vector_load %arg7[%parallel_loop3A_657, %parallel_loop3A_658] {strides = array<i32>} : memref<32x1024xf32, #tpu.memory_space<vmem>>, vector<1x16xf32>,
        %parallel_loop3A_660 = vector.shape_cast %parallel_loop3A_659 : vector<1x16xf32> to vector<16xf32>
        %parallel_loop3A_661 = vector.shape_cast %parallel_loop3A_640 : vector<16xf32> to vector<1x16xf32>
        tpu.vector_store %arg7[%parallel_loop3A_657, %parallel_loop3A_658], %parallel_loop3A_661 {add = true, strides = array<i32>} : memref<32x1024xf32, #tpu.memory_space<vmem>>, vector<1x16xf32>,
        %parallel_loop3A_662 = arith.constant 24 : i32
        %parallel_loop3A_663 = arith.addi %parallel_loop3A_662, %parallel_loop3A_548 : i32
        %parallel_loop3A_664 = arith.index_cast %parallel_loop3A_663 : i32 to index
        %parallel_loop3A_665 = arith.index_cast %parallel_loop3A_636 : i32 to index
        %parallel_loop3A_666 = tpu.vector_load %arg7[%parallel_loop3A_664, %parallel_loop3A_665] {strides = array<i32>} : memref<32x1024xf32, #tpu.memory_space<vmem>>, vector<1x16xf32>,
        %parallel_loop3A_667 = vector.shape_cast %parallel_loop3A_666 : vector<1x16xf32> to vector<16xf32>
        %parallel_loop3A_668 = vector.shape_cast %parallel_loop3A_640 : vector<16xf32> to vector<1x16xf32>
        tpu.vector_store %arg7[%parallel_loop3A_664, %parallel_loop3A_665], %parallel_loop3A_668 {add = true, strides = array<i32>} : memref<32x1024xf32, #tpu.memory_space<vmem>>, vector<1x16xf32>,
        %parallel_loop3A_669 = arith.constant 48 : i32
        %parallel_loop3A_670 = arith.addi %parallel_loop3A_566, %parallel_loop3A_669 : i32
        %parallel_loop3A_671 = arith.index_cast %parallel_loop3A_548 : i32 to index
        %parallel_loop3A_672 = arith.index_cast %parallel_loop3A_670 : i32 to index
        %parallel_loop3A_673 = tpu.vector_load %arg9[%parallel_loop3A_671, %parallel_loop3A_672] {strides = array<i32>} : memref<8x1024xf32, #tpu.memory_space<vmem>>, vector<1x16xf32>,
        %parallel_loop3A_674 = vector.shape_cast %parallel_loop3A_673 : vector<1x16xf32> to vector<16xf32>
        %parallel_loop3A_675 = arith.constant 0 : i32
        %parallel_loop3A_676 = arith.addi %parallel_loop3A_675, %parallel_loop3A_548 : i32
        %parallel_loop3A_677 = arith.index_cast %parallel_loop3A_676 : i32 to index
        %parallel_loop3A_678 = arith.index_cast %parallel_loop3A_670 : i32 to index
        %parallel_loop3A_679 = tpu.vector_load %arg7[%parallel_loop3A_677, %parallel_loop3A_678] {strides = array<i32>} : memref<32x1024xf32, #tpu.memory_space<vmem>>, vector<1x16xf32>,
        %parallel_loop3A_680 = vector.shape_cast %parallel_loop3A_679 : vector<1x16xf32> to vector<16xf32>
        %parallel_loop3A_681 = vector.shape_cast %parallel_loop3A_674 : vector<16xf32> to vector<1x16xf32>
        tpu.vector_store %arg7[%parallel_loop3A_677, %parallel_loop3A_678], %parallel_loop3A_681 {add = true, strides = array<i32>} : memref<32x1024xf32, #tpu.memory_space<vmem>>, vector<1x16xf32>,
        %parallel_loop3A_682 = arith.constant 8 : i32
        %parallel_loop3A_683 = arith.addi %parallel_loop3A_682, %parallel_loop3A_548 : i32
        %parallel_loop3A_684 = arith.index_cast %parallel_loop3A_683 : i32 to index
        %parallel_loop3A_685 = arith.index_cast %parallel_loop3A_670 : i32 to index
        %parallel_loop3A_686 = tpu.vector_load %arg7[%parallel_loop3A_684, %parallel_loop3A_685] {strides = array<i32>} : memref<32x1024xf32, #tpu.memory_space<vmem>>, vector<1x16xf32>,
        %parallel_loop3A_687 = vector.shape_cast %parallel_loop3A_686 : vector<1x16xf32> to vector<16xf32>
        %parallel_loop3A_688 = vector.shape_cast %parallel_loop3A_674 : vector<16xf32> to vector<1x16xf32>
        tpu.vector_store %arg7[%parallel_loop3A_684, %parallel_loop3A_685], %parallel_loop3A_688 {add = true, strides = array<i32>} : memref<32x1024xf32, #tpu.memory_space<vmem>>, vector<1x16xf32>,
        %parallel_loop3A_689 = arith.constant 16 : i32
        %parallel_loop3A_690 = arith.addi %parallel_loop3A_689, %parallel_loop3A_548 : i32
        %parallel_loop3A_691 = arith.index_cast %parallel_loop3A_690 : i32 to index
        %parallel_loop3A_692 = arith.index_cast %parallel_loop3A_670 : i32 to index
        %parallel_loop3A_693 = tpu.vector_load %arg7[%parallel_loop3A_691, %parallel_loop3A_692] {strides = array<i32>} : memref<32x1024xf32, #tpu.memory_space<vmem>>, vector<1x16xf32>,
        %parallel_loop3A_694 = vector.shape_cast %parallel_loop3A_693 : vector<1x16xf32> to vector<16xf32>
        %parallel_loop3A_695 = vector.shape_cast %parallel_loop3A_674 : vector<16xf32> to vector<1x16xf32>
        tpu.vector_store %arg7[%parallel_loop3A_691, %parallel_loop3A_692], %parallel_loop3A_695 {add = true, strides = array<i32>} : memref<32x1024xf32, #tpu.memory_space<vmem>>, vector<1x16xf32>,
        %parallel_loop3A_696 = arith.constant 24 : i32
        %parallel_loop3A_697 = arith.addi %parallel_loop3A_696, %parallel_loop3A_548 : i32
        %parallel_loop3A_698 = arith.index_cast %parallel_loop3A_697 : i32 to index
        %parallel_loop3A_699 = arith.index_cast %parallel_loop3A_670 : i32 to index
        %parallel_loop3A_700 = tpu.vector_load %arg7[%parallel_loop3A_698, %parallel_loop3A_699] {strides = array<i32>} : memref<32x1024xf32, #tpu.memory_space<vmem>>, vector<1x16xf32>,
        %parallel_loop3A_701 = vector.shape_cast %parallel_loop3A_700 : vector<1x16xf32> to vector<16xf32>
        %parallel_loop3A_702 = vector.shape_cast %parallel_loop3A_674 : vector<16xf32> to vector<1x16xf32>
        tpu.vector_store %arg7[%parallel_loop3A_698, %parallel_loop3A_699], %parallel_loop3A_702 {add = true, strides = array<i32>} : memref<32x1024xf32, #tpu.memory_space<vmem>>, vector<1x16xf32>,
        %parallel_loop3A_703 = arith.constant 64 : i32
        %parallel_loop3A_704 = arith.addi %parallel_loop3A_566, %parallel_loop3A_703 : i32
        %parallel_loop3A_705 = arith.index_cast %parallel_loop3A_548 : i32 to index
        %parallel_loop3A_706 = arith.index_cast %parallel_loop3A_704 : i32 to index
        %parallel_loop3A_707 = tpu.vector_load %arg9[%parallel_loop3A_705, %parallel_loop3A_706] {strides = array<i32>} : memref<8x1024xf32, #tpu.memory_space<vmem>>, vector<1x16xf32>,
        %parallel_loop3A_708 = vector.shape_cast %parallel_loop3A_707 : vector<1x16xf32> to vector<16xf32>
        %parallel_loop3A_709 = arith.constant 0 : i32
        %parallel_loop3A_710 = arith.addi %parallel_loop3A_709, %parallel_loop3A_548 : i32
        %parallel_loop3A_711 = arith.index_cast %parallel_loop3A_710 : i32 to index
        %parallel_loop3A_712 = arith.index_cast %parallel_loop3A_704 : i32 to index
        %parallel_loop3A_713 = tpu.vector_load %arg7[%parallel_loop3A_711, %parallel_loop3A_712] {strides = array<i32>} : memref<32x1024xf32, #tpu.memory_space<vmem>>, vector<1x16xf32>,
        %parallel_loop3A_714 = vector.shape_cast %parallel_loop3A_713 : vector<1x16xf32> to vector<16xf32>
        %parallel_loop3A_715 = vector.shape_cast %parallel_loop3A_708 : vector<16xf32> to vector<1x16xf32>
        tpu.vector_store %arg7[%parallel_loop3A_711, %parallel_loop3A_712], %parallel_loop3A_715 {add = true, strides = array<i32>} : memref<32x1024xf32, #tpu.memory_space<vmem>>, vector<1x16xf32>,
        %parallel_loop3A_716 = arith.constant 8 : i32
        %parallel_loop3A_717 = arith.addi %parallel_loop3A_716, %parallel_loop3A_548 : i32
        %parallel_loop3A_718 = arith.index_cast %parallel_loop3A_717 : i32 to index
        %parallel_loop3A_719 = arith.index_cast %parallel_loop3A_704 : i32 to index
        %parallel_loop3A_720 = tpu.vector_load %arg7[%parallel_loop3A_718, %parallel_loop3A_719] {strides = array<i32>} : memref<32x1024xf32, #tpu.memory_space<vmem>>, vector<1x16xf32>,
        %parallel_loop3A_721 = vector.shape_cast %parallel_loop3A_720 : vector<1x16xf32> to vector<16xf32>
        %parallel_loop3A_722 = vector.shape_cast %parallel_loop3A_708 : vector<16xf32> to vector<1x16xf32>
        tpu.vector_store %arg7[%parallel_loop3A_718, %parallel_loop3A_719], %parallel_loop3A_722 {add = true, strides = array<i32>} : memref<32x1024xf32, #tpu.memory_space<vmem>>, vector<1x16xf32>,
        %parallel_loop3A_723 = arith.constant 16 : i32
        %parallel_loop3A_724 = arith.addi %parallel_loop3A_723, %parallel_loop3A_548 : i32
        %parallel_loop3A_725 = arith.index_cast %parallel_loop3A_724 : i32 to index
        %parallel_loop3A_726 = arith.index_cast %parallel_loop3A_704 : i32 to index
        %parallel_loop3A_727 = tpu.vector_load %arg7[%parallel_loop3A_725, %parallel_loop3A_726] {strides = array<i32>} : memref<32x1024xf32, #tpu.memory_space<vmem>>, vector<1x16xf32>,
        %parallel_loop3A_728 = vector.shape_cast %parallel_loop3A_727 : vector<1x16xf32> to vector<16xf32>
        %parallel_loop3A_729 = vector.shape_cast %parallel_loop3A_708 : vector<16xf32> to vector<1x16xf32>
        tpu.vector_store %arg7[%parallel_loop3A_725, %parallel_loop3A_726], %parallel_loop3A_729 {add = true, strides = array<i32>} : memref<32x1024xf32, #tpu.memory_space<vmem>>, vector<1x16xf32>,
        %parallel_loop3A_730 = arith.constant 24 : i32
        %parallel_loop3A_731 = arith.addi %parallel_loop3A_730, %parallel_loop3A_548 : i32
        %parallel_loop3A_732 = arith.index_cast %parallel_loop3A_731 : i32 to index
        %parallel_loop3A_733 = arith.index_cast %parallel_loop3A_704 : i32 to index
        %parallel_loop3A_734 = tpu.vector_load %arg7[%parallel_loop3A_732, %parallel_loop3A_733] {strides = array<i32>} : memref<32x1024xf32, #tpu.memory_space<vmem>>, vector<1x16xf32>,
        %parallel_loop3A_735 = vector.shape_cast %parallel_loop3A_734 : vector<1x16xf32> to vector<16xf32>
        %parallel_loop3A_736 = vector.shape_cast %parallel_loop3A_708 : vector<16xf32> to vector<1x16xf32>
        tpu.vector_store %arg7[%parallel_loop3A_732, %parallel_loop3A_733], %parallel_loop3A_736 {add = true, strides = array<i32>} : memref<32x1024xf32, #tpu.memory_space<vmem>>, vector<1x16xf32>,
        %parallel_loop3A_737 = arith.constant 80 : i32
        %parallel_loop3A_738 = arith.addi %parallel_loop3A_566, %parallel_loop3A_737 : i32
        %parallel_loop3A_739 = arith.index_cast %parallel_loop3A_548 : i32 to index
        %parallel_loop3A_740 = arith.index_cast %parallel_loop3A_738 : i32 to index
        %parallel_loop3A_741 = tpu.vector_load %arg9[%parallel_loop3A_739, %parallel_loop3A_740] {strides = array<i32>} : memref<8x1024xf32, #tpu.memory_space<vmem>>, vector<1x16xf32>,
        %parallel_loop3A_742 = vector.shape_cast %parallel_loop3A_741 : vector<1x16xf32> to vector<16xf32>
        %parallel_loop3A_743 = arith.constant 0 : i32
        %parallel_loop3A_744 = arith.addi %parallel_loop3A_743, %parallel_loop3A_548 : i32
        %parallel_loop3A_745 = arith.index_cast %parallel_loop3A_744 : i32 to index
        %parallel_loop3A_746 = arith.index_cast %parallel_loop3A_738 : i32 to index
        %parallel_loop3A_747 = tpu.vector_load %arg7[%parallel_loop3A_745, %parallel_loop3A_746] {strides = array<i32>} : memref<32x1024xf32, #tpu.memory_space<vmem>>, vector<1x16xf32>,
        %parallel_loop3A_748 = vector.shape_cast %parallel_loop3A_747 : vector<1x16xf32> to vector<16xf32>
        %parallel_loop3A_749 = vector.shape_cast %parallel_loop3A_742 : vector<16xf32> to vector<1x16xf32>
        tpu.vector_store %arg7[%parallel_loop3A_745, %parallel_loop3A_746], %parallel_loop3A_749 {add = true, strides = array<i32>} : memref<32x1024xf32, #tpu.memory_space<vmem>>, vector<1x16xf32>,
        %parallel_loop3A_750 = arith.constant 8 : i32
        %parallel_loop3A_751 = arith.addi %parallel_loop3A_750, %parallel_loop3A_548 : i32
        %parallel_loop3A_752 = arith.index_cast %parallel_loop3A_751 : i32 to index
        %parallel_loop3A_753 = arith.index_cast %parallel_loop3A_738 : i32 to index
        %parallel_loop3A_754 = tpu.vector_load %arg7[%parallel_loop3A_752, %parallel_loop3A_753] {strides = array<i32>} : memref<32x1024xf32, #tpu.memory_space<vmem>>, vector<1x16xf32>,
        %parallel_loop3A_755 = vector.shape_cast %parallel_loop3A_754 : vector<1x16xf32> to vector<16xf32>
        %parallel_loop3A_756 = vector.shape_cast %parallel_loop3A_742 : vector<16xf32> to vector<1x16xf32>
        tpu.vector_store %arg7[%parallel_loop3A_752, %parallel_loop3A_753], %parallel_loop3A_756 {add = true, strides = array<i32>} : memref<32x1024xf32, #tpu.memory_space<vmem>>, vector<1x16xf32>,
        %parallel_loop3A_757 = arith.constant 16 : i32
        %parallel_loop3A_758 = arith.addi %parallel_loop3A_757, %parallel_loop3A_548 : i32
        %parallel_loop3A_759 = arith.index_cast %parallel_loop3A_758 : i32 to index
        %parallel_loop3A_760 = arith.index_cast %parallel_loop3A_738 : i32 to index
        %parallel_loop3A_761 = tpu.vector_load %arg7[%parallel_loop3A_759, %parallel_loop3A_760] {strides = array<i32>} : memref<32x1024xf32, #tpu.memory_space<vmem>>, vector<1x16xf32>,
        %parallel_loop3A_762 = vector.shape_cast %parallel_loop3A_761 : vector<1x16xf32> to vector<16xf32>
        %parallel_loop3A_763 = vector.shape_cast %parallel_loop3A_742 : vector<16xf32> to vector<1x16xf32>
        tpu.vector_store %arg7[%parallel_loop3A_759, %parallel_loop3A_760], %parallel_loop3A_763 {add = true, strides = array<i32>} : memref<32x1024xf32, #tpu.memory_space<vmem>>, vector<1x16xf32>,
        %parallel_loop3A_764 = arith.constant 24 : i32
        %parallel_loop3A_765 = arith.addi %parallel_loop3A_764, %parallel_loop3A_548 : i32
        %parallel_loop3A_766 = arith.index_cast %parallel_loop3A_765 : i32 to index
        %parallel_loop3A_767 = arith.index_cast %parallel_loop3A_738 : i32 to index
        %parallel_loop3A_768 = tpu.vector_load %arg7[%parallel_loop3A_766, %parallel_loop3A_767] {strides = array<i32>} : memref<32x1024xf32, #tpu.memory_space<vmem>>, vector<1x16xf32>,
        %parallel_loop3A_769 = vector.shape_cast %parallel_loop3A_768 : vector<1x16xf32> to vector<16xf32>
        %parallel_loop3A_770 = vector.shape_cast %parallel_loop3A_742 : vector<16xf32> to vector<1x16xf32>
        tpu.vector_store %arg7[%parallel_loop3A_766, %parallel_loop3A_767], %parallel_loop3A_770 {add = true, strides = array<i32>} : memref<32x1024xf32, #tpu.memory_space<vmem>>, vector<1x16xf32>,
        %parallel_loop3A_771 = arith.constant 96 : i32
        %parallel_loop3A_772 = arith.addi %parallel_loop3A_566, %parallel_loop3A_771 : i32
        %parallel_loop3A_773 = arith.index_cast %parallel_loop3A_548 : i32 to index
        %parallel_loop3A_774 = arith.index_cast %parallel_loop3A_772 : i32 to index
        %parallel_loop3A_775 = tpu.vector_load %arg9[%parallel_loop3A_773, %parallel_loop3A_774] {strides = array<i32>} : memref<8x1024xf32, #tpu.memory_space<vmem>>, vector<1x16xf32>,
        %parallel_loop3A_776 = vector.shape_cast %parallel_loop3A_775 : vector<1x16xf32> to vector<16xf32>
        %parallel_loop3A_777 = arith.constant 0 : i32
        %parallel_loop3A_778 = arith.addi %parallel_loop3A_777, %parallel_loop3A_548 : i32
        %parallel_loop3A_779 = arith.index_cast %parallel_loop3A_778 : i32 to index
        %parallel_loop3A_780 = arith.index_cast %parallel_loop3A_772 : i32 to index
        %parallel_loop3A_781 = tpu.vector_load %arg7[%parallel_loop3A_779, %parallel_loop3A_780] {strides = array<i32>} : memref<32x1024xf32, #tpu.memory_space<vmem>>, vector<1x16xf32>,
        %parallel_loop3A_782 = vector.shape_cast %parallel_loop3A_781 : vector<1x16xf32> to vector<16xf32>
        %parallel_loop3A_783 = vector.shape_cast %parallel_loop3A_776 : vector<16xf32> to vector<1x16xf32>
        tpu.vector_store %arg7[%parallel_loop3A_779, %parallel_loop3A_780], %parallel_loop3A_783 {add = true, strides = array<i32>} : memref<32x1024xf32, #tpu.memory_space<vmem>>, vector<1x16xf32>,
        %parallel_loop3A_784 = arith.constant 8 : i32
        %parallel_loop3A_785 = arith.addi %parallel_loop3A_784, %parallel_loop3A_548 : i32
        %parallel_loop3A_786 = arith.index_cast %parallel_loop3A_785 : i32 to index
        %parallel_loop3A_787 = arith.index_cast %parallel_loop3A_772 : i32 to index
        %parallel_loop3A_788 = tpu.vector_load %arg7[%parallel_loop3A_786, %parallel_loop3A_787] {strides = array<i32>} : memref<32x1024xf32, #tpu.memory_space<vmem>>, vector<1x16xf32>,
        %parallel_loop3A_789 = vector.shape_cast %parallel_loop3A_788 : vector<1x16xf32> to vector<16xf32>
        %parallel_loop3A_790 = vector.shape_cast %parallel_loop3A_776 : vector<16xf32> to vector<1x16xf32>
        tpu.vector_store %arg7[%parallel_loop3A_786, %parallel_loop3A_787], %parallel_loop3A_790 {add = true, strides = array<i32>} : memref<32x1024xf32, #tpu.memory_space<vmem>>, vector<1x16xf32>,
        %parallel_loop3A_791 = arith.constant 16 : i32
        %parallel_loop3A_792 = arith.addi %parallel_loop3A_791, %parallel_loop3A_548 : i32
        %parallel_loop3A_793 = arith.index_cast %parallel_loop3A_792 : i32 to index
        %parallel_loop3A_794 = arith.index_cast %parallel_loop3A_772 : i32 to index
        %parallel_loop3A_795 = tpu.vector_load %arg7[%parallel_loop3A_793, %parallel_loop3A_794] {strides = array<i32>} : memref<32x1024xf32, #tpu.memory_space<vmem>>, vector<1x16xf32>,
        %parallel_loop3A_796 = vector.shape_cast %parallel_loop3A_795 : vector<1x16xf32> to vector<16xf32>
        %parallel_loop3A_797 = vector.shape_cast %parallel_loop3A_776 : vector<16xf32> to vector<1x16xf32>
        tpu.vector_store %arg7[%parallel_loop3A_793, %parallel_loop3A_794], %parallel_loop3A_797 {add = true, strides = array<i32>} : memref<32x1024xf32, #tpu.memory_space<vmem>>, vector<1x16xf32>,
        %parallel_loop3A_798 = arith.constant 24 : i32
        %parallel_loop3A_799 = arith.addi %parallel_loop3A_798, %parallel_loop3A_548 : i32
        %parallel_loop3A_800 = arith.index_cast %parallel_loop3A_799 : i32 to index
        %parallel_loop3A_801 = arith.index_cast %parallel_loop3A_772 : i32 to index
        %parallel_loop3A_802 = tpu.vector_load %arg7[%parallel_loop3A_800, %parallel_loop3A_801] {strides = array<i32>} : memref<32x1024xf32, #tpu.memory_space<vmem>>, vector<1x16xf32>,
        %parallel_loop3A_803 = vector.shape_cast %parallel_loop3A_802 : vector<1x16xf32> to vector<16xf32>
        %parallel_loop3A_804 = vector.shape_cast %parallel_loop3A_776 : vector<16xf32> to vector<1x16xf32>
        tpu.vector_store %arg7[%parallel_loop3A_800, %parallel_loop3A_801], %parallel_loop3A_804 {add = true, strides = array<i32>} : memref<32x1024xf32, #tpu.memory_space<vmem>>, vector<1x16xf32>,
        %parallel_loop3A_805 = arith.constant 112 : i32
        %parallel_loop3A_806 = arith.addi %parallel_loop3A_566, %parallel_loop3A_805 : i32
        %parallel_loop3A_807 = arith.index_cast %parallel_loop3A_548 : i32 to index
        %parallel_loop3A_808 = arith.index_cast %parallel_loop3A_806 : i32 to index
        %parallel_loop3A_809 = tpu.vector_load %arg9[%parallel_loop3A_807, %parallel_loop3A_808] {strides = array<i32>} : memref<8x1024xf32, #tpu.memory_space<vmem>>, vector<1x16xf32>,
        %parallel_loop3A_810 = vector.shape_cast %parallel_loop3A_809 : vector<1x16xf32> to vector<16xf32>
        %parallel_loop3A_811 = arith.constant 0 : i32
        %parallel_loop3A_812 = arith.addi %parallel_loop3A_811, %parallel_loop3A_548 : i32
        %parallel_loop3A_813 = arith.index_cast %parallel_loop3A_812 : i32 to index
        %parallel_loop3A_814 = arith.index_cast %parallel_loop3A_806 : i32 to index
        %parallel_loop3A_815 = tpu.vector_load %arg7[%parallel_loop3A_813, %parallel_loop3A_814] {strides = array<i32>} : memref<32x1024xf32, #tpu.memory_space<vmem>>, vector<1x16xf32>,
        %parallel_loop3A_816 = vector.shape_cast %parallel_loop3A_815 : vector<1x16xf32> to vector<16xf32>
        %parallel_loop3A_817 = vector.shape_cast %parallel_loop3A_810 : vector<16xf32> to vector<1x16xf32>
        tpu.vector_store %arg7[%parallel_loop3A_813, %parallel_loop3A_814], %parallel_loop3A_817 {add = true, strides = array<i32>} : memref<32x1024xf32, #tpu.memory_space<vmem>>, vector<1x16xf32>,
        %parallel_loop3A_818 = arith.constant 8 : i32
        %parallel_loop3A_819 = arith.addi %parallel_loop3A_818, %parallel_loop3A_548 : i32
        %parallel_loop3A_820 = arith.index_cast %parallel_loop3A_819 : i32 to index
        %parallel_loop3A_821 = arith.index_cast %parallel_loop3A_806 : i32 to index
        %parallel_loop3A_822 = tpu.vector_load %arg7[%parallel_loop3A_820, %parallel_loop3A_821] {strides = array<i32>} : memref<32x1024xf32, #tpu.memory_space<vmem>>, vector<1x16xf32>,
        %parallel_loop3A_823 = vector.shape_cast %parallel_loop3A_822 : vector<1x16xf32> to vector<16xf32>
        %parallel_loop3A_824 = vector.shape_cast %parallel_loop3A_810 : vector<16xf32> to vector<1x16xf32>
        tpu.vector_store %arg7[%parallel_loop3A_820, %parallel_loop3A_821], %parallel_loop3A_824 {add = true, strides = array<i32>} : memref<32x1024xf32, #tpu.memory_space<vmem>>, vector<1x16xf32>,
        %parallel_loop3A_825 = arith.constant 16 : i32
        %parallel_loop3A_826 = arith.addi %parallel_loop3A_825, %parallel_loop3A_548 : i32
        %parallel_loop3A_827 = arith.index_cast %parallel_loop3A_826 : i32 to index
        %parallel_loop3A_828 = arith.index_cast %parallel_loop3A_806 : i32 to index
        %parallel_loop3A_829 = tpu.vector_load %arg7[%parallel_loop3A_827, %parallel_loop3A_828] {strides = array<i32>} : memref<32x1024xf32, #tpu.memory_space<vmem>>, vector<1x16xf32>,
        %parallel_loop3A_830 = vector.shape_cast %parallel_loop3A_829 : vector<1x16xf32> to vector<16xf32>
        %parallel_loop3A_831 = vector.shape_cast %parallel_loop3A_810 : vector<16xf32> to vector<1x16xf32>
        tpu.vector_store %arg7[%parallel_loop3A_827, %parallel_loop3A_828], %parallel_loop3A_831 {add = true, strides = array<i32>} : memref<32x1024xf32, #tpu.memory_space<vmem>>, vector<1x16xf32>,
        %parallel_loop3A_832 = arith.constant 24 : i32
        %parallel_loop3A_833 = arith.addi %parallel_loop3A_832, %parallel_loop3A_548 : i32
        %parallel_loop3A_834 = arith.index_cast %parallel_loop3A_833 : i32 to index
        %parallel_loop3A_835 = arith.index_cast %parallel_loop3A_806 : i32 to index
        %parallel_loop3A_836 = tpu.vector_load %arg7[%parallel_loop3A_834, %parallel_loop3A_835] {strides = array<i32>} : memref<32x1024xf32, #tpu.memory_space<vmem>>, vector<1x16xf32>,
        %parallel_loop3A_837 = vector.shape_cast %parallel_loop3A_836 : vector<1x16xf32> to vector<16xf32>
        %parallel_loop3A_838 = vector.shape_cast %parallel_loop3A_810 : vector<16xf32> to vector<1x16xf32>
        tpu.vector_store %arg7[%parallel_loop3A_834, %parallel_loop3A_835], %parallel_loop3A_838 {add = true, strides = array<i32>} : memref<32x1024xf32, #tpu.memory_space<vmem>>, vector<1x16xf32>,
        %parallel_loop3A_839 = arith.constant 128 : i32
        %parallel_loop3A_840 = arith.addi %parallel_loop3A_566, %parallel_loop3A_839 : i32
        %parallel_loop3A_841 = arith.index_cast %parallel_loop3A_548 : i32 to index
        %parallel_loop3A_842 = arith.index_cast %parallel_loop3A_840 : i32 to index
        %parallel_loop3A_843 = tpu.vector_load %arg9[%parallel_loop3A_841, %parallel_loop3A_842] {strides = array<i32>} : memref<8x1024xf32, #tpu.memory_space<vmem>>, vector<1x16xf32>,
        %parallel_loop3A_844 = vector.shape_cast %parallel_loop3A_843 : vector<1x16xf32> to vector<16xf32>
        %parallel_loop3A_845 = arith.constant 0 : i32
        %parallel_loop3A_846 = arith.addi %parallel_loop3A_845, %parallel_loop3A_548 : i32
        %parallel_loop3A_847 = arith.index_cast %parallel_loop3A_846 : i32 to index
        %parallel_loop3A_848 = arith.index_cast %parallel_loop3A_840 : i32 to index
        %parallel_loop3A_849 = tpu.vector_load %arg7[%parallel_loop3A_847, %parallel_loop3A_848] {strides = array<i32>} : memref<32x1024xf32, #tpu.memory_space<vmem>>, vector<1x16xf32>,
        %parallel_loop3A_850 = vector.shape_cast %parallel_loop3A_849 : vector<1x16xf32> to vector<16xf32>
        %parallel_loop3A_851 = vector.shape_cast %parallel_loop3A_844 : vector<16xf32> to vector<1x16xf32>
        tpu.vector_store %arg7[%parallel_loop3A_847, %parallel_loop3A_848], %parallel_loop3A_851 {add = true, strides = array<i32>} : memref<32x1024xf32, #tpu.memory_space<vmem>>, vector<1x16xf32>,
        %parallel_loop3A_852 = arith.constant 8 : i32
        %parallel_loop3A_853 = arith.addi %parallel_loop3A_852, %parallel_loop3A_548 : i32
        %parallel_loop3A_854 = arith.index_cast %parallel_loop3A_853 : i32 to index
        %parallel_loop3A_855 = arith.index_cast %parallel_loop3A_840 : i32 to index
        %parallel_loop3A_856 = tpu.vector_load %arg7[%parallel_loop3A_854, %parallel_loop3A_855] {strides = array<i32>} : memref<32x1024xf32, #tpu.memory_space<vmem>>, vector<1x16xf32>,
        %parallel_loop3A_857 = vector.shape_cast %parallel_loop3A_856 : vector<1x16xf32> to vector<16xf32>
        %parallel_loop3A_858 = vector.shape_cast %parallel_loop3A_844 : vector<16xf32> to vector<1x16xf32>
        tpu.vector_store %arg7[%parallel_loop3A_854, %parallel_loop3A_855], %parallel_loop3A_858 {add = true, strides = array<i32>} : memref<32x1024xf32, #tpu.memory_space<vmem>>, vector<1x16xf32>,
        %parallel_loop3A_859 = arith.constant 16 : i32
        %parallel_loop3A_860 = arith.addi %parallel_loop3A_859, %parallel_loop3A_548 : i32
        %parallel_loop3A_861 = arith.index_cast %parallel_loop3A_860 : i32 to index
        %parallel_loop3A_862 = arith.index_cast %parallel_loop3A_840 : i32 to index
        %parallel_loop3A_863 = tpu.vector_load %arg7[%parallel_loop3A_861, %parallel_loop3A_862] {strides = array<i32>} : memref<32x1024xf32, #tpu.memory_space<vmem>>, vector<1x16xf32>,
        %parallel_loop3A_864 = vector.shape_cast %parallel_loop3A_863 : vector<1x16xf32> to vector<16xf32>
        %parallel_loop3A_865 = vector.shape_cast %parallel_loop3A_844 : vector<16xf32> to vector<1x16xf32>
        tpu.vector_store %arg7[%parallel_loop3A_861, %parallel_loop3A_862], %parallel_loop3A_865 {add = true, strides = array<i32>} : memref<32x1024xf32, #tpu.memory_space<vmem>>, vector<1x16xf32>,
        %parallel_loop3A_866 = arith.constant 24 : i32
        %parallel_loop3A_867 = arith.addi %parallel_loop3A_866, %parallel_loop3A_548 : i32
        %parallel_loop3A_868 = arith.index_cast %parallel_loop3A_867 : i32 to index
        %parallel_loop3A_869 = arith.index_cast %parallel_loop3A_840 : i32 to index
        %parallel_loop3A_870 = tpu.vector_load %arg7[%parallel_loop3A_868, %parallel_loop3A_869] {strides = array<i32>} : memref<32x1024xf32, #tpu.memory_space<vmem>>, vector<1x16xf32>,
        %parallel_loop3A_871 = vector.shape_cast %parallel_loop3A_870 : vector<1x16xf32> to vector<16xf32>
        %parallel_loop3A_872 = vector.shape_cast %parallel_loop3A_844 : vector<16xf32> to vector<1x16xf32>
        tpu.vector_store %arg7[%parallel_loop3A_868, %parallel_loop3A_869], %parallel_loop3A_872 {add = true, strides = array<i32>} : memref<32x1024xf32, #tpu.memory_space<vmem>>, vector<1x16xf32>,
        %parallel_loop3A_873 = arith.constant 144 : i32
        %parallel_loop3A_874 = arith.addi %parallel_loop3A_566, %parallel_loop3A_873 : i32
        %parallel_loop3A_875 = arith.index_cast %parallel_loop3A_548 : i32 to index
        %parallel_loop3A_876 = arith.index_cast %parallel_loop3A_874 : i32 to index
        %parallel_loop3A_877 = tpu.vector_load %arg9[%parallel_loop3A_875, %parallel_loop3A_876] {strides = array<i32>} : memref<8x1024xf32, #tpu.memory_space<vmem>>, vector<1x16xf32>,
        %parallel_loop3A_878 = vector.shape_cast %parallel_loop3A_877 : vector<1x16xf32> to vector<16xf32>
        %parallel_loop3A_879 = arith.constant 0 : i32
        %parallel_loop3A_880 = arith.addi %parallel_loop3A_879, %parallel_loop3A_548 : i32
        %parallel_loop3A_881 = arith.index_cast %parallel_loop3A_880 : i32 to index
        %parallel_loop3A_882 = arith.index_cast %parallel_loop3A_874 : i32 to index
        %parallel_loop3A_883 = tpu.vector_load %arg7[%parallel_loop3A_881, %parallel_loop3A_882] {strides = array<i32>} : memref<32x1024xf32, #tpu.memory_space<vmem>>, vector<1x16xf32>,
        %parallel_loop3A_884 = vector.shape_cast %parallel_loop3A_883 : vector<1x16xf32> to vector<16xf32>
        %parallel_loop3A_885 = vector.shape_cast %parallel_loop3A_878 : vector<16xf32> to vector<1x16xf32>
        tpu.vector_store %arg7[%parallel_loop3A_881, %parallel_loop3A_882], %parallel_loop3A_885 {add = true, strides = array<i32>} : memref<32x1024xf32, #tpu.memory_space<vmem>>, vector<1x16xf32>,
        %parallel_loop3A_886 = arith.constant 8 : i32
        %parallel_loop3A_887 = arith.addi %parallel_loop3A_886, %parallel_loop3A_548 : i32
        %parallel_loop3A_888 = arith.index_cast %parallel_loop3A_887 : i32 to index
        %parallel_loop3A_889 = arith.index_cast %parallel_loop3A_874 : i32 to index
        %parallel_loop3A_890 = tpu.vector_load %arg7[%parallel_loop3A_888, %parallel_loop3A_889] {strides = array<i32>} : memref<32x1024xf32, #tpu.memory_space<vmem>>, vector<1x16xf32>,
        %parallel_loop3A_891 = vector.shape_cast %parallel_loop3A_890 : vector<1x16xf32> to vector<16xf32>
        %parallel_loop3A_892 = vector.shape_cast %parallel_loop3A_878 : vector<16xf32> to vector<1x16xf32>
        tpu.vector_store %arg7[%parallel_loop3A_888, %parallel_loop3A_889], %parallel_loop3A_892 {add = true, strides = array<i32>} : memref<32x1024xf32, #tpu.memory_space<vmem>>, vector<1x16xf32>,
        %parallel_loop3A_893 = arith.constant 16 : i32
        %parallel_loop3A_894 = arith.addi %parallel_loop3A_893, %parallel_loop3A_548 : i32
        %parallel_loop3A_895 = arith.index_cast %parallel_loop3A_894 : i32 to index
        %parallel_loop3A_896 = arith.index_cast %parallel_loop3A_874 : i32 to index
        %parallel_loop3A_897 = tpu.vector_load %arg7[%parallel_loop3A_895, %parallel_loop3A_896] {strides = array<i32>} : memref<32x1024xf32, #tpu.memory_space<vmem>>, vector<1x16xf32>,
        %parallel_loop3A_898 = vector.shape_cast %parallel_loop3A_897 : vector<1x16xf32> to vector<16xf32>
        %parallel_loop3A_899 = vector.shape_cast %parallel_loop3A_878 : vector<16xf32> to vector<1x16xf32>
        tpu.vector_store %arg7[%parallel_loop3A_895, %parallel_loop3A_896], %parallel_loop3A_899 {add = true, strides = array<i32>} : memref<32x1024xf32, #tpu.memory_space<vmem>>, vector<1x16xf32>,
        %parallel_loop3A_900 = arith.constant 24 : i32
        %parallel_loop3A_901 = arith.addi %parallel_loop3A_900, %parallel_loop3A_548 : i32
        %parallel_loop3A_902 = arith.index_cast %parallel_loop3A_901 : i32 to index
        %parallel_loop3A_903 = arith.index_cast %parallel_loop3A_874 : i32 to index
        %parallel_loop3A_904 = tpu.vector_load %arg7[%parallel_loop3A_902, %parallel_loop3A_903] {strides = array<i32>} : memref<32x1024xf32, #tpu.memory_space<vmem>>, vector<1x16xf32>,
        %parallel_loop3A_905 = vector.shape_cast %parallel_loop3A_904 : vector<1x16xf32> to vector<16xf32>
        %parallel_loop3A_906 = vector.shape_cast %parallel_loop3A_878 : vector<16xf32> to vector<1x16xf32>
        tpu.vector_store %arg7[%parallel_loop3A_902, %parallel_loop3A_903], %parallel_loop3A_906 {add = true, strides = array<i32>} : memref<32x1024xf32, #tpu.memory_space<vmem>>, vector<1x16xf32>,
        %parallel_loop3A_907 = arith.constant 160 : i32
        %parallel_loop3A_908 = arith.addi %parallel_loop3A_566, %parallel_loop3A_907 : i32
        %parallel_loop3A_909 = arith.index_cast %parallel_loop3A_548 : i32 to index
        %parallel_loop3A_910 = arith.index_cast %parallel_loop3A_908 : i32 to index
        %parallel_loop3A_911 = tpu.vector_load %arg9[%parallel_loop3A_909, %parallel_loop3A_910] {strides = array<i32>} : memref<8x1024xf32, #tpu.memory_space<vmem>>, vector<1x16xf32>,
        %parallel_loop3A_912 = vector.shape_cast %parallel_loop3A_911 : vector<1x16xf32> to vector<16xf32>
        %parallel_loop3A_913 = arith.constant 0 : i32
        %parallel_loop3A_914 = arith.addi %parallel_loop3A_913, %parallel_loop3A_548 : i32
        %parallel_loop3A_915 = arith.index_cast %parallel_loop3A_914 : i32 to index
        %parallel_loop3A_916 = arith.index_cast %parallel_loop3A_908 : i32 to index
        %parallel_loop3A_917 = tpu.vector_load %arg7[%parallel_loop3A_915, %parallel_loop3A_916] {strides = array<i32>} : memref<32x1024xf32, #tpu.memory_space<vmem>>, vector<1x16xf32>,
        %parallel_loop3A_918 = vector.shape_cast %parallel_loop3A_917 : vector<1x16xf32> to vector<16xf32>
        %parallel_loop3A_919 = vector.shape_cast %parallel_loop3A_912 : vector<16xf32> to vector<1x16xf32>
        tpu.vector_store %arg7[%parallel_loop3A_915, %parallel_loop3A_916], %parallel_loop3A_919 {add = true, strides = array<i32>} : memref<32x1024xf32, #tpu.memory_space<vmem>>, vector<1x16xf32>,
        %parallel_loop3A_920 = arith.constant 8 : i32
        %parallel_loop3A_921 = arith.addi %parallel_loop3A_920, %parallel_loop3A_548 : i32
        %parallel_loop3A_922 = arith.index_cast %parallel_loop3A_921 : i32 to index
        %parallel_loop3A_923 = arith.index_cast %parallel_loop3A_908 : i32 to index
        %parallel_loop3A_924 = tpu.vector_load %arg7[%parallel_loop3A_922, %parallel_loop3A_923] {strides = array<i32>} : memref<32x1024xf32, #tpu.memory_space<vmem>>, vector<1x16xf32>,
        %parallel_loop3A_925 = vector.shape_cast %parallel_loop3A_924 : vector<1x16xf32> to vector<16xf32>
        %parallel_loop3A_926 = vector.shape_cast %parallel_loop3A_912 : vector<16xf32> to vector<1x16xf32>
        tpu.vector_store %arg7[%parallel_loop3A_922, %parallel_loop3A_923], %parallel_loop3A_926 {add = true, strides = array<i32>} : memref<32x1024xf32, #tpu.memory_space<vmem>>, vector<1x16xf32>,
        %parallel_loop3A_927 = arith.constant 16 : i32
        %parallel_loop3A_928 = arith.addi %parallel_loop3A_927, %parallel_loop3A_548 : i32
        %parallel_loop3A_929 = arith.index_cast %parallel_loop3A_928 : i32 to index
        %parallel_loop3A_930 = arith.index_cast %parallel_loop3A_908 : i32 to index
        %parallel_loop3A_931 = tpu.vector_load %arg7[%parallel_loop3A_929, %parallel_loop3A_930] {strides = array<i32>} : memref<32x1024xf32, #tpu.memory_space<vmem>>, vector<1x16xf32>,
        %parallel_loop3A_932 = vector.shape_cast %parallel_loop3A_931 : vector<1x16xf32> to vector<16xf32>
        %parallel_loop3A_933 = vector.shape_cast %parallel_loop3A_912 : vector<16xf32> to vector<1x16xf32>
        tpu.vector_store %arg7[%parallel_loop3A_929, %parallel_loop3A_930], %parallel_loop3A_933 {add = true, strides = array<i32>} : memref<32x1024xf32, #tpu.memory_space<vmem>>, vector<1x16xf32>,
        %parallel_loop3A_934 = arith.constant 24 : i32
        %parallel_loop3A_935 = arith.addi %parallel_loop3A_934, %parallel_loop3A_548 : i32
        %parallel_loop3A_936 = arith.index_cast %parallel_loop3A_935 : i32 to index
        %parallel_loop3A_937 = arith.index_cast %parallel_loop3A_908 : i32 to index
        %parallel_loop3A_938 = tpu.vector_load %arg7[%parallel_loop3A_936, %parallel_loop3A_937] {strides = array<i32>} : memref<32x1024xf32, #tpu.memory_space<vmem>>, vector<1x16xf32>,
        %parallel_loop3A_939 = vector.shape_cast %parallel_loop3A_938 : vector<1x16xf32> to vector<16xf32>
        %parallel_loop3A_940 = vector.shape_cast %parallel_loop3A_912 : vector<16xf32> to vector<1x16xf32>
        tpu.vector_store %arg7[%parallel_loop3A_936, %parallel_loop3A_937], %parallel_loop3A_940 {add = true, strides = array<i32>} : memref<32x1024xf32, #tpu.memory_space<vmem>>, vector<1x16xf32>,
        %parallel_loop3A_941 = arith.constant 176 : i32
        %parallel_loop3A_942 = arith.addi %parallel_loop3A_566, %parallel_loop3A_941 : i32
        %parallel_loop3A_943 = arith.index_cast %parallel_loop3A_548 : i32 to index
        %parallel_loop3A_944 = arith.index_cast %parallel_loop3A_942 : i32 to index
        %parallel_loop3A_945 = tpu.vector_load %arg9[%parallel_loop3A_943, %parallel_loop3A_944] {strides = array<i32>} : memref<8x1024xf32, #tpu.memory_space<vmem>>, vector<1x16xf32>,
        %parallel_loop3A_946 = vector.shape_cast %parallel_loop3A_945 : vector<1x16xf32> to vector<16xf32>
        %parallel_loop3A_947 = arith.constant 0 : i32
        %parallel_loop3A_948 = arith.addi %parallel_loop3A_947, %parallel_loop3A_548 : i32
        %parallel_loop3A_949 = arith.index_cast %parallel_loop3A_948 : i32 to index
        %parallel_loop3A_950 = arith.index_cast %parallel_loop3A_942 : i32 to index
        %parallel_loop3A_951 = tpu.vector_load %arg7[%parallel_loop3A_949, %parallel_loop3A_950] {strides = array<i32>} : memref<32x1024xf32, #tpu.memory_space<vmem>>, vector<1x16xf32>,
        %parallel_loop3A_952 = vector.shape_cast %parallel_loop3A_951 : vector<1x16xf32> to vector<16xf32>
        %parallel_loop3A_953 = vector.shape_cast %parallel_loop3A_946 : vector<16xf32> to vector<1x16xf32>
        tpu.vector_store %arg7[%parallel_loop3A_949, %parallel_loop3A_950], %parallel_loop3A_953 {add = true, strides = array<i32>} : memref<32x1024xf32, #tpu.memory_space<vmem>>, vector<1x16xf32>,
        %parallel_loop3A_954 = arith.constant 8 : i32
        %parallel_loop3A_955 = arith.addi %parallel_loop3A_954, %parallel_loop3A_548 : i32
        %parallel_loop3A_956 = arith.index_cast %parallel_loop3A_955 : i32 to index
        %parallel_loop3A_957 = arith.index_cast %parallel_loop3A_942 : i32 to index
        %parallel_loop3A_958 = tpu.vector_load %arg7[%parallel_loop3A_956, %parallel_loop3A_957] {strides = array<i32>} : memref<32x1024xf32, #tpu.memory_space<vmem>>, vector<1x16xf32>,
        %parallel_loop3A_959 = vector.shape_cast %parallel_loop3A_958 : vector<1x16xf32> to vector<16xf32>
        %parallel_loop3A_960 = vector.shape_cast %parallel_loop3A_946 : vector<16xf32> to vector<1x16xf32>
        tpu.vector_store %arg7[%parallel_loop3A_956, %parallel_loop3A_957], %parallel_loop3A_960 {add = true, strides = array<i32>} : memref<32x1024xf32, #tpu.memory_space<vmem>>, vector<1x16xf32>,
        %parallel_loop3A_961 = arith.constant 16 : i32
        %parallel_loop3A_962 = arith.addi %parallel_loop3A_961, %parallel_loop3A_548 : i32
        %parallel_loop3A_963 = arith.index_cast %parallel_loop3A_962 : i32 to index
        %parallel_loop3A_964 = arith.index_cast %parallel_loop3A_942 : i32 to index
        %parallel_loop3A_965 = tpu.vector_load %arg7[%parallel_loop3A_963, %parallel_loop3A_964] {strides = array<i32>} : memref<32x1024xf32, #tpu.memory_space<vmem>>, vector<1x16xf32>,
        %parallel_loop3A_966 = vector.shape_cast %parallel_loop3A_965 : vector<1x16xf32> to vector<16xf32>
        %parallel_loop3A_967 = vector.shape_cast %parallel_loop3A_946 : vector<16xf32> to vector<1x16xf32>
        tpu.vector_store %arg7[%parallel_loop3A_963, %parallel_loop3A_964], %parallel_loop3A_967 {add = true, strides = array<i32>} : memref<32x1024xf32, #tpu.memory_space<vmem>>, vector<1x16xf32>,
        %parallel_loop3A_968 = arith.constant 24 : i32
        %parallel_loop3A_969 = arith.addi %parallel_loop3A_968, %parallel_loop3A_548 : i32
        %parallel_loop3A_970 = arith.index_cast %parallel_loop3A_969 : i32 to index
        %parallel_loop3A_971 = arith.index_cast %parallel_loop3A_942 : i32 to index
        %parallel_loop3A_972 = tpu.vector_load %arg7[%parallel_loop3A_970, %parallel_loop3A_971] {strides = array<i32>} : memref<32x1024xf32, #tpu.memory_space<vmem>>, vector<1x16xf32>,
        %parallel_loop3A_973 = vector.shape_cast %parallel_loop3A_972 : vector<1x16xf32> to vector<16xf32>
        %parallel_loop3A_974 = vector.shape_cast %parallel_loop3A_946 : vector<16xf32> to vector<1x16xf32>
        tpu.vector_store %arg7[%parallel_loop3A_970, %parallel_loop3A_971], %parallel_loop3A_974 {add = true, strides = array<i32>} : memref<32x1024xf32, #tpu.memory_space<vmem>>, vector<1x16xf32>,
        %parallel_loop3A_975 = arith.constant 192 : i32
        %parallel_loop3A_976 = arith.addi %parallel_loop3A_566, %parallel_loop3A_975 : i32
        %parallel_loop3A_977 = arith.index_cast %parallel_loop3A_548 : i32 to index
        %parallel_loop3A_978 = arith.index_cast %parallel_loop3A_976 : i32 to index
        %parallel_loop3A_979 = tpu.vector_load %arg9[%parallel_loop3A_977, %parallel_loop3A_978] {strides = array<i32>} : memref<8x1024xf32, #tpu.memory_space<vmem>>, vector<1x16xf32>,
        %parallel_loop3A_980 = vector.shape_cast %parallel_loop3A_979 : vector<1x16xf32> to vector<16xf32>
        %parallel_loop3A_981 = arith.constant 0 : i32
        %parallel_loop3A_982 = arith.addi %parallel_loop3A_981, %parallel_loop3A_548 : i32
        %parallel_loop3A_983 = arith.index_cast %parallel_loop3A_982 : i32 to index
        %parallel_loop3A_984 = arith.index_cast %parallel_loop3A_976 : i32 to index
        %parallel_loop3A_985 = tpu.vector_load %arg7[%parallel_loop3A_983, %parallel_loop3A_984] {strides = array<i32>} : memref<32x1024xf32, #tpu.memory_space<vmem>>, vector<1x16xf32>,
        %parallel_loop3A_986 = vector.shape_cast %parallel_loop3A_985 : vector<1x16xf32> to vector<16xf32>
        %parallel_loop3A_987 = vector.shape_cast %parallel_loop3A_980 : vector<16xf32> to vector<1x16xf32>
        tpu.vector_store %arg7[%parallel_loop3A_983, %parallel_loop3A_984], %parallel_loop3A_987 {add = true, strides = array<i32>} : memref<32x1024xf32, #tpu.memory_space<vmem>>, vector<1x16xf32>,
        %parallel_loop3A_988 = arith.constant 8 : i32
        %parallel_loop3A_989 = arith.addi %parallel_loop3A_988, %parallel_loop3A_548 : i32
        %parallel_loop3A_990 = arith.index_cast %parallel_loop3A_989 : i32 to index
        %parallel_loop3A_991 = arith.index_cast %parallel_loop3A_976 : i32 to index
        %parallel_loop3A_992 = tpu.vector_load %arg7[%parallel_loop3A_990, %parallel_loop3A_991] {strides = array<i32>} : memref<32x1024xf32, #tpu.memory_space<vmem>>, vector<1x16xf32>,
        %parallel_loop3A_993 = vector.shape_cast %parallel_loop3A_992 : vector<1x16xf32> to vector<16xf32>
        %parallel_loop3A_994 = vector.shape_cast %parallel_loop3A_980 : vector<16xf32> to vector<1x16xf32>
        tpu.vector_store %arg7[%parallel_loop3A_990, %parallel_loop3A_991], %parallel_loop3A_994 {add = true, strides = array<i32>} : memref<32x1024xf32, #tpu.memory_space<vmem>>, vector<1x16xf32>,
        %parallel_loop3A_995 = arith.constant 16 : i32
        %parallel_loop3A_996 = arith.addi %parallel_loop3A_995, %parallel_loop3A_548 : i32
        %parallel_loop3A_997 = arith.index_cast %parallel_loop3A_996 : i32 to index
        %parallel_loop3A_998 = arith.index_cast %parallel_loop3A_976 : i32 to index
        %parallel_loop3A_999 = tpu.vector_load %arg7[%parallel_loop3A_997, %parallel_loop3A_998] {strides = array<i32>} : memref<32x1024xf32, #tpu.memory_space<vmem>>, vector<1x16xf32>,
        %parallel_loop3A_1000 = vector.shape_cast %parallel_loop3A_999 : vector<1x16xf32> to vector<16xf32>
        %parallel_loop3A_1001 = vector.shape_cast %parallel_loop3A_980 : vector<16xf32> to vector<1x16xf32>
        tpu.vector_store %arg7[%parallel_loop3A_997, %parallel_loop3A_998], %parallel_loop3A_1001 {add = true, strides = array<i32>} : memref<32x1024xf32, #tpu.memory_space<vmem>>, vector<1x16xf32>,
        %parallel_loop3A_1002 = arith.constant 24 : i32
        %parallel_loop3A_1003 = arith.addi %parallel_loop3A_1002, %parallel_loop3A_548 : i32
        %parallel_loop3A_1004 = arith.index_cast %parallel_loop3A_1003 : i32 to index
        %parallel_loop3A_1005 = arith.index_cast %parallel_loop3A_976 : i32 to index
        %parallel_loop3A_1006 = tpu.vector_load %arg7[%parallel_loop3A_1004, %parallel_loop3A_1005] {strides = array<i32>} : memref<32x1024xf32, #tpu.memory_space<vmem>>, vector<1x16xf32>,
        %parallel_loop3A_1007 = vector.shape_cast %parallel_loop3A_1006 : vector<1x16xf32> to vector<16xf32>
        %parallel_loop3A_1008 = vector.shape_cast %parallel_loop3A_980 : vector<16xf32> to vector<1x16xf32>
        tpu.vector_store %arg7[%parallel_loop3A_1004, %parallel_loop3A_1005], %parallel_loop3A_1008 {add = true, strides = array<i32>} : memref<32x1024xf32, #tpu.memory_space<vmem>>, vector<1x16xf32>,
        %parallel_loop3A_1009 = arith.constant 208 : i32
        %parallel_loop3A_1010 = arith.addi %parallel_loop3A_566, %parallel_loop3A_1009 : i32
        %parallel_loop3A_1011 = arith.index_cast %parallel_loop3A_548 : i32 to index
        %parallel_loop3A_1012 = arith.index_cast %parallel_loop3A_1010 : i32 to index
        %parallel_loop3A_1013 = tpu.vector_load %arg9[%parallel_loop3A_1011, %parallel_loop3A_1012] {strides = array<i32>} : memref<8x1024xf32, #tpu.memory_space<vmem>>, vector<1x16xf32>,
        %parallel_loop3A_1014 = vector.shape_cast %parallel_loop3A_1013 : vector<1x16xf32> to vector<16xf32>
        %parallel_loop3A_1015 = arith.constant 0 : i32
        %parallel_loop3A_1016 = arith.addi %parallel_loop3A_1015, %parallel_loop3A_548 : i32
        %parallel_loop3A_1017 = arith.index_cast %parallel_loop3A_1016 : i32 to index
        %parallel_loop3A_1018 = arith.index_cast %parallel_loop3A_1010 : i32 to index
        %parallel_loop3A_1019 = tpu.vector_load %arg7[%parallel_loop3A_1017, %parallel_loop3A_1018] {strides = array<i32>} : memref<32x1024xf32, #tpu.memory_space<vmem>>, vector<1x16xf32>,
        %parallel_loop3A_1020 = vector.shape_cast %parallel_loop3A_1019 : vector<1x16xf32> to vector<16xf32>
        %parallel_loop3A_1021 = vector.shape_cast %parallel_loop3A_1014 : vector<16xf32> to vector<1x16xf32>
        tpu.vector_store %arg7[%parallel_loop3A_1017, %parallel_loop3A_1018], %parallel_loop3A_1021 {add = true, strides = array<i32>} : memref<32x1024xf32, #tpu.memory_space<vmem>>, vector<1x16xf32>,
        %parallel_loop3A_1022 = arith.constant 8 : i32
        %parallel_loop3A_1023 = arith.addi %parallel_loop3A_1022, %parallel_loop3A_548 : i32
        %parallel_loop3A_1024 = arith.index_cast %parallel_loop3A_1023 : i32 to index
        %parallel_loop3A_1025 = arith.index_cast %parallel_loop3A_1010 : i32 to index
        %parallel_loop3A_1026 = tpu.vector_load %arg7[%parallel_loop3A_1024, %parallel_loop3A_1025] {strides = array<i32>} : memref<32x1024xf32, #tpu.memory_space<vmem>>, vector<1x16xf32>,
        %parallel_loop3A_1027 = vector.shape_cast %parallel_loop3A_1026 : vector<1x16xf32> to vector<16xf32>
        %parallel_loop3A_1028 = vector.shape_cast %parallel_loop3A_1014 : vector<16xf32> to vector<1x16xf32>
        tpu.vector_store %arg7[%parallel_loop3A_1024, %parallel_loop3A_1025], %parallel_loop3A_1028 {add = true, strides = array<i32>} : memref<32x1024xf32, #tpu.memory_space<vmem>>, vector<1x16xf32>,
        %parallel_loop3A_1029 = arith.constant 16 : i32
        %parallel_loop3A_1030 = arith.addi %parallel_loop3A_1029, %parallel_loop3A_548 : i32
        %parallel_loop3A_1031 = arith.index_cast %parallel_loop3A_1030 : i32 to index
        %parallel_loop3A_1032 = arith.index_cast %parallel_loop3A_1010 : i32 to index
        %parallel_loop3A_1033 = tpu.vector_load %arg7[%parallel_loop3A_1031, %parallel_loop3A_1032] {strides = array<i32>} : memref<32x1024xf32, #tpu.memory_space<vmem>>, vector<1x16xf32>,
        %parallel_loop3A_1034 = vector.shape_cast %parallel_loop3A_1033 : vector<1x16xf32> to vector<16xf32>
        %parallel_loop3A_1035 = vector.shape_cast %parallel_loop3A_1014 : vector<16xf32> to vector<1x16xf32>
        tpu.vector_store %arg7[%parallel_loop3A_1031, %parallel_loop3A_1032], %parallel_loop3A_1035 {add = true, strides = array<i32>} : memref<32x1024xf32, #tpu.memory_space<vmem>>, vector<1x16xf32>,
        %parallel_loop3A_1036 = arith.constant 24 : i32
        %parallel_loop3A_1037 = arith.addi %parallel_loop3A_1036, %parallel_loop3A_548 : i32
        %parallel_loop3A_1038 = arith.index_cast %parallel_loop3A_1037 : i32 to index
        %parallel_loop3A_1039 = arith.index_cast %parallel_loop3A_1010 : i32 to index
        %parallel_loop3A_1040 = tpu.vector_load %arg7[%parallel_loop3A_1038, %parallel_loop3A_1039] {strides = array<i32>} : memref<32x1024xf32, #tpu.memory_space<vmem>>, vector<1x16xf32>,
        %parallel_loop3A_1041 = vector.shape_cast %parallel_loop3A_1040 : vector<1x16xf32> to vector<16xf32>
        %parallel_loop3A_1042 = vector.shape_cast %parallel_loop3A_1014 : vector<16xf32> to vector<1x16xf32>
        tpu.vector_store %arg7[%parallel_loop3A_1038, %parallel_loop3A_1039], %parallel_loop3A_1042 {add = true, strides = array<i32>} : memref<32x1024xf32, #tpu.memory_space<vmem>>, vector<1x16xf32>,
        %parallel_loop3A_1043 = arith.constant 224 : i32
        %parallel_loop3A_1044 = arith.addi %parallel_loop3A_566, %parallel_loop3A_1043 : i32
        %parallel_loop3A_1045 = arith.index_cast %parallel_loop3A_548 : i32 to index
        %parallel_loop3A_1046 = arith.index_cast %parallel_loop3A_1044 : i32 to index
        %parallel_loop3A_1047 = tpu.vector_load %arg9[%parallel_loop3A_1045, %parallel_loop3A_1046] {strides = array<i32>} : memref<8x1024xf32, #tpu.memory_space<vmem>>, vector<1x16xf32>,
        %parallel_loop3A_1048 = vector.shape_cast %parallel_loop3A_1047 : vector<1x16xf32> to vector<16xf32>
        %parallel_loop3A_1049 = arith.constant 0 : i32
        %parallel_loop3A_1050 = arith.addi %parallel_loop3A_1049, %parallel_loop3A_548 : i32
        %parallel_loop3A_1051 = arith.index_cast %parallel_loop3A_1050 : i32 to index
        %parallel_loop3A_1052 = arith.index_cast %parallel_loop3A_1044 : i32 to index
        %parallel_loop3A_1053 = tpu.vector_load %arg7[%parallel_loop3A_1051, %parallel_loop3A_1052] {strides = array<i32>} : memref<32x1024xf32, #tpu.memory_space<vmem>>, vector<1x16xf32>,
        %parallel_loop3A_1054 = vector.shape_cast %parallel_loop3A_1053 : vector<1x16xf32> to vector<16xf32>
        %parallel_loop3A_1055 = vector.shape_cast %parallel_loop3A_1048 : vector<16xf32> to vector<1x16xf32>
        tpu.vector_store %arg7[%parallel_loop3A_1051, %parallel_loop3A_1052], %parallel_loop3A_1055 {add = true, strides = array<i32>} : memref<32x1024xf32, #tpu.memory_space<vmem>>, vector<1x16xf32>,
        %parallel_loop3A_1056 = arith.constant 8 : i32
        %parallel_loop3A_1057 = arith.addi %parallel_loop3A_1056, %parallel_loop3A_548 : i32
        %parallel_loop3A_1058 = arith.index_cast %parallel_loop3A_1057 : i32 to index
        %parallel_loop3A_1059 = arith.index_cast %parallel_loop3A_1044 : i32 to index
        %parallel_loop3A_1060 = tpu.vector_load %arg7[%parallel_loop3A_1058, %parallel_loop3A_1059] {strides = array<i32>} : memref<32x1024xf32, #tpu.memory_space<vmem>>, vector<1x16xf32>,
        %parallel_loop3A_1061 = vector.shape_cast %parallel_loop3A_1060 : vector<1x16xf32> to vector<16xf32>
        %parallel_loop3A_1062 = vector.shape_cast %parallel_loop3A_1048 : vector<16xf32> to vector<1x16xf32>
        tpu.vector_store %arg7[%parallel_loop3A_1058, %parallel_loop3A_1059], %parallel_loop3A_1062 {add = true, strides = array<i32>} : memref<32x1024xf32, #tpu.memory_space<vmem>>, vector<1x16xf32>,
        %parallel_loop3A_1063 = arith.constant 16 : i32
        %parallel_loop3A_1064 = arith.addi %parallel_loop3A_1063, %parallel_loop3A_548 : i32
        %parallel_loop3A_1065 = arith.index_cast %parallel_loop3A_1064 : i32 to index
        %parallel_loop3A_1066 = arith.index_cast %parallel_loop3A_1044 : i32 to index
        %parallel_loop3A_1067 = tpu.vector_load %arg7[%parallel_loop3A_1065, %parallel_loop3A_1066] {strides = array<i32>} : memref<32x1024xf32, #tpu.memory_space<vmem>>, vector<1x16xf32>,
        %parallel_loop3A_1068 = vector.shape_cast %parallel_loop3A_1067 : vector<1x16xf32> to vector<16xf32>
        %parallel_loop3A_1069 = vector.shape_cast %parallel_loop3A_1048 : vector<16xf32> to vector<1x16xf32>
        tpu.vector_store %arg7[%parallel_loop3A_1065, %parallel_loop3A_1066], %parallel_loop3A_1069 {add = true, strides = array<i32>} : memref<32x1024xf32, #tpu.memory_space<vmem>>, vector<1x16xf32>,
        %parallel_loop3A_1070 = arith.constant 24 : i32
        %parallel_loop3A_1071 = arith.addi %parallel_loop3A_1070, %parallel_loop3A_548 : i32
        %parallel_loop3A_1072 = arith.index_cast %parallel_loop3A_1071 : i32 to index
        %parallel_loop3A_1073 = arith.index_cast %parallel_loop3A_1044 : i32 to index
        %parallel_loop3A_1074 = tpu.vector_load %arg7[%parallel_loop3A_1072, %parallel_loop3A_1073] {strides = array<i32>} : memref<32x1024xf32, #tpu.memory_space<vmem>>, vector<1x16xf32>,
        %parallel_loop3A_1075 = vector.shape_cast %parallel_loop3A_1074 : vector<1x16xf32> to vector<16xf32>
        %parallel_loop3A_1076 = vector.shape_cast %parallel_loop3A_1048 : vector<16xf32> to vector<1x16xf32>
        tpu.vector_store %arg7[%parallel_loop3A_1072, %parallel_loop3A_1073], %parallel_loop3A_1076 {add = true, strides = array<i32>} : memref<32x1024xf32, #tpu.memory_space<vmem>>, vector<1x16xf32>,
        %parallel_loop3A_1077 = arith.constant 240 : i32
        %parallel_loop3A_1078 = arith.addi %parallel_loop3A_566, %parallel_loop3A_1077 : i32
        %parallel_loop3A_1079 = arith.index_cast %parallel_loop3A_548 : i32 to index
        %parallel_loop3A_1080 = arith.index_cast %parallel_loop3A_1078 : i32 to index
        %parallel_loop3A_1081 = tpu.vector_load %arg9[%parallel_loop3A_1079, %parallel_loop3A_1080] {strides = array<i32>} : memref<8x1024xf32, #tpu.memory_space<vmem>>, vector<1x16xf32>,
        %parallel_loop3A_1082 = vector.shape_cast %parallel_loop3A_1081 : vector<1x16xf32> to vector<16xf32>
        %parallel_loop3A_1083 = arith.constant 0 : i32
        %parallel_loop3A_1084 = arith.addi %parallel_loop3A_1083, %parallel_loop3A_548 : i32
        %parallel_loop3A_1085 = arith.index_cast %parallel_loop3A_1084 : i32 to index
        %parallel_loop3A_1086 = arith.index_cast %parallel_loop3A_1078 : i32 to index
        %parallel_loop3A_1087 = tpu.vector_load %arg7[%parallel_loop3A_1085, %parallel_loop3A_1086] {strides = array<i32>} : memref<32x1024xf32, #tpu.memory_space<vmem>>, vector<1x16xf32>,
        %parallel_loop3A_1088 = vector.shape_cast %parallel_loop3A_1087 : vector<1x16xf32> to vector<16xf32>
        %parallel_loop3A_1089 = vector.shape_cast %parallel_loop3A_1082 : vector<16xf32> to vector<1x16xf32>
        tpu.vector_store %arg7[%parallel_loop3A_1085, %parallel_loop3A_1086], %parallel_loop3A_1089 {add = true, strides = array<i32>} : memref<32x1024xf32, #tpu.memory_space<vmem>>, vector<1x16xf32>,
        %parallel_loop3A_1090 = arith.constant 8 : i32
        %parallel_loop3A_1091 = arith.addi %parallel_loop3A_1090, %parallel_loop3A_548 : i32
        %parallel_loop3A_1092 = arith.index_cast %parallel_loop3A_1091 : i32 to index
        %parallel_loop3A_1093 = arith.index_cast %parallel_loop3A_1078 : i32 to index
        %parallel_loop3A_1094 = tpu.vector_load %arg7[%parallel_loop3A_1092, %parallel_loop3A_1093] {strides = array<i32>} : memref<32x1024xf32, #tpu.memory_space<vmem>>, vector<1x16xf32>,
        %parallel_loop3A_1095 = vector.shape_cast %parallel_loop3A_1094 : vector<1x16xf32> to vector<16xf32>
        %parallel_loop3A_1096 = vector.shape_cast %parallel_loop3A_1082 : vector<16xf32> to vector<1x16xf32>
        tpu.vector_store %arg7[%parallel_loop3A_1092, %parallel_loop3A_1093], %parallel_loop3A_1096 {add = true, strides = array<i32>} : memref<32x1024xf32, #tpu.memory_space<vmem>>, vector<1x16xf32>,
        %parallel_loop3A_1097 = arith.constant 16 : i32
        %parallel_loop3A_1098 = arith.addi %parallel_loop3A_1097, %parallel_loop3A_548 : i32
        %parallel_loop3A_1099 = arith.index_cast %parallel_loop3A_1098 : i32 to index
        %parallel_loop3A_1100 = arith.index_cast %parallel_loop3A_1078 : i32 to index
        %parallel_loop3A_1101 = tpu.vector_load %arg7[%parallel_loop3A_1099, %parallel_loop3A_1100] {strides = array<i32>} : memref<32x1024xf32, #tpu.memory_space<vmem>>, vector<1x16xf32>,
        %parallel_loop3A_1102 = vector.shape_cast %parallel_loop3A_1101 : vector<1x16xf32> to vector<16xf32>
        %parallel_loop3A_1103 = vector.shape_cast %parallel_loop3A_1082 : vector<16xf32> to vector<1x16xf32>
        tpu.vector_store %arg7[%parallel_loop3A_1099, %parallel_loop3A_1100], %parallel_loop3A_1103 {add = true, strides = array<i32>} : memref<32x1024xf32, #tpu.memory_space<vmem>>, vector<1x16xf32>,
        %parallel_loop3A_1104 = arith.constant 24 : i32
        %parallel_loop3A_1105 = arith.addi %parallel_loop3A_1104, %parallel_loop3A_548 : i32
        %parallel_loop3A_1106 = arith.index_cast %parallel_loop3A_1105 : i32 to index
        %parallel_loop3A_1107 = arith.index_cast %parallel_loop3A_1078 : i32 to index
        %parallel_loop3A_1108 = tpu.vector_load %arg7[%parallel_loop3A_1106, %parallel_loop3A_1107] {strides = array<i32>} : memref<32x1024xf32, #tpu.memory_space<vmem>>, vector<1x16xf32>,
        %parallel_loop3A_1109 = vector.shape_cast %parallel_loop3A_1108 : vector<1x16xf32> to vector<16xf32>
        %parallel_loop3A_1110 = vector.shape_cast %parallel_loop3A_1082 : vector<16xf32> to vector<1x16xf32>
        tpu.vector_store %arg7[%parallel_loop3A_1106, %parallel_loop3A_1107], %parallel_loop3A_1110 {add = true, strides = array<i32>} : memref<32x1024xf32, #tpu.memory_space<vmem>>, vector<1x16xf32>,
      } {sc.loop_unroll_factor = 1 : i64, sc.parallel_access}
      %dma_start3A_323 = arith.constant 0 : i32
      %dma_start3A_324 = arith.constant 0 : i32
      %dma_start3A_325 = arith.constant 0 : i32
      %dma_start3A_326 = tpu.memref_slice %arg7[%dma_start3A_324, %dma_start3A_325] : memref<32x1024xf32, #tpu.memory_space<vmem>> -> memref<8x1024xf32, #tpu.memory_space<vmem>>
      %dma_start3A_327 = arith.constant 0 : i32
      %dma_start3A_328 = tpu.memref_slice %arg5[%dma_start3A_323, %add3A_242, %dma_start3A_327] : memref<4x8192x1024xf32, #tpu.memory_space<hbm>> -> memref<1x8x1024xf32, #tpu.memory_space<hbm>>
      %dma_start3A_329 = tpu.memref_squeeze %dma_start3A_328 : memref<1x8x1024xf32, #tpu.memory_space<hbm>> -> memref<8x1024xf32, #tpu.memory_space<hbm>>
      %dma_start3A_330 = arith.constant 0 : i32
      %dma_start3A_331 = tpu.memref_slice %arg5[%dma_start3A_323, %add3A_242, %dma_start3A_330] : memref<4x8192x1024xf32, #tpu.memory_space<hbm>> -> memref<1x8x1024xf32, #tpu.memory_space<hbm>>
      %dma_start3A_332 = tpu.memref_squeeze %dma_start3A_331 : memref<1x8x1024xf32, #tpu.memory_space<hbm>> -> memref<8x1024xf32, #tpu.memory_space<hbm>>
      %dma_start3A_333 = arith.constant 0 : i32
      %dma_start3A_334 = arith.constant 0 : i32
      %dma_start3A_335 = tpu.memref_slice %arg7[%dma_start3A_333, %dma_start3A_334] : memref<32x1024xf32, #tpu.memory_space<vmem>> -> memref<8x1024xf32, #tpu.memory_space<vmem>>
      tpu.enqueue_dma source(%dma_start3A_335 : memref<8x1024xf32, #tpu.memory_space<vmem>>) target(%dma_start3A_332 : memref<8x1024xf32, #tpu.memory_space<hbm>>) target_semaphore(%arg13 : memref<!tpu.dma_semaphore, #tpu.memory_space<semaphore_mem>>)
      %dma_start3A_336 = arith.constant 1 : i32
      %dma_start3A_337 = arith.constant 8 : i32
      %dma_start3A_338 = arith.constant 0 : i32
      %dma_start3A_339 = tpu.memref_slice %arg7[%dma_start3A_337, %dma_start3A_338] : memref<32x1024xf32, #tpu.memory_space<vmem>> -> memref<8x1024xf32, #tpu.memory_space<vmem>>
      %dma_start3A_340 = arith.constant 0 : i32
      %dma_start3A_341 = tpu.memref_slice %arg5[%dma_start3A_336, %add3A_242, %dma_start3A_340] : memref<4x8192x1024xf32, #tpu.memory_space<hbm>> -> memref<1x8x1024xf32, #tpu.memory_space<hbm>>
      %dma_start3A_342 = tpu.memref_squeeze %dma_start3A_341 : memref<1x8x1024xf32, #tpu.memory_space<hbm>> -> memref<8x1024xf32, #tpu.memory_space<hbm>>
      %dma_start3A_343 = arith.constant 0 : i32
      %dma_start3A_344 = tpu.memref_slice %arg5[%dma_start3A_336, %add3A_242, %dma_start3A_343] : memref<4x8192x1024xf32, #tpu.memory_space<hbm>> -> memref<1x8x1024xf32, #tpu.memory_space<hbm>>
      %dma_start3A_345 = tpu.memref_squeeze %dma_start3A_344 : memref<1x8x1024xf32, #tpu.memory_space<hbm>> -> memref<8x1024xf32, #tpu.memory_space<hbm>>
      %dma_start3A_346 = arith.constant 8 : i32
      %dma_start3A_347 = arith.constant 0 : i32
      %dma_start3A_348 = tpu.memref_slice %arg7[%dma_start3A_346, %dma_start3A_347] : memref<32x1024xf32, #tpu.memory_space<vmem>> -> memref<8x1024xf32, #tpu.memory_space<vmem>>
      tpu.enqueue_dma source(%dma_start3A_348 : memref<8x1024xf32, #tpu.memory_space<vmem>>) target(%dma_start3A_345 : memref<8x1024xf32, #tpu.memory_space<hbm>>) target_semaphore(%arg13 : memref<!tpu.dma_semaphore, #tpu.memory_space<semaphore_mem>>)
      %dma_start3A_349 = arith.constant 2 : i32
      %dma_start3A_350 = arith.constant 16 : i32
      %dma_start3A_351 = arith.constant 0 : i32
      %dma_start3A_352 = tpu.memref_slice %arg7[%dma_start3A_350, %dma_start3A_351] : memref<32x1024xf32, #tpu.memory_space<vmem>> -> memref<8x1024xf32, #tpu.memory_space<vmem>>
      %dma_start3A_353 = arith.constant 0 : i32
      %dma_start3A_354 = tpu.memref_slice %arg5[%dma_start3A_349, %add3A_242, %dma_start3A_353] : memref<4x8192x1024xf32, #tpu.memory_space<hbm>> -> memref<1x8x1024xf32, #tpu.memory_space<hbm>>
      %dma_start3A_355 = tpu.memref_squeeze %dma_start3A_354 : memref<1x8x1024xf32, #tpu.memory_space<hbm>> -> memref<8x1024xf32, #tpu.memory_space<hbm>>
      %dma_start3A_356 = arith.constant 0 : i32
      %dma_start3A_357 = tpu.memref_slice %arg5[%dma_start3A_349, %add3A_242, %dma_start3A_356] : memref<4x8192x1024xf32, #tpu.memory_space<hbm>> -> memref<1x8x1024xf32, #tpu.memory_space<hbm>>
      %dma_start3A_358 = tpu.memref_squeeze %dma_start3A_357 : memref<1x8x1024xf32, #tpu.memory_space<hbm>> -> memref<8x1024xf32, #tpu.memory_space<hbm>>
      %dma_start3A_359 = arith.constant 16 : i32
      %dma_start3A_360 = arith.constant 0 : i32
      %dma_start3A_361 = tpu.memref_slice %arg7[%dma_start3A_359, %dma_start3A_360] : memref<32x1024xf32, #tpu.memory_space<vmem>> -> memref<8x1024xf32, #tpu.memory_space<vmem>>
      tpu.enqueue_dma source(%dma_start3A_361 : memref<8x1024xf32, #tpu.memory_space<vmem>>) target(%dma_start3A_358 : memref<8x1024xf32, #tpu.memory_space<hbm>>) target_semaphore(%arg13 : memref<!tpu.dma_semaphore, #tpu.memory_space<semaphore_mem>>)
      %dma_start3A_362 = arith.constant 3 : i32
      %dma_start3A_363 = arith.constant 24 : i32
      %dma_start3A_364 = arith.constant 0 : i32
      %dma_start3A_365 = tpu.memref_slice %arg7[%dma_start3A_363, %dma_start3A_364] : memref<32x1024xf32, #tpu.memory_space<vmem>> -> memref<8x1024xf32, #tpu.memory_space<vmem>>
      %dma_start3A_366 = arith.constant 0 : i32
      %dma_start3A_367 = tpu.memref_slice %arg5[%dma_start3A_362, %add3A_242, %dma_start3A_366] : memref<4x8192x1024xf32, #tpu.memory_space<hbm>> -> memref<1x8x1024xf32, #tpu.memory_space<hbm>>
      %dma_start3A_368 = tpu.memref_squeeze %dma_start3A_367 : memref<1x8x1024xf32, #tpu.memory_space<hbm>> -> memref<8x1024xf32, #tpu.memory_space<hbm>>
      %dma_start3A_369 = arith.constant 0 : i32
      %dma_start3A_370 = tpu.memref_slice %arg5[%dma_start3A_362, %add3A_242, %dma_start3A_369] : memref<4x8192x1024xf32, #tpu.memory_space<hbm>> -> memref<1x8x1024xf32, #tpu.memory_space<hbm>>
      %dma_start3A_371 = tpu.memref_squeeze %dma_start3A_370 : memref<1x8x1024xf32, #tpu.memory_space<hbm>> -> memref<8x1024xf32, #tpu.memory_space<hbm>>
      %dma_start3A_372 = arith.constant 24 : i32
      %dma_start3A_373 = arith.constant 0 : i32
      %dma_start3A_374 = tpu.memref_slice %arg7[%dma_start3A_372, %dma_start3A_373] : memref<32x1024xf32, #tpu.memory_space<vmem>> -> memref<8x1024xf32, #tpu.memory_space<vmem>>
      tpu.enqueue_dma source(%dma_start3A_374 : memref<8x1024xf32, #tpu.memory_space<vmem>>) target(%dma_start3A_371 : memref<8x1024xf32, #tpu.memory_space<hbm>>) target_semaphore(%arg13 : memref<!tpu.dma_semaphore, #tpu.memory_space<semaphore_mem>>)
      %lt3A = arith.constant 15 : i32
      %lt3A_375 = arith.cmpi slt, %scan3A_235, %lt3A : i32
      %convert_element_type3A_376 = arith.extui %lt3A_375 : i1 to i32
      %cond3A_377 = arith.constant 0 : i32
      %cond3A_378 = arith.cmpi ne, %convert_element_type3A_376, %cond3A_377 : i32
      scf.if %cond3A_378 {
        %add3A_524 = arith.constant 16 : i32
        %add3A_525 = arith.addi %add3A_242, %add3A_524 : i32
        %dma_start3A_526 = arith.constant 0 : i32
        %dma_start3A_527 = tpu.memref_slice %arg4[%add3A_525, %dma_start3A_526] : memref<8192x1024xf32, #tpu.memory_space<hbm>> -> memref<8x1024xf32, #tpu.memory_space<hbm>>
        %dma_start3A_528 = arith.constant 0 : i32
        %dma_start3A_529 = tpu.memref_slice %arg4[%add3A_525, %dma_start3A_528] : memref<8192x1024xf32, #tpu.memory_space<hbm>> -> memref<8x1024xf32, #tpu.memory_space<hbm>>
        tpu.enqueue_dma source(%dma_start3A_529 : memref<8x1024xf32, #tpu.memory_space<hbm>>) target(%arg9 : memref<8x1024xf32, #tpu.memory_space<vmem>>) target_semaphore(%arg15 : memref<!tpu.dma_semaphore, #tpu.memory_space<semaphore_mem>>)
        %dma_start3A_530 = arith.constant 0 : i32
        %dma_start3A_531 = arith.constant 0 : i32
        %dma_start3A_532 = arith.constant 0 : i32
        %dma_start3A_533 = tpu.memref_slice %arg6[%dma_start3A_531, %dma_start3A_532] : memref<2x32xi32, #tpu.memory_space<vmem>> -> memref<1x8xi32, #tpu.memory_space<vmem>>
        %dma_start3A_534 = tpu.memref_squeeze %dma_start3A_533 : memref<1x8xi32, #tpu.memory_space<vmem>> -> memref<8xi32, #tpu.memory_space<vmem>>
        %dma_start3A_535 = tpu.memref_slice %arg2[%dma_start3A_530, %add3A_525] : memref<4x8192xi32, #tpu.memory_space<hbm>> -> memref<1x8xi32, #tpu.memory_space<hbm>>
        %dma_start3A_536 = tpu.memref_squeeze %dma_start3A_535 : memref<1x8xi32, #tpu.memory_space<hbm>> -> memref<8xi32, #tpu.memory_space<hbm>>
        %dma_start3A_537 = arith.constant 0 : i32
        %dma_start3A_538 = tpu.memref_slice %arg6[%dma_start3A_531, %dma_start3A_537] : memref<2x32xi32, #tpu.memory_space<vmem>> -> memref<1x8xi32, #tpu.memory_space<vmem>>
        %dma_start3A_539 = tpu.memref_squeeze %dma_start3A_538 : memref<1x8xi32, #tpu.memory_space<vmem>> -> memref<8xi32, #tpu.memory_space<vmem>>
        %dma_start3A_540 = tpu.memref_slice %arg2[%dma_start3A_530, %add3A_525] : memref<4x8192xi32, #tpu.memory_space<hbm>> -> memref<1x8xi32, #tpu.memory_space<hbm>>
        %dma_start3A_541 = tpu.memref_squeeze %dma_start3A_540 : memref<1x8xi32, #tpu.memory_space<hbm>> -> memref<8xi32, #tpu.memory_space<hbm>>
        tpu.enqueue_dma source(%dma_start3A_541 : memref<8xi32, #tpu.memory_space<hbm>>) target(%dma_start3A_539 : memref<8xi32, #tpu.memory_space<vmem>>) target_semaphore(%arg17 : memref<!tpu.dma_semaphore, #tpu.memory_space<semaphore_mem>>)
        %dma_start3A_542 = arith.constant 1 : i32
        %dma_start3A_543 = arith.constant 0 : i32
        %dma_start3A_544 = arith.constant 8 : i32
        %dma_start3A_545 = tpu.memref_slice %arg6[%dma_start3A_543, %dma_start3A_544] : memref<2x32xi32, #tpu.memory_space<vmem>> -> memref<1x8xi32, #tpu.memory_space<vmem>>
        %dma_start3A_546 = tpu.memref_squeeze %dma_start3A_545 : memref<1x8xi32, #tpu.memory_space<vmem>> -> memref<8xi32, #tpu.memory_space<vmem>>
        %dma_start3A_547 = tpu.memref_slice %arg2[%dma_start3A_542, %add3A_525] : memref<4x8192xi32, #tpu.memory_space<hbm>> -> memref<1x8xi32, #tpu.memory_space<hbm>>
        %dma_start3A_548 = tpu.memref_squeeze %dma_start3A_547 : memref<1x8xi32, #tpu.memory_space<hbm>> -> memref<8xi32, #tpu.memory_space<hbm>>
        %dma_start3A_549 = arith.constant 8 : i32
        %dma_start3A_550 = tpu.memref_slice %arg6[%dma_start3A_543, %dma_start3A_549] : memref<2x32xi32, #tpu.memory_space<vmem>> -> memref<1x8xi32, #tpu.memory_space<vmem>>
        %dma_start3A_551 = tpu.memref_squeeze %dma_start3A_550 : memref<1x8xi32, #tpu.memory_space<vmem>> -> memref<8xi32, #tpu.memory_space<vmem>>
        %dma_start3A_552 = tpu.memref_slice %arg2[%dma_start3A_542, %add3A_525] : memref<4x8192xi32, #tpu.memory_space<hbm>> -> memref<1x8xi32, #tpu.memory_space<hbm>>
        %dma_start3A_553 = tpu.memref_squeeze %dma_start3A_552 : memref<1x8xi32, #tpu.memory_space<hbm>> -> memref<8xi32, #tpu.memory_space<hbm>>
        tpu.enqueue_dma source(%dma_start3A_553 : memref<8xi32, #tpu.memory_space<hbm>>) target(%dma_start3A_551 : memref<8xi32, #tpu.memory_space<vmem>>) target_semaphore(%arg17 : memref<!tpu.dma_semaphore, #tpu.memory_space<semaphore_mem>>)
        %dma_start3A_554 = arith.constant 2 : i32
        %dma_start3A_555 = arith.constant 0 : i32
        %dma_start3A_556 = arith.constant 16 : i32
        %dma_start3A_557 = tpu.memref_slice %arg6[%dma_start3A_555, %dma_start3A_556] : memref<2x32xi32, #tpu.memory_space<vmem>> -> memref<1x8xi32, #tpu.memory_space<vmem>>
        %dma_start3A_558 = tpu.memref_squeeze %dma_start3A_557 : memref<1x8xi32, #tpu.memory_space<vmem>> -> memref<8xi32, #tpu.memory_space<vmem>>
        %dma_start3A_559 = tpu.memref_slice %arg2[%dma_start3A_554, %add3A_525] : memref<4x8192xi32, #tpu.memory_space<hbm>> -> memref<1x8xi32, #tpu.memory_space<hbm>>
        %dma_start3A_560 = tpu.memref_squeeze %dma_start3A_559 : memref<1x8xi32, #tpu.memory_space<hbm>> -> memref<8xi32, #tpu.memory_space<hbm>>
        %dma_start3A_561 = arith.constant 16 : i32
        %dma_start3A_562 = tpu.memref_slice %arg6[%dma_start3A_555, %dma_start3A_561] : memref<2x32xi32, #tpu.memory_space<vmem>> -> memref<1x8xi32, #tpu.memory_space<vmem>>
        %dma_start3A_563 = tpu.memref_squeeze %dma_start3A_562 : memref<1x8xi32, #tpu.memory_space<vmem>> -> memref<8xi32, #tpu.memory_space<vmem>>
        %dma_start3A_564 = tpu.memref_slice %arg2[%dma_start3A_554, %add3A_525] : memref<4x8192xi32, #tpu.memory_space<hbm>> -> memref<1x8xi32, #tpu.memory_space<hbm>>
        %dma_start3A_565 = tpu.memref_squeeze %dma_start3A_564 : memref<1x8xi32, #tpu.memory_space<hbm>> -> memref<8xi32, #tpu.memory_space<hbm>>
        tpu.enqueue_dma source(%dma_start3A_565 : memref<8xi32, #tpu.memory_space<hbm>>) target(%dma_start3A_563 : memref<8xi32, #tpu.memory_space<vmem>>) target_semaphore(%arg17 : memref<!tpu.dma_semaphore, #tpu.memory_space<semaphore_mem>>)
        %dma_start3A_566 = arith.constant 3 : i32
        %dma_start3A_567 = arith.constant 0 : i32
        %dma_start3A_568 = arith.constant 24 : i32
        %dma_start3A_569 = tpu.memref_slice %arg6[%dma_start3A_567, %dma_start3A_568] : memref<2x32xi32, #tpu.memory_space<vmem>> -> memref<1x8xi32, #tpu.memory_space<vmem>>
        %dma_start3A_570 = tpu.memref_squeeze %dma_start3A_569 : memref<1x8xi32, #tpu.memory_space<vmem>> -> memref<8xi32, #tpu.memory_space<vmem>>
        %dma_start3A_571 = tpu.memref_slice %arg2[%dma_start3A_566, %add3A_525] : memref<4x8192xi32, #tpu.memory_space<hbm>> -> memref<1x8xi32, #tpu.memory_space<hbm>>
        %dma_start3A_572 = tpu.memref_squeeze %dma_start3A_571 : memref<1x8xi32, #tpu.memory_space<hbm>> -> memref<8xi32, #tpu.memory_space<hbm>>
        %dma_start3A_573 = arith.constant 24 : i32
        %dma_start3A_574 = tpu.memref_slice %arg6[%dma_start3A_567, %dma_start3A_573] : memref<2x32xi32, #tpu.memory_space<vmem>> -> memref<1x8xi32, #tpu.memory_space<vmem>>
        %dma_start3A_575 = tpu.memref_squeeze %dma_start3A_574 : memref<1x8xi32, #tpu.memory_space<vmem>> -> memref<8xi32, #tpu.memory_space<vmem>>
        %dma_start3A_576 = tpu.memref_slice %arg2[%dma_start3A_566, %add3A_525] : memref<4x8192xi32, #tpu.memory_space<hbm>> -> memref<1x8xi32, #tpu.memory_space<hbm>>
        %dma_start3A_577 = tpu.memref_squeeze %dma_start3A_576 : memref<1x8xi32, #tpu.memory_space<hbm>> -> memref<8xi32, #tpu.memory_space<hbm>>
        tpu.enqueue_dma source(%dma_start3A_577 : memref<8xi32, #tpu.memory_space<hbm>>) target(%dma_start3A_575 : memref<8xi32, #tpu.memory_space<vmem>>) target_semaphore(%arg17 : memref<!tpu.dma_semaphore, #tpu.memory_space<semaphore_mem>>)
      } else {
      }
      %mul3A_379 = arith.constant 2 : i32
      %mul3A_380 = arith.muli %mul3A_379, %scan3A_235 : i32
      %add3A_381 = arith.constant 1 : i32
      %add3A_382 = arith.addi %mul3A_380, %add3A_381 : i32
      %mul3A_383 = arith.constant 8 : i32
      %mul3A_384 = arith.muli %add3A_382, %mul3A_383 : i32
      %add3A_385 = arith.addi %mul3A_2, %mul3A_384 : i32
      %dma_wait3A_386 = arith.constant 0 : i32
      %dma_wait3A_387 = arith.constant 0 : i32
      %dma_wait3A_388 = tpu.memref_slice %arg6[%dma_wait3A_386, %dma_wait3A_387] : memref<2x32xi32, #tpu.memory_space<vmem>> -> memref<1x32xi32, #tpu.memory_space<vmem>>
      %dma_wait3A_389 = tpu.memref_squeeze %dma_wait3A_388 : memref<1x32xi32, #tpu.memory_space<vmem>> -> memref<32xi32, #tpu.memory_space<vmem>>
      %dma_wait3A_390 = arith.constant 0 : i32
      %dma_wait3A_391 = arith.constant 0 : i32
      %dma_wait3A_392 = tpu.memref_slice %arg3[%dma_wait3A_390, %dma_wait3A_391] : memref<50257x1024xf32, #tpu.memory_space<hbm>> -> memref<50257x1024xf32, #tpu.memory_space<hbm>>
      tpu.wait_indirect_dma semaphore(%arg12 : memref<!tpu.dma_semaphore, #tpu.memory_space<semaphore_mem>>) src(%dma_wait3A_392 : memref<50257x1024xf32, #tpu.memory_space<hbm>>) dst(%arg8 : memref<32x1024xf32, #tpu.memory_space<vmem>>)
      %dma_wait3A_393 = arith.constant 0 : i32
      %dma_wait3A_394 = arith.constant 0 : i32
      %dma_wait3A_395 = tpu.memref_slice %arg4[%dma_wait3A_393, %dma_wait3A_394] : memref<8192x1024xf32, #tpu.memory_space<hbm>> -> memref<8x1024xf32, #tpu.memory_space<hbm>>
      %dma_wait3A_396 = arith.constant 0 : i32
      %dma_wait3A_397 = arith.constant 0 : i32
      %dma_wait3A_398 = tpu.memref_slice %arg4[%dma_wait3A_396, %dma_wait3A_397] : memref<8192x1024xf32, #tpu.memory_space<hbm>> -> memref<8x1024xf32, #tpu.memory_space<hbm>>
      tpu.wait_dma2 semaphore(%arg16 : memref<!tpu.dma_semaphore, #tpu.memory_space<semaphore_mem>>) src(%dma_wait3A_398 : memref<8x1024xf32, #tpu.memory_space<hbm>>) dst(%arg10 : memref<8x1024xf32, #tpu.memory_space<vmem>>)
      %dma_wait3A_399 = arith.constant 0 : i32
      %dma_wait3A_400 = arith.constant 0 : i32
      %dma_wait3A_401 = arith.constant 0 : i32
      %dma_wait3A_402 = tpu.memref_slice %arg7[%dma_wait3A_400, %dma_wait3A_401] : memref<32x1024xf32, #tpu.memory_space<vmem>> -> memref<8x1024xf32, #tpu.memory_space<vmem>>
      %dma_wait3A_403 = arith.constant 0 : i32
      %dma_wait3A_404 = arith.constant 0 : i32
      %dma_wait3A_405 = tpu.memref_slice %arg5[%dma_wait3A_399, %dma_wait3A_403, %dma_wait3A_404] : memref<4x8192x1024xf32, #tpu.memory_space<hbm>> -> memref<1x8x1024xf32, #tpu.memory_space<hbm>>
      %dma_wait3A_406 = tpu.memref_squeeze %dma_wait3A_405 : memref<1x8x1024xf32, #tpu.memory_space<hbm>> -> memref<8x1024xf32, #tpu.memory_space<hbm>>
      %dma_wait3A_407 = arith.constant 0 : i32
      %dma_wait3A_408 = arith.constant 0 : i32
      %dma_wait3A_409 = tpu.memref_slice %arg5[%dma_wait3A_399, %dma_wait3A_407, %dma_wait3A_408] : memref<4x8192x1024xf32, #tpu.memory_space<hbm>> -> memref<1x8x1024xf32, #tpu.memory_space<hbm>>
      %dma_wait3A_410 = tpu.memref_squeeze %dma_wait3A_409 : memref<1x8x1024xf32, #tpu.memory_space<hbm>> -> memref<8x1024xf32, #tpu.memory_space<hbm>>
      %dma_wait3A_411 = arith.constant 0 : i32
      %dma_wait3A_412 = arith.constant 0 : i32
      %dma_wait3A_413 = tpu.memref_slice %arg7[%dma_wait3A_411, %dma_wait3A_412] : memref<32x1024xf32, #tpu.memory_space<vmem>> -> memref<8x1024xf32, #tpu.memory_space<vmem>>
      tpu.wait_dma2 semaphore(%arg13 : memref<!tpu.dma_semaphore, #tpu.memory_space<semaphore_mem>>) src(%dma_wait3A_413 : memref<8x1024xf32, #tpu.memory_space<vmem>>) dst(%dma_wait3A_410 : memref<8x1024xf32, #tpu.memory_space<hbm>>)
      %dma_wait3A_414 = arith.constant 0 : i32
      %dma_wait3A_415 = arith.constant 8 : i32
      %dma_wait3A_416 = arith.constant 0 : i32
      %dma_wait3A_417 = tpu.memref_slice %arg7[%dma_wait3A_415, %dma_wait3A_416] : memref<32x1024xf32, #tpu.memory_space<vmem>> -> memref<8x1024xf32, #tpu.memory_space<vmem>>
      %dma_wait3A_418 = arith.constant 0 : i32
      %dma_wait3A_419 = arith.constant 0 : i32
      %dma_wait3A_420 = tpu.memref_slice %arg5[%dma_wait3A_414, %dma_wait3A_418, %dma_wait3A_419] : memref<4x8192x1024xf32, #tpu.memory_space<hbm>> -> memref<1x8x1024xf32, #tpu.memory_space<hbm>>
      %dma_wait3A_421 = tpu.memref_squeeze %dma_wait3A_420 : memref<1x8x1024xf32, #tpu.memory_space<hbm>> -> memref<8x1024xf32, #tpu.memory_space<hbm>>
      %dma_wait3A_422 = arith.constant 0 : i32
      %dma_wait3A_423 = arith.constant 0 : i32
      %dma_wait3A_424 = tpu.memref_slice %arg5[%dma_wait3A_414, %dma_wait3A_422, %dma_wait3A_423] : memref<4x8192x1024xf32, #tpu.memory_space<hbm>> -> memref<1x8x1024xf32, #tpu.memory_space<hbm>>
      %dma_wait3A_425 = tpu.memref_squeeze %dma_wait3A_424 : memref<1x8x1024xf32, #tpu.memory_space<hbm>> -> memref<8x1024xf32, #tpu.memory_space<hbm>>
      %dma_wait3A_426 = arith.constant 8 : i32
      %dma_wait3A_427 = arith.constant 0 : i32
      %dma_wait3A_428 = tpu.memref_slice %arg7[%dma_wait3A_426, %dma_wait3A_427] : memref<32x1024xf32, #tpu.memory_space<vmem>> -> memref<8x1024xf32, #tpu.memory_space<vmem>>
      tpu.wait_dma2 semaphore(%arg13 : memref<!tpu.dma_semaphore, #tpu.memory_space<semaphore_mem>>) src(%dma_wait3A_428 : memref<8x1024xf32, #tpu.memory_space<vmem>>) dst(%dma_wait3A_425 : memref<8x1024xf32, #tpu.memory_space<hbm>>)
      %dma_wait3A_429 = arith.constant 0 : i32
      %dma_wait3A_430 = arith.constant 16 : i32
      %dma_wait3A_431 = arith.constant 0 : i32
      %dma_wait3A_432 = tpu.memref_slice %arg7[%dma_wait3A_430, %dma_wait3A_431] : memref<32x1024xf32, #tpu.memory_space<vmem>> -> memref<8x1024xf32, #tpu.memory_space<vmem>>
      %dma_wait3A_433 = arith.constant 0 : i32
      %dma_wait3A_434 = arith.constant 0 : i32
      %dma_wait3A_435 = tpu.memref_slice %arg5[%dma_wait3A_429, %dma_wait3A_433, %dma_wait3A_434] : memref<4x8192x1024xf32, #tpu.memory_space<hbm>> -> memref<1x8x1024xf32, #tpu.memory_space<hbm>>
      %dma_wait3A_436 = tpu.memref_squeeze %dma_wait3A_435 : memref<1x8x1024xf32, #tpu.memory_space<hbm>> -> memref<8x1024xf32, #tpu.memory_space<hbm>>
      %dma_wait3A_437 = arith.constant 0 : i32
      %dma_wait3A_438 = arith.constant 0 : i32
      %dma_wait3A_439 = tpu.memref_slice %arg5[%dma_wait3A_429, %dma_wait3A_437, %dma_wait3A_438] : memref<4x8192x1024xf32, #tpu.memory_space<hbm>> -> memref<1x8x1024xf32, #tpu.memory_space<hbm>>
      %dma_wait3A_440 = tpu.memref_squeeze %dma_wait3A_439 : memref<1x8x1024xf32, #tpu.memory_space<hbm>> -> memref<8x1024xf32, #tpu.memory_space<hbm>>
      %dma_wait3A_441 = arith.constant 16 : i32
      %dma_wait3A_442 = arith.constant 0 : i32
      %dma_wait3A_443 = tpu.memref_slice %arg7[%dma_wait3A_441, %dma_wait3A_442] : memref<32x1024xf32, #tpu.memory_space<vmem>> -> memref<8x1024xf32, #tpu.memory_space<vmem>>
      tpu.wait_dma2 semaphore(%arg13 : memref<!tpu.dma_semaphore, #tpu.memory_space<semaphore_mem>>) src(%dma_wait3A_443 : memref<8x1024xf32, #tpu.memory_space<vmem>>) dst(%dma_wait3A_440 : memref<8x1024xf32, #tpu.memory_space<hbm>>)
      %dma_wait3A_444 = arith.constant 0 : i32
      %dma_wait3A_445 = arith.constant 24 : i32
      %dma_wait3A_446 = arith.constant 0 : i32
      %dma_wait3A_447 = tpu.memref_slice %arg7[%dma_wait3A_445, %dma_wait3A_446] : memref<32x1024xf32, #tpu.memory_space<vmem>> -> memref<8x1024xf32, #tpu.memory_space<vmem>>
      %dma_wait3A_448 = arith.constant 0 : i32
      %dma_wait3A_449 = arith.constant 0 : i32
      %dma_wait3A_450 = tpu.memref_slice %arg5[%dma_wait3A_444, %dma_wait3A_448, %dma_wait3A_449] : memref<4x8192x1024xf32, #tpu.memory_space<hbm>> -> memref<1x8x1024xf32, #tpu.memory_space<hbm>>
      %dma_wait3A_451 = tpu.memref_squeeze %dma_wait3A_450 : memref<1x8x1024xf32, #tpu.memory_space<hbm>> -> memref<8x1024xf32, #tpu.memory_space<hbm>>
      %dma_wait3A_452 = arith.constant 0 : i32
      %dma_wait3A_453 = arith.constant 0 : i32
      %dma_wait3A_454 = tpu.memref_slice %arg5[%dma_wait3A_444, %dma_wait3A_452, %dma_wait3A_453] : memref<4x8192x1024xf32, #tpu.memory_space<hbm>> -> memref<1x8x1024xf32, #tpu.memory_space<hbm>>
      %dma_wait3A_455 = tpu.memref_squeeze %dma_wait3A_454 : memref<1x8x1024xf32, #tpu.memory_space<hbm>> -> memref<8x1024xf32, #tpu.memory_space<hbm>>
      %dma_wait3A_456 = arith.constant 24 : i32
      %dma_wait3A_457 = arith.constant 0 : i32
      %dma_wait3A_458 = tpu.memref_slice %arg7[%dma_wait3A_456, %dma_wait3A_457] : memref<32x1024xf32, #tpu.memory_space<vmem>> -> memref<8x1024xf32, #tpu.memory_space<vmem>>
      tpu.wait_dma2 semaphore(%arg13 : memref<!tpu.dma_semaphore, #tpu.memory_space<semaphore_mem>>) src(%dma_wait3A_458 : memref<8x1024xf32, #tpu.memory_space<vmem>>) dst(%dma_wait3A_455 : memref<8x1024xf32, #tpu.memory_space<hbm>>)
      %lt3A_459 = arith.constant 15 : i32
      %lt3A_460 = arith.cmpi slt, %scan3A_235, %lt3A_459 : i32
      %convert_element_type3A_461 = arith.extui %lt3A_460 : i1 to i32
      %cond3A_462 = arith.constant 0 : i32
      %cond3A_463 = arith.cmpi ne, %convert_element_type3A_461, %cond3A_462 : i32
      scf.if %cond3A_463 {
        %dma_wait3A_524 = arith.constant 0 : i32
        %dma_wait3A_525 = arith.constant 0 : i32
        %dma_wait3A_526 = arith.constant 0 : i32
        %dma_wait3A_527 = tpu.memref_slice %arg6[%dma_wait3A_525, %dma_wait3A_526] : memref<2x32xi32, #tpu.memory_space<vmem>> -> memref<1x8xi32, #tpu.memory_space<vmem>>
        %dma_wait3A_528 = tpu.memref_squeeze %dma_wait3A_527 : memref<1x8xi32, #tpu.memory_space<vmem>> -> memref<8xi32, #tpu.memory_space<vmem>>
        %dma_wait3A_529 = arith.constant 0 : i32
        %dma_wait3A_530 = tpu.memref_slice %arg2[%dma_wait3A_524, %dma_wait3A_529] : memref<4x8192xi32, #tpu.memory_space<hbm>> -> memref<1x8xi32, #tpu.memory_space<hbm>>
        %dma_wait3A_531 = tpu.memref_squeeze %dma_wait3A_530 : memref<1x8xi32, #tpu.memory_space<hbm>> -> memref<8xi32, #tpu.memory_space<hbm>>
        %dma_wait3A_532 = arith.constant 0 : i32
        %dma_wait3A_533 = tpu.memref_slice %arg6[%dma_wait3A_525, %dma_wait3A_532] : memref<2x32xi32, #tpu.memory_space<vmem>> -> memref<1x8xi32, #tpu.memory_space<vmem>>
        %dma_wait3A_534 = tpu.memref_squeeze %dma_wait3A_533 : memref<1x8xi32, #tpu.memory_space<vmem>> -> memref<8xi32, #tpu.memory_space<vmem>>
        %dma_wait3A_535 = arith.constant 0 : i32
        %dma_wait3A_536 = tpu.memref_slice %arg2[%dma_wait3A_524, %dma_wait3A_535] : memref<4x8192xi32, #tpu.memory_space<hbm>> -> memref<1x8xi32, #tpu.memory_space<hbm>>
        %dma_wait3A_537 = tpu.memref_squeeze %dma_wait3A_536 : memref<1x8xi32, #tpu.memory_space<hbm>> -> memref<8xi32, #tpu.memory_space<hbm>>
        tpu.wait_dma2 semaphore(%arg17 : memref<!tpu.dma_semaphore, #tpu.memory_space<semaphore_mem>>) src(%dma_wait3A_537 : memref<8xi32, #tpu.memory_space<hbm>>) dst(%dma_wait3A_534 : memref<8xi32, #tpu.memory_space<vmem>>)
        %dma_wait3A_538 = arith.constant 0 : i32
        %dma_wait3A_539 = arith.constant 0 : i32
        %dma_wait3A_540 = arith.constant 8 : i32
        %dma_wait3A_541 = tpu.memref_slice %arg6[%dma_wait3A_539, %dma_wait3A_540] : memref<2x32xi32, #tpu.memory_space<vmem>> -> memref<1x8xi32, #tpu.memory_space<vmem>>
        %dma_wait3A_542 = tpu.memref_squeeze %dma_wait3A_541 : memref<1x8xi32, #tpu.memory_space<vmem>> -> memref<8xi32, #tpu.memory_space<vmem>>
        %dma_wait3A_543 = arith.constant 0 : i32
        %dma_wait3A_544 = tpu.memref_slice %arg2[%dma_wait3A_538, %dma_wait3A_543] : memref<4x8192xi32, #tpu.memory_space<hbm>> -> memref<1x8xi32, #tpu.memory_space<hbm>>
        %dma_wait3A_545 = tpu.memref_squeeze %dma_wait3A_544 : memref<1x8xi32, #tpu.memory_space<hbm>> -> memref<8xi32, #tpu.memory_space<hbm>>
        %dma_wait3A_546 = arith.constant 8 : i32
        %dma_wait3A_547 = tpu.memref_slice %arg6[%dma_wait3A_539, %dma_wait3A_546] : memref<2x32xi32, #tpu.memory_space<vmem>> -> memref<1x8xi32, #tpu.memory_space<vmem>>
        %dma_wait3A_548 = tpu.memref_squeeze %dma_wait3A_547 : memref<1x8xi32, #tpu.memory_space<vmem>> -> memref<8xi32, #tpu.memory_space<vmem>>
        %dma_wait3A_549 = arith.constant 0 : i32
        %dma_wait3A_550 = tpu.memref_slice %arg2[%dma_wait3A_538, %dma_wait3A_549] : memref<4x8192xi32, #tpu.memory_space<hbm>> -> memref<1x8xi32, #tpu.memory_space<hbm>>
        %dma_wait3A_551 = tpu.memref_squeeze %dma_wait3A_550 : memref<1x8xi32, #tpu.memory_space<hbm>> -> memref<8xi32, #tpu.memory_space<hbm>>
        tpu.wait_dma2 semaphore(%arg17 : memref<!tpu.dma_semaphore, #tpu.memory_space<semaphore_mem>>) src(%dma_wait3A_551 : memref<8xi32, #tpu.memory_space<hbm>>) dst(%dma_wait3A_548 : memref<8xi32, #tpu.memory_space<vmem>>)
        %dma_wait3A_552 = arith.constant 0 : i32
        %dma_wait3A_553 = arith.constant 0 : i32
        %dma_wait3A_554 = arith.constant 16 : i32
        %dma_wait3A_555 = tpu.memref_slice %arg6[%dma_wait3A_553, %dma_wait3A_554] : memref<2x32xi32, #tpu.memory_space<vmem>> -> memref<1x8xi32, #tpu.memory_space<vmem>>
        %dma_wait3A_556 = tpu.memref_squeeze %dma_wait3A_555 : memref<1x8xi32, #tpu.memory_space<vmem>> -> memref<8xi32, #tpu.memory_space<vmem>>
        %dma_wait3A_557 = arith.constant 0 : i32
        %dma_wait3A_558 = tpu.memref_slice %arg2[%dma_wait3A_552, %dma_wait3A_557] : memref<4x8192xi32, #tpu.memory_space<hbm>> -> memref<1x8xi32, #tpu.memory_space<hbm>>
        %dma_wait3A_559 = tpu.memref_squeeze %dma_wait3A_558 : memref<1x8xi32, #tpu.memory_space<hbm>> -> memref<8xi32, #tpu.memory_space<hbm>>
        %dma_wait3A_560 = arith.constant 16 : i32
        %dma_wait3A_561 = tpu.memref_slice %arg6[%dma_wait3A_553, %dma_wait3A_560] : memref<2x32xi32, #tpu.memory_space<vmem>> -> memref<1x8xi32, #tpu.memory_space<vmem>>
        %dma_wait3A_562 = tpu.memref_squeeze %dma_wait3A_561 : memref<1x8xi32, #tpu.memory_space<vmem>> -> memref<8xi32, #tpu.memory_space<vmem>>
        %dma_wait3A_563 = arith.constant 0 : i32
        %dma_wait3A_564 = tpu.memref_slice %arg2[%dma_wait3A_552, %dma_wait3A_563] : memref<4x8192xi32, #tpu.memory_space<hbm>> -> memref<1x8xi32, #tpu.memory_space<hbm>>
        %dma_wait3A_565 = tpu.memref_squeeze %dma_wait3A_564 : memref<1x8xi32, #tpu.memory_space<hbm>> -> memref<8xi32, #tpu.memory_space<hbm>>
        tpu.wait_dma2 semaphore(%arg17 : memref<!tpu.dma_semaphore, #tpu.memory_space<semaphore_mem>>) src(%dma_wait3A_565 : memref<8xi32, #tpu.memory_space<hbm>>) dst(%dma_wait3A_562 : memref<8xi32, #tpu.memory_space<vmem>>)
        %dma_wait3A_566 = arith.constant 0 : i32
        %dma_wait3A_567 = arith.constant 0 : i32
        %dma_wait3A_568 = arith.constant 24 : i32
        %dma_wait3A_569 = tpu.memref_slice %arg6[%dma_wait3A_567, %dma_wait3A_568] : memref<2x32xi32, #tpu.memory_space<vmem>> -> memref<1x8xi32, #tpu.memory_space<vmem>>
        %dma_wait3A_570 = tpu.memref_squeeze %dma_wait3A_569 : memref<1x8xi32, #tpu.memory_space<vmem>> -> memref<8xi32, #tpu.memory_space<vmem>>
        %dma_wait3A_571 = arith.constant 0 : i32
        %dma_wait3A_572 = tpu.memref_slice %arg2[%dma_wait3A_566, %dma_wait3A_571] : memref<4x8192xi32, #tpu.memory_space<hbm>> -> memref<1x8xi32, #tpu.memory_space<hbm>>
        %dma_wait3A_573 = tpu.memref_squeeze %dma_wait3A_572 : memref<1x8xi32, #tpu.memory_space<hbm>> -> memref<8xi32, #tpu.memory_space<hbm>>
        %dma_wait3A_574 = arith.constant 24 : i32
        %dma_wait3A_575 = tpu.memref_slice %arg6[%dma_wait3A_567, %dma_wait3A_574] : memref<2x32xi32, #tpu.memory_space<vmem>> -> memref<1x8xi32, #tpu.memory_space<vmem>>
        %dma_wait3A_576 = tpu.memref_squeeze %dma_wait3A_575 : memref<1x8xi32, #tpu.memory_space<vmem>> -> memref<8xi32, #tpu.memory_space<vmem>>
        %dma_wait3A_577 = arith.constant 0 : i32
        %dma_wait3A_578 = tpu.memref_slice %arg2[%dma_wait3A_566, %dma_wait3A_577] : memref<4x8192xi32, #tpu.memory_space<hbm>> -> memref<1x8xi32, #tpu.memory_space<hbm>>
        %dma_wait3A_579 = tpu.memref_squeeze %dma_wait3A_578 : memref<1x8xi32, #tpu.memory_space<hbm>> -> memref<8xi32, #tpu.memory_space<hbm>>
        tpu.wait_dma2 semaphore(%arg17 : memref<!tpu.dma_semaphore, #tpu.memory_space<semaphore_mem>>) src(%dma_wait3A_579 : memref<8xi32, #tpu.memory_space<hbm>>) dst(%dma_wait3A_576 : memref<8xi32, #tpu.memory_space<vmem>>)
        %dma_start3A_580 = arith.constant 0 : i32
        %dma_start3A_581 = arith.constant 0 : i32
        %dma_start3A_582 = tpu.memref_slice %arg6[%dma_start3A_580, %dma_start3A_581] : memref<2x32xi32, #tpu.memory_space<vmem>> -> memref<1x32xi32, #tpu.memory_space<vmem>>
        %dma_start3A_583 = tpu.memref_squeeze %dma_start3A_582 : memref<1x32xi32, #tpu.memory_space<vmem>> -> memref<32xi32, #tpu.memory_space<vmem>>
        %dma_start3A_584 = arith.constant 0 : i32
        %dma_start3A_585 = arith.constant 0 : i32
        %dma_start3A_586 = tpu.memref_slice %arg3[%dma_start3A_584, %dma_start3A_585] : memref<50257x1024xf32, #tpu.memory_space<hbm>> -> memref<50257x1024xf32, #tpu.memory_space<hbm>>
        tpu.enqueue_indirect_dma source(%dma_start3A_586 : memref<50257x1024xf32, #tpu.memory_space<hbm>>) target(%arg7 : memref<32x1024xf32, #tpu.memory_space<vmem>>) offsets(%dma_start3A_583 : memref<32xi32, #tpu.memory_space<vmem>>) semaphore(%arg11 : memref<!tpu.dma_semaphore, #tpu.memory_space<semaphore_mem>>)
      } else {
      }
      %parallel_loop3A_464 = arith.constant 0 : i32
      %parallel_loop3A_465 = arith.constant 32 : i32
      %parallel_loop3A_466 = arith.constant 1 : i32
      scf.for %parallel_loop3A_524 = %parallel_loop3A_464 to %parallel_loop3A_465 step %parallel_loop3A_466  : i32 {
        %parallel_loop3A_525 = arith.constant 4 : i32
        %parallel_loop3A_526 = arith.divsi %parallel_loop3A_524, %parallel_loop3A_525 : i32
        %parallel_loop3A_527 = arith.constant 0 : i32
        %parallel_loop3A_528 = arith.cmpi sgt, %parallel_loop3A_524, %parallel_loop3A_527 : i32
        %parallel_loop3A_529 = arith.extui %parallel_loop3A_528 : i1 to i32
        %parallel_loop3A_530 = arith.constant 0 : i32
        %parallel_loop3A_531 = arith.cmpi slt, %parallel_loop3A_524, %parallel_loop3A_530 : i32
        %parallel_loop3A_532 = arith.extui %parallel_loop3A_531 : i1 to i32
        %parallel_loop3A_533 = arith.subi %parallel_loop3A_529, %parallel_loop3A_532 : i32
        %parallel_loop3A_534 = arith.constant 0 : i32
        %parallel_loop3A_535 = arith.cmpi sgt, %parallel_loop3A_525, %parallel_loop3A_534 : i32
        %parallel_loop3A_536 = arith.extui %parallel_loop3A_535 : i1 to i32
        %parallel_loop3A_537 = arith.constant 0 : i32
        %parallel_loop3A_538 = arith.cmpi slt, %parallel_loop3A_525, %parallel_loop3A_537 : i32
        %parallel_loop3A_539 = arith.extui %parallel_loop3A_538 : i1 to i32
        %parallel_loop3A_540 = arith.subi %parallel_loop3A_536, %parallel_loop3A_539 : i32
        %parallel_loop3A_541 = arith.cmpi ne, %parallel_loop3A_533, %parallel_loop3A_540 : i32
        %parallel_loop3A_542 = arith.remsi %parallel_loop3A_524, %parallel_loop3A_525 : i32
        %parallel_loop3A_543 = arith.constant 0 : i32
        %parallel_loop3A_544 = arith.cmpi ne, %parallel_loop3A_542, %parallel_loop3A_543 : i32
        %parallel_loop3A_545 = arith.andi %parallel_loop3A_541, %parallel_loop3A_544 : i1
        %parallel_loop3A_546 = arith.constant 1 : i32
        %parallel_loop3A_547 = arith.subi %parallel_loop3A_526, %parallel_loop3A_546 : i32
        %parallel_loop3A_548 = arith.select %parallel_loop3A_545, %parallel_loop3A_547, %parallel_loop3A_526 : i32
        %parallel_loop3A_549 = arith.constant 4 : i32
        %parallel_loop3A_550 = arith.constant 0 : i32
        %parallel_loop3A_551 = arith.cmpi eq, %parallel_loop3A_549, %parallel_loop3A_550 : i32
        %parallel_loop3A_552 = arith.constant 1 : i32
        %parallel_loop3A_553 = arith.select %parallel_loop3A_551, %parallel_loop3A_552, %parallel_loop3A_549 : i32
        %parallel_loop3A_554 = arith.remsi %parallel_loop3A_524, %parallel_loop3A_553 : i32
        %parallel_loop3A_555 = arith.constant 0 : i32
        %parallel_loop3A_556 = arith.cmpi ne, %parallel_loop3A_554, %parallel_loop3A_555 : i32
        %parallel_loop3A_557 = arith.constant 0 : i32
        %parallel_loop3A_558 = arith.cmpi slt, %parallel_loop3A_554, %parallel_loop3A_557 : i32
        %parallel_loop3A_559 = arith.constant 0 : i32
        %parallel_loop3A_560 = arith.cmpi slt, %parallel_loop3A_553, %parallel_loop3A_559 : i32
        %parallel_loop3A_561 = arith.xori %parallel_loop3A_558, %parallel_loop3A_560 : i1
        %parallel_loop3A_562 = arith.andi %parallel_loop3A_561, %parallel_loop3A_556 : i1
        %parallel_loop3A_563 = arith.addi %parallel_loop3A_554, %parallel_loop3A_553 : i32
        %parallel_loop3A_564 = arith.select %parallel_loop3A_562, %parallel_loop3A_563, %parallel_loop3A_554 : i32
        %parallel_loop3A_565 = arith.constant 256 : i32
        %parallel_loop3A_566 = arith.muli %parallel_loop3A_564, %parallel_loop3A_565 : i32
        %parallel_loop3A_567 = arith.constant 0 : i32
        %parallel_loop3A_568 = arith.addi %parallel_loop3A_566, %parallel_loop3A_567 : i32
        %parallel_loop3A_569 = arith.index_cast %parallel_loop3A_548 : i32 to index
        %parallel_loop3A_570 = arith.index_cast %parallel_loop3A_568 : i32 to index
        %parallel_loop3A_571 = tpu.vector_load %arg10[%parallel_loop3A_569, %parallel_loop3A_570] {strides = array<i32>} : memref<8x1024xf32, #tpu.memory_space<vmem>>, vector<1x16xf32>,
        %parallel_loop3A_572 = vector.shape_cast %parallel_loop3A_571 : vector<1x16xf32> to vector<16xf32>
        %parallel_loop3A_573 = arith.constant 0 : i32
        %parallel_loop3A_574 = arith.addi %parallel_loop3A_573, %parallel_loop3A_548 : i32
        %parallel_loop3A_575 = arith.index_cast %parallel_loop3A_574 : i32 to index
        %parallel_loop3A_576 = arith.index_cast %parallel_loop3A_568 : i32 to index
        %parallel_loop3A_577 = tpu.vector_load %arg8[%parallel_loop3A_575, %parallel_loop3A_576] {strides = array<i32>} : memref<32x1024xf32, #tpu.memory_space<vmem>>, vector<1x16xf32>,
        %parallel_loop3A_578 = vector.shape_cast %parallel_loop3A_577 : vector<1x16xf32> to vector<16xf32>
        %parallel_loop3A_579 = vector.shape_cast %parallel_loop3A_572 : vector<16xf32> to vector<1x16xf32>
        tpu.vector_store %arg8[%parallel_loop3A_575, %parallel_loop3A_576], %parallel_loop3A_579 {add = true, strides = array<i32>} : memref<32x1024xf32, #tpu.memory_space<vmem>>, vector<1x16xf32>,
        %parallel_loop3A_580 = arith.constant 8 : i32
        %parallel_loop3A_581 = arith.addi %parallel_loop3A_580, %parallel_loop3A_548 : i32
        %parallel_loop3A_582 = arith.index_cast %parallel_loop3A_581 : i32 to index
        %parallel_loop3A_583 = arith.index_cast %parallel_loop3A_568 : i32 to index
        %parallel_loop3A_584 = tpu.vector_load %arg8[%parallel_loop3A_582, %parallel_loop3A_583] {strides = array<i32>} : memref<32x1024xf32, #tpu.memory_space<vmem>>, vector<1x16xf32>,
        %parallel_loop3A_585 = vector.shape_cast %parallel_loop3A_584 : vector<1x16xf32> to vector<16xf32>
        %parallel_loop3A_586 = vector.shape_cast %parallel_loop3A_572 : vector<16xf32> to vector<1x16xf32>
        tpu.vector_store %arg8[%parallel_loop3A_582, %parallel_loop3A_583], %parallel_loop3A_586 {add = true, strides = array<i32>} : memref<32x1024xf32, #tpu.memory_space<vmem>>, vector<1x16xf32>,
        %parallel_loop3A_587 = arith.constant 16 : i32
        %parallel_loop3A_588 = arith.addi %parallel_loop3A_587, %parallel_loop3A_548 : i32
        %parallel_loop3A_589 = arith.index_cast %parallel_loop3A_588 : i32 to index
        %parallel_loop3A_590 = arith.index_cast %parallel_loop3A_568 : i32 to index
        %parallel_loop3A_591 = tpu.vector_load %arg8[%parallel_loop3A_589, %parallel_loop3A_590] {strides = array<i32>} : memref<32x1024xf32, #tpu.memory_space<vmem>>, vector<1x16xf32>,
        %parallel_loop3A_592 = vector.shape_cast %parallel_loop3A_591 : vector<1x16xf32> to vector<16xf32>
        %parallel_loop3A_593 = vector.shape_cast %parallel_loop3A_572 : vector<16xf32> to vector<1x16xf32>
        tpu.vector_store %arg8[%parallel_loop3A_589, %parallel_loop3A_590], %parallel_loop3A_593 {add = true, strides = array<i32>} : memref<32x1024xf32, #tpu.memory_space<vmem>>, vector<1x16xf32>,
        %parallel_loop3A_594 = arith.constant 24 : i32
        %parallel_loop3A_595 = arith.addi %parallel_loop3A_594, %parallel_loop3A_548 : i32
        %parallel_loop3A_596 = arith.index_cast %parallel_loop3A_595 : i32 to index
        %parallel_loop3A_597 = arith.index_cast %parallel_loop3A_568 : i32 to index
        %parallel_loop3A_598 = tpu.vector_load %arg8[%parallel_loop3A_596, %parallel_loop3A_597] {strides = array<i32>} : memref<32x1024xf32, #tpu.memory_space<vmem>>, vector<1x16xf32>,
        %parallel_loop3A_599 = vector.shape_cast %parallel_loop3A_598 : vector<1x16xf32> to vector<16xf32>
        %parallel_loop3A_600 = vector.shape_cast %parallel_loop3A_572 : vector<16xf32> to vector<1x16xf32>
        tpu.vector_store %arg8[%parallel_loop3A_596, %parallel_loop3A_597], %parallel_loop3A_600 {add = true, strides = array<i32>} : memref<32x1024xf32, #tpu.memory_space<vmem>>, vector<1x16xf32>,
        %parallel_loop3A_601 = arith.constant 16 : i32
        %parallel_loop3A_602 = arith.addi %parallel_loop3A_566, %parallel_loop3A_601 : i32
        %parallel_loop3A_603 = arith.index_cast %parallel_loop3A_548 : i32 to index
        %parallel_loop3A_604 = arith.index_cast %parallel_loop3A_602 : i32 to index
        %parallel_loop3A_605 = tpu.vector_load %arg10[%parallel_loop3A_603, %parallel_loop3A_604] {strides = array<i32>} : memref<8x1024xf32, #tpu.memory_space<vmem>>, vector<1x16xf32>,
        %parallel_loop3A_606 = vector.shape_cast %parallel_loop3A_605 : vector<1x16xf32> to vector<16xf32>
        %parallel_loop3A_607 = arith.constant 0 : i32
        %parallel_loop3A_608 = arith.addi %parallel_loop3A_607, %parallel_loop3A_548 : i32
        %parallel_loop3A_609 = arith.index_cast %parallel_loop3A_608 : i32 to index
        %parallel_loop3A_610 = arith.index_cast %parallel_loop3A_602 : i32 to index
        %parallel_loop3A_611 = tpu.vector_load %arg8[%parallel_loop3A_609, %parallel_loop3A_610] {strides = array<i32>} : memref<32x1024xf32, #tpu.memory_space<vmem>>, vector<1x16xf32>,
        %parallel_loop3A_612 = vector.shape_cast %parallel_loop3A_611 : vector<1x16xf32> to vector<16xf32>
        %parallel_loop3A_613 = vector.shape_cast %parallel_loop3A_606 : vector<16xf32> to vector<1x16xf32>
        tpu.vector_store %arg8[%parallel_loop3A_609, %parallel_loop3A_610], %parallel_loop3A_613 {add = true, strides = array<i32>} : memref<32x1024xf32, #tpu.memory_space<vmem>>, vector<1x16xf32>,
        %parallel_loop3A_614 = arith.constant 8 : i32
        %parallel_loop3A_615 = arith.addi %parallel_loop3A_614, %parallel_loop3A_548 : i32
        %parallel_loop3A_616 = arith.index_cast %parallel_loop3A_615 : i32 to index
        %parallel_loop3A_617 = arith.index_cast %parallel_loop3A_602 : i32 to index
        %parallel_loop3A_618 = tpu.vector_load %arg8[%parallel_loop3A_616, %parallel_loop3A_617] {strides = array<i32>} : memref<32x1024xf32, #tpu.memory_space<vmem>>, vector<1x16xf32>,
        %parallel_loop3A_619 = vector.shape_cast %parallel_loop3A_618 : vector<1x16xf32> to vector<16xf32>
        %parallel_loop3A_620 = vector.shape_cast %parallel_loop3A_606 : vector<16xf32> to vector<1x16xf32>
        tpu.vector_store %arg8[%parallel_loop3A_616, %parallel_loop3A_617], %parallel_loop3A_620 {add = true, strides = array<i32>} : memref<32x1024xf32, #tpu.memory_space<vmem>>, vector<1x16xf32>,
        %parallel_loop3A_621 = arith.constant 16 : i32
        %parallel_loop3A_622 = arith.addi %parallel_loop3A_621, %parallel_loop3A_548 : i32
        %parallel_loop3A_623 = arith.index_cast %parallel_loop3A_622 : i32 to index
        %parallel_loop3A_624 = arith.index_cast %parallel_loop3A_602 : i32 to index
        %parallel_loop3A_625 = tpu.vector_load %arg8[%parallel_loop3A_623, %parallel_loop3A_624] {strides = array<i32>} : memref<32x1024xf32, #tpu.memory_space<vmem>>, vector<1x16xf32>,
        %parallel_loop3A_626 = vector.shape_cast %parallel_loop3A_625 : vector<1x16xf32> to vector<16xf32>
        %parallel_loop3A_627 = vector.shape_cast %parallel_loop3A_606 : vector<16xf32> to vector<1x16xf32>
        tpu.vector_store %arg8[%parallel_loop3A_623, %parallel_loop3A_624], %parallel_loop3A_627 {add = true, strides = array<i32>} : memref<32x1024xf32, #tpu.memory_space<vmem>>, vector<1x16xf32>,
        %parallel_loop3A_628 = arith.constant 24 : i32
        %parallel_loop3A_629 = arith.addi %parallel_loop3A_628, %parallel_loop3A_548 : i32
        %parallel_loop3A_630 = arith.index_cast %parallel_loop3A_629 : i32 to index
        %parallel_loop3A_631 = arith.index_cast %parallel_loop3A_602 : i32 to index
        %parallel_loop3A_632 = tpu.vector_load %arg8[%parallel_loop3A_630, %parallel_loop3A_631] {strides = array<i32>} : memref<32x1024xf32, #tpu.memory_space<vmem>>, vector<1x16xf32>,
        %parallel_loop3A_633 = vector.shape_cast %parallel_loop3A_632 : vector<1x16xf32> to vector<16xf32>
        %parallel_loop3A_634 = vector.shape_cast %parallel_loop3A_606 : vector<16xf32> to vector<1x16xf32>
        tpu.vector_store %arg8[%parallel_loop3A_630, %parallel_loop3A_631], %parallel_loop3A_634 {add = true, strides = array<i32>} : memref<32x1024xf32, #tpu.memory_space<vmem>>, vector<1x16xf32>,
        %parallel_loop3A_635 = arith.constant 32 : i32
        %parallel_loop3A_636 = arith.addi %parallel_loop3A_566, %parallel_loop3A_635 : i32
        %parallel_loop3A_637 = arith.index_cast %parallel_loop3A_548 : i32 to index
        %parallel_loop3A_638 = arith.index_cast %parallel_loop3A_636 : i32 to index
        %parallel_loop3A_639 = tpu.vector_load %arg10[%parallel_loop3A_637, %parallel_loop3A_638] {strides = array<i32>} : memref<8x1024xf32, #tpu.memory_space<vmem>>, vector<1x16xf32>,
        %parallel_loop3A_640 = vector.shape_cast %parallel_loop3A_639 : vector<1x16xf32> to vector<16xf32>
        %parallel_loop3A_641 = arith.constant 0 : i32
        %parallel_loop3A_642 = arith.addi %parallel_loop3A_641, %parallel_loop3A_548 : i32
        %parallel_loop3A_643 = arith.index_cast %parallel_loop3A_642 : i32 to index
        %parallel_loop3A_644 = arith.index_cast %parallel_loop3A_636 : i32 to index
        %parallel_loop3A_645 = tpu.vector_load %arg8[%parallel_loop3A_643, %parallel_loop3A_644] {strides = array<i32>} : memref<32x1024xf32, #tpu.memory_space<vmem>>, vector<1x16xf32>,
        %parallel_loop3A_646 = vector.shape_cast %parallel_loop3A_645 : vector<1x16xf32> to vector<16xf32>
        %parallel_loop3A_647 = vector.shape_cast %parallel_loop3A_640 : vector<16xf32> to vector<1x16xf32>
        tpu.vector_store %arg8[%parallel_loop3A_643, %parallel_loop3A_644], %parallel_loop3A_647 {add = true, strides = array<i32>} : memref<32x1024xf32, #tpu.memory_space<vmem>>, vector<1x16xf32>,
        %parallel_loop3A_648 = arith.constant 8 : i32
        %parallel_loop3A_649 = arith.addi %parallel_loop3A_648, %parallel_loop3A_548 : i32
        %parallel_loop3A_650 = arith.index_cast %parallel_loop3A_649 : i32 to index
        %parallel_loop3A_651 = arith.index_cast %parallel_loop3A_636 : i32 to index
        %parallel_loop3A_652 = tpu.vector_load %arg8[%parallel_loop3A_650, %parallel_loop3A_651] {strides = array<i32>} : memref<32x1024xf32, #tpu.memory_space<vmem>>, vector<1x16xf32>,
        %parallel_loop3A_653 = vector.shape_cast %parallel_loop3A_652 : vector<1x16xf32> to vector<16xf32>
        %parallel_loop3A_654 = vector.shape_cast %parallel_loop3A_640 : vector<16xf32> to vector<1x16xf32>
        tpu.vector_store %arg8[%parallel_loop3A_650, %parallel_loop3A_651], %parallel_loop3A_654 {add = true, strides = array<i32>} : memref<32x1024xf32, #tpu.memory_space<vmem>>, vector<1x16xf32>,
        %parallel_loop3A_655 = arith.constant 16 : i32
        %parallel_loop3A_656 = arith.addi %parallel_loop3A_655, %parallel_loop3A_548 : i32
        %parallel_loop3A_657 = arith.index_cast %parallel_loop3A_656 : i32 to index
        %parallel_loop3A_658 = arith.index_cast %parallel_loop3A_636 : i32 to index
        %parallel_loop3A_659 = tpu.vector_load %arg8[%parallel_loop3A_657, %parallel_loop3A_658] {strides = array<i32>} : memref<32x1024xf32, #tpu.memory_space<vmem>>, vector<1x16xf32>,
        %parallel_loop3A_660 = vector.shape_cast %parallel_loop3A_659 : vector<1x16xf32> to vector<16xf32>
        %parallel_loop3A_661 = vector.shape_cast %parallel_loop3A_640 : vector<16xf32> to vector<1x16xf32>
        tpu.vector_store %arg8[%parallel_loop3A_657, %parallel_loop3A_658], %parallel_loop3A_661 {add = true, strides = array<i32>} : memref<32x1024xf32, #tpu.memory_space<vmem>>, vector<1x16xf32>,
        %parallel_loop3A_662 = arith.constant 24 : i32
        %parallel_loop3A_663 = arith.addi %parallel_loop3A_662, %parallel_loop3A_548 : i32
        %parallel_loop3A_664 = arith.index_cast %parallel_loop3A_663 : i32 to index
        %parallel_loop3A_665 = arith.index_cast %parallel_loop3A_636 : i32 to index
        %parallel_loop3A_666 = tpu.vector_load %arg8[%parallel_loop3A_664, %parallel_loop3A_665] {strides = array<i32>} : memref<32x1024xf32, #tpu.memory_space<vmem>>, vector<1x16xf32>,
        %parallel_loop3A_667 = vector.shape_cast %parallel_loop3A_666 : vector<1x16xf32> to vector<16xf32>
        %parallel_loop3A_668 = vector.shape_cast %parallel_loop3A_640 : vector<16xf32> to vector<1x16xf32>
        tpu.vector_store %arg8[%parallel_loop3A_664, %parallel_loop3A_665], %parallel_loop3A_668 {add = true, strides = array<i32>} : memref<32x1024xf32, #tpu.memory_space<vmem>>, vector<1x16xf32>,
        %parallel_loop3A_669 = arith.constant 48 : i32
        %parallel_loop3A_670 = arith.addi %parallel_loop3A_566, %parallel_loop3A_669 : i32
        %parallel_loop3A_671 = arith.index_cast %parallel_loop3A_548 : i32 to index
        %parallel_loop3A_672 = arith.index_cast %parallel_loop3A_670 : i32 to index
        %parallel_loop3A_673 = tpu.vector_load %arg10[%parallel_loop3A_671, %parallel_loop3A_672] {strides = array<i32>} : memref<8x1024xf32, #tpu.memory_space<vmem>>, vector<1x16xf32>,
        %parallel_loop3A_674 = vector.shape_cast %parallel_loop3A_673 : vector<1x16xf32> to vector<16xf32>
        %parallel_loop3A_675 = arith.constant 0 : i32
        %parallel_loop3A_676 = arith.addi %parallel_loop3A_675, %parallel_loop3A_548 : i32
        %parallel_loop3A_677 = arith.index_cast %parallel_loop3A_676 : i32 to index
        %parallel_loop3A_678 = arith.index_cast %parallel_loop3A_670 : i32 to index
        %parallel_loop3A_679 = tpu.vector_load %arg8[%parallel_loop3A_677, %parallel_loop3A_678] {strides = array<i32>} : memref<32x1024xf32, #tpu.memory_space<vmem>>, vector<1x16xf32>,
        %parallel_loop3A_680 = vector.shape_cast %parallel_loop3A_679 : vector<1x16xf32> to vector<16xf32>
        %parallel_loop3A_681 = vector.shape_cast %parallel_loop3A_674 : vector<16xf32> to vector<1x16xf32>
        tpu.vector_store %arg8[%parallel_loop3A_677, %parallel_loop3A_678], %parallel_loop3A_681 {add = true, strides = array<i32>} : memref<32x1024xf32, #tpu.memory_space<vmem>>, vector<1x16xf32>,
        %parallel_loop3A_682 = arith.constant 8 : i32
        %parallel_loop3A_683 = arith.addi %parallel_loop3A_682, %parallel_loop3A_548 : i32
        %parallel_loop3A_684 = arith.index_cast %parallel_loop3A_683 : i32 to index
        %parallel_loop3A_685 = arith.index_cast %parallel_loop3A_670 : i32 to index
        %parallel_loop3A_686 = tpu.vector_load %arg8[%parallel_loop3A_684, %parallel_loop3A_685] {strides = array<i32>} : memref<32x1024xf32, #tpu.memory_space<vmem>>, vector<1x16xf32>,
        %parallel_loop3A_687 = vector.shape_cast %parallel_loop3A_686 : vector<1x16xf32> to vector<16xf32>
        %parallel_loop3A_688 = vector.shape_cast %parallel_loop3A_674 : vector<16xf32> to vector<1x16xf32>
        tpu.vector_store %arg8[%parallel_loop3A_684, %parallel_loop3A_685], %parallel_loop3A_688 {add = true, strides = array<i32>} : memref<32x1024xf32, #tpu.memory_space<vmem>>, vector<1x16xf32>,
        %parallel_loop3A_689 = arith.constant 16 : i32
        %parallel_loop3A_690 = arith.addi %parallel_loop3A_689, %parallel_loop3A_548 : i32
        %parallel_loop3A_691 = arith.index_cast %parallel_loop3A_690 : i32 to index
        %parallel_loop3A_692 = arith.index_cast %parallel_loop3A_670 : i32 to index
        %parallel_loop3A_693 = tpu.vector_load %arg8[%parallel_loop3A_691, %parallel_loop3A_692] {strides = array<i32>} : memref<32x1024xf32, #tpu.memory_space<vmem>>, vector<1x16xf32>,
        %parallel_loop3A_694 = vector.shape_cast %parallel_loop3A_693 : vector<1x16xf32> to vector<16xf32>
        %parallel_loop3A_695 = vector.shape_cast %parallel_loop3A_674 : vector<16xf32> to vector<1x16xf32>
        tpu.vector_store %arg8[%parallel_loop3A_691, %parallel_loop3A_692], %parallel_loop3A_695 {add = true, strides = array<i32>} : memref<32x1024xf32, #tpu.memory_space<vmem>>, vector<1x16xf32>,
        %parallel_loop3A_696 = arith.constant 24 : i32
        %parallel_loop3A_697 = arith.addi %parallel_loop3A_696, %parallel_loop3A_548 : i32
        %parallel_loop3A_698 = arith.index_cast %parallel_loop3A_697 : i32 to index
        %parallel_loop3A_699 = arith.index_cast %parallel_loop3A_670 : i32 to index
        %parallel_loop3A_700 = tpu.vector_load %arg8[%parallel_loop3A_698, %parallel_loop3A_699] {strides = array<i32>} : memref<32x1024xf32, #tpu.memory_space<vmem>>, vector<1x16xf32>,
        %parallel_loop3A_701 = vector.shape_cast %parallel_loop3A_700 : vector<1x16xf32> to vector<16xf32>
        %parallel_loop3A_702 = vector.shape_cast %parallel_loop3A_674 : vector<16xf32> to vector<1x16xf32>
        tpu.vector_store %arg8[%parallel_loop3A_698, %parallel_loop3A_699], %parallel_loop3A_702 {add = true, strides = array<i32>} : memref<32x1024xf32, #tpu.memory_space<vmem>>, vector<1x16xf32>,
        %parallel_loop3A_703 = arith.constant 64 : i32
        %parallel_loop3A_704 = arith.addi %parallel_loop3A_566, %parallel_loop3A_703 : i32
        %parallel_loop3A_705 = arith.index_cast %parallel_loop3A_548 : i32 to index
        %parallel_loop3A_706 = arith.index_cast %parallel_loop3A_704 : i32 to index
        %parallel_loop3A_707 = tpu.vector_load %arg10[%parallel_loop3A_705, %parallel_loop3A_706] {strides = array<i32>} : memref<8x1024xf32, #tpu.memory_space<vmem>>, vector<1x16xf32>,
        %parallel_loop3A_708 = vector.shape_cast %parallel_loop3A_707 : vector<1x16xf32> to vector<16xf32>
        %parallel_loop3A_709 = arith.constant 0 : i32
        %parallel_loop3A_710 = arith.addi %parallel_loop3A_709, %parallel_loop3A_548 : i32
        %parallel_loop3A_711 = arith.index_cast %parallel_loop3A_710 : i32 to index
        %parallel_loop3A_712 = arith.index_cast %parallel_loop3A_704 : i32 to index
        %parallel_loop3A_713 = tpu.vector_load %arg8[%parallel_loop3A_711, %parallel_loop3A_712] {strides = array<i32>} : memref<32x1024xf32, #tpu.memory_space<vmem>>, vector<1x16xf32>,
        %parallel_loop3A_714 = vector.shape_cast %parallel_loop3A_713 : vector<1x16xf32> to vector<16xf32>
        %parallel_loop3A_715 = vector.shape_cast %parallel_loop3A_708 : vector<16xf32> to vector<1x16xf32>
        tpu.vector_store %arg8[%parallel_loop3A_711, %parallel_loop3A_712], %parallel_loop3A_715 {add = true, strides = array<i32>} : memref<32x1024xf32, #tpu.memory_space<vmem>>, vector<1x16xf32>,
        %parallel_loop3A_716 = arith.constant 8 : i32
        %parallel_loop3A_717 = arith.addi %parallel_loop3A_716, %parallel_loop3A_548 : i32
        %parallel_loop3A_718 = arith.index_cast %parallel_loop3A_717 : i32 to index
        %parallel_loop3A_719 = arith.index_cast %parallel_loop3A_704 : i32 to index
        %parallel_loop3A_720 = tpu.vector_load %arg8[%parallel_loop3A_718, %parallel_loop3A_719] {strides = array<i32>} : memref<32x1024xf32, #tpu.memory_space<vmem>>, vector<1x16xf32>,
        %parallel_loop3A_721 = vector.shape_cast %parallel_loop3A_720 : vector<1x16xf32> to vector<16xf32>
        %parallel_loop3A_722 = vector.shape_cast %parallel_loop3A_708 : vector<16xf32> to vector<1x16xf32>
        tpu.vector_store %arg8[%parallel_loop3A_718, %parallel_loop3A_719], %parallel_loop3A_722 {add = true, strides = array<i32>} : memref<32x1024xf32, #tpu.memory_space<vmem>>, vector<1x16xf32>,
        %parallel_loop3A_723 = arith.constant 16 : i32
        %parallel_loop3A_724 = arith.addi %parallel_loop3A_723, %parallel_loop3A_548 : i32
        %parallel_loop3A_725 = arith.index_cast %parallel_loop3A_724 : i32 to index
        %parallel_loop3A_726 = arith.index_cast %parallel_loop3A_704 : i32 to index
        %parallel_loop3A_727 = tpu.vector_load %arg8[%parallel_loop3A_725, %parallel_loop3A_726] {strides = array<i32>} : memref<32x1024xf32, #tpu.memory_space<vmem>>, vector<1x16xf32>,
        %parallel_loop3A_728 = vector.shape_cast %parallel_loop3A_727 : vector<1x16xf32> to vector<16xf32>
        %parallel_loop3A_729 = vector.shape_cast %parallel_loop3A_708 : vector<16xf32> to vector<1x16xf32>
        tpu.vector_store %arg8[%parallel_loop3A_725, %parallel_loop3A_726], %parallel_loop3A_729 {add = true, strides = array<i32>} : memref<32x1024xf32, #tpu.memory_space<vmem>>, vector<1x16xf32>,
        %parallel_loop3A_730 = arith.constant 24 : i32
        %parallel_loop3A_731 = arith.addi %parallel_loop3A_730, %parallel_loop3A_548 : i32
        %parallel_loop3A_732 = arith.index_cast %parallel_loop3A_731 : i32 to index
        %parallel_loop3A_733 = arith.index_cast %parallel_loop3A_704 : i32 to index
        %parallel_loop3A_734 = tpu.vector_load %arg8[%parallel_loop3A_732, %parallel_loop3A_733] {strides = array<i32>} : memref<32x1024xf32, #tpu.memory_space<vmem>>, vector<1x16xf32>,
        %parallel_loop3A_735 = vector.shape_cast %parallel_loop3A_734 : vector<1x16xf32> to vector<16xf32>
        %parallel_loop3A_736 = vector.shape_cast %parallel_loop3A_708 : vector<16xf32> to vector<1x16xf32>
        tpu.vector_store %arg8[%parallel_loop3A_732, %parallel_loop3A_733], %parallel_loop3A_736 {add = true, strides = array<i32>} : memref<32x1024xf32, #tpu.memory_space<vmem>>, vector<1x16xf32>,
        %parallel_loop3A_737 = arith.constant 80 : i32
        %parallel_loop3A_738 = arith.addi %parallel_loop3A_566, %parallel_loop3A_737 : i32
        %parallel_loop3A_739 = arith.index_cast %parallel_loop3A_548 : i32 to index
        %parallel_loop3A_740 = arith.index_cast %parallel_loop3A_738 : i32 to index
        %parallel_loop3A_741 = tpu.vector_load %arg10[%parallel_loop3A_739, %parallel_loop3A_740] {strides = array<i32>} : memref<8x1024xf32, #tpu.memory_space<vmem>>, vector<1x16xf32>,
        %parallel_loop3A_742 = vector.shape_cast %parallel_loop3A_741 : vector<1x16xf32> to vector<16xf32>
        %parallel_loop3A_743 = arith.constant 0 : i32
        %parallel_loop3A_744 = arith.addi %parallel_loop3A_743, %parallel_loop3A_548 : i32
        %parallel_loop3A_745 = arith.index_cast %parallel_loop3A_744 : i32 to index
        %parallel_loop3A_746 = arith.index_cast %parallel_loop3A_738 : i32 to index
        %parallel_loop3A_747 = tpu.vector_load %arg8[%parallel_loop3A_745, %parallel_loop3A_746] {strides = array<i32>} : memref<32x1024xf32, #tpu.memory_space<vmem>>, vector<1x16xf32>,
        %parallel_loop3A_748 = vector.shape_cast %parallel_loop3A_747 : vector<1x16xf32> to vector<16xf32>
        %parallel_loop3A_749 = vector.shape_cast %parallel_loop3A_742 : vector<16xf32> to vector<1x16xf32>
        tpu.vector_store %arg8[%parallel_loop3A_745, %parallel_loop3A_746], %parallel_loop3A_749 {add = true, strides = array<i32>} : memref<32x1024xf32, #tpu.memory_space<vmem>>, vector<1x16xf32>,
        %parallel_loop3A_750 = arith.constant 8 : i32
        %parallel_loop3A_751 = arith.addi %parallel_loop3A_750, %parallel_loop3A_548 : i32
        %parallel_loop3A_752 = arith.index_cast %parallel_loop3A_751 : i32 to index
        %parallel_loop3A_753 = arith.index_cast %parallel_loop3A_738 : i32 to index
        %parallel_loop3A_754 = tpu.vector_load %arg8[%parallel_loop3A_752, %parallel_loop3A_753] {strides = array<i32>} : memref<32x1024xf32, #tpu.memory_space<vmem>>, vector<1x16xf32>,
        %parallel_loop3A_755 = vector.shape_cast %parallel_loop3A_754 : vector<1x16xf32> to vector<16xf32>
        %parallel_loop3A_756 = vector.shape_cast %parallel_loop3A_742 : vector<16xf32> to vector<1x16xf32>
        tpu.vector_store %arg8[%parallel_loop3A_752, %parallel_loop3A_753], %parallel_loop3A_756 {add = true, strides = array<i32>} : memref<32x1024xf32, #tpu.memory_space<vmem>>, vector<1x16xf32>,
        %parallel_loop3A_757 = arith.constant 16 : i32
        %parallel_loop3A_758 = arith.addi %parallel_loop3A_757, %parallel_loop3A_548 : i32
        %parallel_loop3A_759 = arith.index_cast %parallel_loop3A_758 : i32 to index
        %parallel_loop3A_760 = arith.index_cast %parallel_loop3A_738 : i32 to index
        %parallel_loop3A_761 = tpu.vector_load %arg8[%parallel_loop3A_759, %parallel_loop3A_760] {strides = array<i32>} : memref<32x1024xf32, #tpu.memory_space<vmem>>, vector<1x16xf32>,
        %parallel_loop3A_762 = vector.shape_cast %parallel_loop3A_761 : vector<1x16xf32> to vector<16xf32>
        %parallel_loop3A_763 = vector.shape_cast %parallel_loop3A_742 : vector<16xf32> to vector<1x16xf32>
        tpu.vector_store %arg8[%parallel_loop3A_759, %parallel_loop3A_760], %parallel_loop3A_763 {add = true, strides = array<i32>} : memref<32x1024xf32, #tpu.memory_space<vmem>>, vector<1x16xf32>,
        %parallel_loop3A_764 = arith.constant 24 : i32
        %parallel_loop3A_765 = arith.addi %parallel_loop3A_764, %parallel_loop3A_548 : i32
        %parallel_loop3A_766 = arith.index_cast %parallel_loop3A_765 : i32 to index
        %parallel_loop3A_767 = arith.index_cast %parallel_loop3A_738 : i32 to index
        %parallel_loop3A_768 = tpu.vector_load %arg8[%parallel_loop3A_766, %parallel_loop3A_767] {strides = array<i32>} : memref<32x1024xf32, #tpu.memory_space<vmem>>, vector<1x16xf32>,
        %parallel_loop3A_769 = vector.shape_cast %parallel_loop3A_768 : vector<1x16xf32> to vector<16xf32>
        %parallel_loop3A_770 = vector.shape_cast %parallel_loop3A_742 : vector<16xf32> to vector<1x16xf32>
        tpu.vector_store %arg8[%parallel_loop3A_766, %parallel_loop3A_767], %parallel_loop3A_770 {add = true, strides = array<i32>} : memref<32x1024xf32, #tpu.memory_space<vmem>>, vector<1x16xf32>,
        %parallel_loop3A_771 = arith.constant 96 : i32
        %parallel_loop3A_772 = arith.addi %parallel_loop3A_566, %parallel_loop3A_771 : i32
        %parallel_loop3A_773 = arith.index_cast %parallel_loop3A_548 : i32 to index
        %parallel_loop3A_774 = arith.index_cast %parallel_loop3A_772 : i32 to index
        %parallel_loop3A_775 = tpu.vector_load %arg10[%parallel_loop3A_773, %parallel_loop3A_774] {strides = array<i32>} : memref<8x1024xf32, #tpu.memory_space<vmem>>, vector<1x16xf32>,
        %parallel_loop3A_776 = vector.shape_cast %parallel_loop3A_775 : vector<1x16xf32> to vector<16xf32>
        %parallel_loop3A_777 = arith.constant 0 : i32
        %parallel_loop3A_778 = arith.addi %parallel_loop3A_777, %parallel_loop3A_548 : i32
        %parallel_loop3A_779 = arith.index_cast %parallel_loop3A_778 : i32 to index
        %parallel_loop3A_780 = arith.index_cast %parallel_loop3A_772 : i32 to index
        %parallel_loop3A_781 = tpu.vector_load %arg8[%parallel_loop3A_779, %parallel_loop3A_780] {strides = array<i32>} : memref<32x1024xf32, #tpu.memory_space<vmem>>, vector<1x16xf32>,
        %parallel_loop3A_782 = vector.shape_cast %parallel_loop3A_781 : vector<1x16xf32> to vector<16xf32>
        %parallel_loop3A_783 = vector.shape_cast %parallel_loop3A_776 : vector<16xf32> to vector<1x16xf32>
        tpu.vector_store %arg8[%parallel_loop3A_779, %parallel_loop3A_780], %parallel_loop3A_783 {add = true, strides = array<i32>} : memref<32x1024xf32, #tpu.memory_space<vmem>>, vector<1x16xf32>,
        %parallel_loop3A_784 = arith.constant 8 : i32
        %parallel_loop3A_785 = arith.addi %parallel_loop3A_784, %parallel_loop3A_548 : i32
        %parallel_loop3A_786 = arith.index_cast %parallel_loop3A_785 : i32 to index
        %parallel_loop3A_787 = arith.index_cast %parallel_loop3A_772 : i32 to index
        %parallel_loop3A_788 = tpu.vector_load %arg8[%parallel_loop3A_786, %parallel_loop3A_787] {strides = array<i32>} : memref<32x1024xf32, #tpu.memory_space<vmem>>, vector<1x16xf32>,
        %parallel_loop3A_789 = vector.shape_cast %parallel_loop3A_788 : vector<1x16xf32> to vector<16xf32>
        %parallel_loop3A_790 = vector.shape_cast %parallel_loop3A_776 : vector<16xf32> to vector<1x16xf32>
        tpu.vector_store %arg8[%parallel_loop3A_786, %parallel_loop3A_787], %parallel_loop3A_790 {add = true, strides = array<i32>} : memref<32x1024xf32, #tpu.memory_space<vmem>>, vector<1x16xf32>,
        %parallel_loop3A_791 = arith.constant 16 : i32
        %parallel_loop3A_792 = arith.addi %parallel_loop3A_791, %parallel_loop3A_548 : i32
        %parallel_loop3A_793 = arith.index_cast %parallel_loop3A_792 : i32 to index
        %parallel_loop3A_794 = arith.index_cast %parallel_loop3A_772 : i32 to index
        %parallel_loop3A_795 = tpu.vector_load %arg8[%parallel_loop3A_793, %parallel_loop3A_794] {strides = array<i32>} : memref<32x1024xf32, #tpu.memory_space<vmem>>, vector<1x16xf32>,
        %parallel_loop3A_796 = vector.shape_cast %parallel_loop3A_795 : vector<1x16xf32> to vector<16xf32>
        %parallel_loop3A_797 = vector.shape_cast %parallel_loop3A_776 : vector<16xf32> to vector<1x16xf32>
        tpu.vector_store %arg8[%parallel_loop3A_793, %parallel_loop3A_794], %parallel_loop3A_797 {add = true, strides = array<i32>} : memref<32x1024xf32, #tpu.memory_space<vmem>>, vector<1x16xf32>,
        %parallel_loop3A_798 = arith.constant 24 : i32
        %parallel_loop3A_799 = arith.addi %parallel_loop3A_798, %parallel_loop3A_548 : i32
        %parallel_loop3A_800 = arith.index_cast %parallel_loop3A_799 : i32 to index
        %parallel_loop3A_801 = arith.index_cast %parallel_loop3A_772 : i32 to index
        %parallel_loop3A_802 = tpu.vector_load %arg8[%parallel_loop3A_800, %parallel_loop3A_801] {strides = array<i32>} : memref<32x1024xf32, #tpu.memory_space<vmem>>, vector<1x16xf32>,
        %parallel_loop3A_803 = vector.shape_cast %parallel_loop3A_802 : vector<1x16xf32> to vector<16xf32>
        %parallel_loop3A_804 = vector.shape_cast %parallel_loop3A_776 : vector<16xf32> to vector<1x16xf32>
        tpu.vector_store %arg8[%parallel_loop3A_800, %parallel_loop3A_801], %parallel_loop3A_804 {add = true, strides = array<i32>} : memref<32x1024xf32, #tpu.memory_space<vmem>>, vector<1x16xf32>,
        %parallel_loop3A_805 = arith.constant 112 : i32
        %parallel_loop3A_806 = arith.addi %parallel_loop3A_566, %parallel_loop3A_805 : i32
        %parallel_loop3A_807 = arith.index_cast %parallel_loop3A_548 : i32 to index
        %parallel_loop3A_808 = arith.index_cast %parallel_loop3A_806 : i32 to index
        %parallel_loop3A_809 = tpu.vector_load %arg10[%parallel_loop3A_807, %parallel_loop3A_808] {strides = array<i32>} : memref<8x1024xf32, #tpu.memory_space<vmem>>, vector<1x16xf32>,
        %parallel_loop3A_810 = vector.shape_cast %parallel_loop3A_809 : vector<1x16xf32> to vector<16xf32>
        %parallel_loop3A_811 = arith.constant 0 : i32
        %parallel_loop3A_812 = arith.addi %parallel_loop3A_811, %parallel_loop3A_548 : i32
        %parallel_loop3A_813 = arith.index_cast %parallel_loop3A_812 : i32 to index
        %parallel_loop3A_814 = arith.index_cast %parallel_loop3A_806 : i32 to index
        %parallel_loop3A_815 = tpu.vector_load %arg8[%parallel_loop3A_813, %parallel_loop3A_814] {strides = array<i32>} : memref<32x1024xf32, #tpu.memory_space<vmem>>, vector<1x16xf32>,
        %parallel_loop3A_816 = vector.shape_cast %parallel_loop3A_815 : vector<1x16xf32> to vector<16xf32>
        %parallel_loop3A_817 = vector.shape_cast %parallel_loop3A_810 : vector<16xf32> to vector<1x16xf32>
        tpu.vector_store %arg8[%parallel_loop3A_813, %parallel_loop3A_814], %parallel_loop3A_817 {add = true, strides = array<i32>} : memref<32x1024xf32, #tpu.memory_space<vmem>>, vector<1x16xf32>,
        %parallel_loop3A_818 = arith.constant 8 : i32
        %parallel_loop3A_819 = arith.addi %parallel_loop3A_818, %parallel_loop3A_548 : i32
        %parallel_loop3A_820 = arith.index_cast %parallel_loop3A_819 : i32 to index
        %parallel_loop3A_821 = arith.index_cast %parallel_loop3A_806 : i32 to index
        %parallel_loop3A_822 = tpu.vector_load %arg8[%parallel_loop3A_820, %parallel_loop3A_821] {strides = array<i32>} : memref<32x1024xf32, #tpu.memory_space<vmem>>, vector<1x16xf32>,
        %parallel_loop3A_823 = vector.shape_cast %parallel_loop3A_822 : vector<1x16xf32> to vector<16xf32>
        %parallel_loop3A_824 = vector.shape_cast %parallel_loop3A_810 : vector<16xf32> to vector<1x16xf32>
        tpu.vector_store %arg8[%parallel_loop3A_820, %parallel_loop3A_821], %parallel_loop3A_824 {add = true, strides = array<i32>} : memref<32x1024xf32, #tpu.memory_space<vmem>>, vector<1x16xf32>,
        %parallel_loop3A_825 = arith.constant 16 : i32
        %parallel_loop3A_826 = arith.addi %parallel_loop3A_825, %parallel_loop3A_548 : i32
        %parallel_loop3A_827 = arith.index_cast %parallel_loop3A_826 : i32 to index
        %parallel_loop3A_828 = arith.index_cast %parallel_loop3A_806 : i32 to index
        %parallel_loop3A_829 = tpu.vector_load %arg8[%parallel_loop3A_827, %parallel_loop3A_828] {strides = array<i32>} : memref<32x1024xf32, #tpu.memory_space<vmem>>, vector<1x16xf32>,
        %parallel_loop3A_830 = vector.shape_cast %parallel_loop3A_829 : vector<1x16xf32> to vector<16xf32>
        %parallel_loop3A_831 = vector.shape_cast %parallel_loop3A_810 : vector<16xf32> to vector<1x16xf32>
        tpu.vector_store %arg8[%parallel_loop3A_827, %parallel_loop3A_828], %parallel_loop3A_831 {add = true, strides = array<i32>} : memref<32x1024xf32, #tpu.memory_space<vmem>>, vector<1x16xf32>,
        %parallel_loop3A_832 = arith.constant 24 : i32
        %parallel_loop3A_833 = arith.addi %parallel_loop3A_832, %parallel_loop3A_548 : i32
        %parallel_loop3A_834 = arith.index_cast %parallel_loop3A_833 : i32 to index
        %parallel_loop3A_835 = arith.index_cast %parallel_loop3A_806 : i32 to index
        %parallel_loop3A_836 = tpu.vector_load %arg8[%parallel_loop3A_834, %parallel_loop3A_835] {strides = array<i32>} : memref<32x1024xf32, #tpu.memory_space<vmem>>, vector<1x16xf32>,
        %parallel_loop3A_837 = vector.shape_cast %parallel_loop3A_836 : vector<1x16xf32> to vector<16xf32>
        %parallel_loop3A_838 = vector.shape_cast %parallel_loop3A_810 : vector<16xf32> to vector<1x16xf32>
        tpu.vector_store %arg8[%parallel_loop3A_834, %parallel_loop3A_835], %parallel_loop3A_838 {add = true, strides = array<i32>} : memref<32x1024xf32, #tpu.memory_space<vmem>>, vector<1x16xf32>,
        %parallel_loop3A_839 = arith.constant 128 : i32
        %parallel_loop3A_840 = arith.addi %parallel_loop3A_566, %parallel_loop3A_839 : i32
        %parallel_loop3A_841 = arith.index_cast %parallel_loop3A_548 : i32 to index
        %parallel_loop3A_842 = arith.index_cast %parallel_loop3A_840 : i32 to index
        %parallel_loop3A_843 = tpu.vector_load %arg10[%parallel_loop3A_841, %parallel_loop3A_842] {strides = array<i32>} : memref<8x1024xf32, #tpu.memory_space<vmem>>, vector<1x16xf32>,
        %parallel_loop3A_844 = vector.shape_cast %parallel_loop3A_843 : vector<1x16xf32> to vector<16xf32>
        %parallel_loop3A_845 = arith.constant 0 : i32
        %parallel_loop3A_846 = arith.addi %parallel_loop3A_845, %parallel_loop3A_548 : i32
        %parallel_loop3A_847 = arith.index_cast %parallel_loop3A_846 : i32 to index
        %parallel_loop3A_848 = arith.index_cast %parallel_loop3A_840 : i32 to index
        %parallel_loop3A_849 = tpu.vector_load %arg8[%parallel_loop3A_847, %parallel_loop3A_848] {strides = array<i32>} : memref<32x1024xf32, #tpu.memory_space<vmem>>, vector<1x16xf32>,
        %parallel_loop3A_850 = vector.shape_cast %parallel_loop3A_849 : vector<1x16xf32> to vector<16xf32>
        %parallel_loop3A_851 = vector.shape_cast %parallel_loop3A_844 : vector<16xf32> to vector<1x16xf32>
        tpu.vector_store %arg8[%parallel_loop3A_847, %parallel_loop3A_848], %parallel_loop3A_851 {add = true, strides = array<i32>} : memref<32x1024xf32, #tpu.memory_space<vmem>>, vector<1x16xf32>,
        %parallel_loop3A_852 = arith.constant 8 : i32
        %parallel_loop3A_853 = arith.addi %parallel_loop3A_852, %parallel_loop3A_548 : i32
        %parallel_loop3A_854 = arith.index_cast %parallel_loop3A_853 : i32 to index
        %parallel_loop3A_855 = arith.index_cast %parallel_loop3A_840 : i32 to index
        %parallel_loop3A_856 = tpu.vector_load %arg8[%parallel_loop3A_854, %parallel_loop3A_855] {strides = array<i32>} : memref<32x1024xf32, #tpu.memory_space<vmem>>, vector<1x16xf32>,
        %parallel_loop3A_857 = vector.shape_cast %parallel_loop3A_856 : vector<1x16xf32> to vector<16xf32>
        %parallel_loop3A_858 = vector.shape_cast %parallel_loop3A_844 : vector<16xf32> to vector<1x16xf32>
        tpu.vector_store %arg8[%parallel_loop3A_854, %parallel_loop3A_855], %parallel_loop3A_858 {add = true, strides = array<i32>} : memref<32x1024xf32, #tpu.memory_space<vmem>>, vector<1x16xf32>,
        %parallel_loop3A_859 = arith.constant 16 : i32
        %parallel_loop3A_860 = arith.addi %parallel_loop3A_859, %parallel_loop3A_548 : i32
        %parallel_loop3A_861 = arith.index_cast %parallel_loop3A_860 : i32 to index
        %parallel_loop3A_862 = arith.index_cast %parallel_loop3A_840 : i32 to index
        %parallel_loop3A_863 = tpu.vector_load %arg8[%parallel_loop3A_861, %parallel_loop3A_862] {strides = array<i32>} : memref<32x1024xf32, #tpu.memory_space<vmem>>, vector<1x16xf32>,
        %parallel_loop3A_864 = vector.shape_cast %parallel_loop3A_863 : vector<1x16xf32> to vector<16xf32>
        %parallel_loop3A_865 = vector.shape_cast %parallel_loop3A_844 : vector<16xf32> to vector<1x16xf32>
        tpu.vector_store %arg8[%parallel_loop3A_861, %parallel_loop3A_862], %parallel_loop3A_865 {add = true, strides = array<i32>} : memref<32x1024xf32, #tpu.memory_space<vmem>>, vector<1x16xf32>,
        %parallel_loop3A_866 = arith.constant 24 : i32
        %parallel_loop3A_867 = arith.addi %parallel_loop3A_866, %parallel_loop3A_548 : i32
        %parallel_loop3A_868 = arith.index_cast %parallel_loop3A_867 : i32 to index
        %parallel_loop3A_869 = arith.index_cast %parallel_loop3A_840 : i32 to index
        %parallel_loop3A_870 = tpu.vector_load %arg8[%parallel_loop3A_868, %parallel_loop3A_869] {strides = array<i32>} : memref<32x1024xf32, #tpu.memory_space<vmem>>, vector<1x16xf32>,
        %parallel_loop3A_871 = vector.shape_cast %parallel_loop3A_870 : vector<1x16xf32> to vector<16xf32>
        %parallel_loop3A_872 = vector.shape_cast %parallel_loop3A_844 : vector<16xf32> to vector<1x16xf32>
        tpu.vector_store %arg8[%parallel_loop3A_868, %parallel_loop3A_869], %parallel_loop3A_872 {add = true, strides = array<i32>} : memref<32x1024xf32, #tpu.memory_space<vmem>>, vector<1x16xf32>,
        %parallel_loop3A_873 = arith.constant 144 : i32
        %parallel_loop3A_874 = arith.addi %parallel_loop3A_566, %parallel_loop3A_873 : i32
        %parallel_loop3A_875 = arith.index_cast %parallel_loop3A_548 : i32 to index
        %parallel_loop3A_876 = arith.index_cast %parallel_loop3A_874 : i32 to index
        %parallel_loop3A_877 = tpu.vector_load %arg10[%parallel_loop3A_875, %parallel_loop3A_876] {strides = array<i32>} : memref<8x1024xf32, #tpu.memory_space<vmem>>, vector<1x16xf32>,
        %parallel_loop3A_878 = vector.shape_cast %parallel_loop3A_877 : vector<1x16xf32> to vector<16xf32>
        %parallel_loop3A_879 = arith.constant 0 : i32
        %parallel_loop3A_880 = arith.addi %parallel_loop3A_879, %parallel_loop3A_548 : i32
        %parallel_loop3A_881 = arith.index_cast %parallel_loop3A_880 : i32 to index
        %parallel_loop3A_882 = arith.index_cast %parallel_loop3A_874 : i32 to index
        %parallel_loop3A_883 = tpu.vector_load %arg8[%parallel_loop3A_881, %parallel_loop3A_882] {strides = array<i32>} : memref<32x1024xf32, #tpu.memory_space<vmem>>, vector<1x16xf32>,
        %parallel_loop3A_884 = vector.shape_cast %parallel_loop3A_883 : vector<1x16xf32> to vector<16xf32>
        %parallel_loop3A_885 = vector.shape_cast %parallel_loop3A_878 : vector<16xf32> to vector<1x16xf32>
        tpu.vector_store %arg8[%parallel_loop3A_881, %parallel_loop3A_882], %parallel_loop3A_885 {add = true, strides = array<i32>} : memref<32x1024xf32, #tpu.memory_space<vmem>>, vector<1x16xf32>,
        %parallel_loop3A_886 = arith.constant 8 : i32
        %parallel_loop3A_887 = arith.addi %parallel_loop3A_886, %parallel_loop3A_548 : i32
        %parallel_loop3A_888 = arith.index_cast %parallel_loop3A_887 : i32 to index
        %parallel_loop3A_889 = arith.index_cast %parallel_loop3A_874 : i32 to index
        %parallel_loop3A_890 = tpu.vector_load %arg8[%parallel_loop3A_888, %parallel_loop3A_889] {strides = array<i32>} : memref<32x1024xf32, #tpu.memory_space<vmem>>, vector<1x16xf32>,
        %parallel_loop3A_891 = vector.shape_cast %parallel_loop3A_890 : vector<1x16xf32> to vector<16xf32>
        %parallel_loop3A_892 = vector.shape_cast %parallel_loop3A_878 : vector<16xf32> to vector<1x16xf32>
        tpu.vector_store %arg8[%parallel_loop3A_888, %parallel_loop3A_889], %parallel_loop3A_892 {add = true, strides = array<i32>} : memref<32x1024xf32, #tpu.memory_space<vmem>>, vector<1x16xf32>,
        %parallel_loop3A_893 = arith.constant 16 : i32
        %parallel_loop3A_894 = arith.addi %parallel_loop3A_893, %parallel_loop3A_548 : i32
        %parallel_loop3A_895 = arith.index_cast %parallel_loop3A_894 : i32 to index
        %parallel_loop3A_896 = arith.index_cast %parallel_loop3A_874 : i32 to index
        %parallel_loop3A_897 = tpu.vector_load %arg8[%parallel_loop3A_895, %parallel_loop3A_896] {strides = array<i32>} : memref<32x1024xf32, #tpu.memory_space<vmem>>, vector<1x16xf32>,
        %parallel_loop3A_898 = vector.shape_cast %parallel_loop3A_897 : vector<1x16xf32> to vector<16xf32>
        %parallel_loop3A_899 = vector.shape_cast %parallel_loop3A_878 : vector<16xf32> to vector<1x16xf32>
        tpu.vector_store %arg8[%parallel_loop3A_895, %parallel_loop3A_896], %parallel_loop3A_899 {add = true, strides = array<i32>} : memref<32x1024xf32, #tpu.memory_space<vmem>>, vector<1x16xf32>,
        %parallel_loop3A_900 = arith.constant 24 : i32
        %parallel_loop3A_901 = arith.addi %parallel_loop3A_900, %parallel_loop3A_548 : i32
        %parallel_loop3A_902 = arith.index_cast %parallel_loop3A_901 : i32 to index
        %parallel_loop3A_903 = arith.index_cast %parallel_loop3A_874 : i32 to index
        %parallel_loop3A_904 = tpu.vector_load %arg8[%parallel_loop3A_902, %parallel_loop3A_903] {strides = array<i32>} : memref<32x1024xf32, #tpu.memory_space<vmem>>, vector<1x16xf32>,
        %parallel_loop3A_905 = vector.shape_cast %parallel_loop3A_904 : vector<1x16xf32> to vector<16xf32>
        %parallel_loop3A_906 = vector.shape_cast %parallel_loop3A_878 : vector<16xf32> to vector<1x16xf32>
        tpu.vector_store %arg8[%parallel_loop3A_902, %parallel_loop3A_903], %parallel_loop3A_906 {add = true, strides = array<i32>} : memref<32x1024xf32, #tpu.memory_space<vmem>>, vector<1x16xf32>,
        %parallel_loop3A_907 = arith.constant 160 : i32
        %parallel_loop3A_908 = arith.addi %parallel_loop3A_566, %parallel_loop3A_907 : i32
        %parallel_loop3A_909 = arith.index_cast %parallel_loop3A_548 : i32 to index
        %parallel_loop3A_910 = arith.index_cast %parallel_loop3A_908 : i32 to index
        %parallel_loop3A_911 = tpu.vector_load %arg10[%parallel_loop3A_909, %parallel_loop3A_910] {strides = array<i32>} : memref<8x1024xf32, #tpu.memory_space<vmem>>, vector<1x16xf32>,
        %parallel_loop3A_912 = vector.shape_cast %parallel_loop3A_911 : vector<1x16xf32> to vector<16xf32>
        %parallel_loop3A_913 = arith.constant 0 : i32
        %parallel_loop3A_914 = arith.addi %parallel_loop3A_913, %parallel_loop3A_548 : i32
        %parallel_loop3A_915 = arith.index_cast %parallel_loop3A_914 : i32 to index
        %parallel_loop3A_916 = arith.index_cast %parallel_loop3A_908 : i32 to index
        %parallel_loop3A_917 = tpu.vector_load %arg8[%parallel_loop3A_915, %parallel_loop3A_916] {strides = array<i32>} : memref<32x1024xf32, #tpu.memory_space<vmem>>, vector<1x16xf32>,
        %parallel_loop3A_918 = vector.shape_cast %parallel_loop3A_917 : vector<1x16xf32> to vector<16xf32>
        %parallel_loop3A_919 = vector.shape_cast %parallel_loop3A_912 : vector<16xf32> to vector<1x16xf32>
        tpu.vector_store %arg8[%parallel_loop3A_915, %parallel_loop3A_916], %parallel_loop3A_919 {add = true, strides = array<i32>} : memref<32x1024xf32, #tpu.memory_space<vmem>>, vector<1x16xf32>,
        %parallel_loop3A_920 = arith.constant 8 : i32
        %parallel_loop3A_921 = arith.addi %parallel_loop3A_920, %parallel_loop3A_548 : i32
        %parallel_loop3A_922 = arith.index_cast %parallel_loop3A_921 : i32 to index
        %parallel_loop3A_923 = arith.index_cast %parallel_loop3A_908 : i32 to index
        %parallel_loop3A_924 = tpu.vector_load %arg8[%parallel_loop3A_922, %parallel_loop3A_923] {strides = array<i32>} : memref<32x1024xf32, #tpu.memory_space<vmem>>, vector<1x16xf32>,
        %parallel_loop3A_925 = vector.shape_cast %parallel_loop3A_924 : vector<1x16xf32> to vector<16xf32>
        %parallel_loop3A_926 = vector.shape_cast %parallel_loop3A_912 : vector<16xf32> to vector<1x16xf32>
        tpu.vector_store %arg8[%parallel_loop3A_922, %parallel_loop3A_923], %parallel_loop3A_926 {add = true, strides = array<i32>} : memref<32x1024xf32, #tpu.memory_space<vmem>>, vector<1x16xf32>,
        %parallel_loop3A_927 = arith.constant 16 : i32
        %parallel_loop3A_928 = arith.addi %parallel_loop3A_927, %parallel_loop3A_548 : i32
        %parallel_loop3A_929 = arith.index_cast %parallel_loop3A_928 : i32 to index
        %parallel_loop3A_930 = arith.index_cast %parallel_loop3A_908 : i32 to index
        %parallel_loop3A_931 = tpu.vector_load %arg8[%parallel_loop3A_929, %parallel_loop3A_930] {strides = array<i32>} : memref<32x1024xf32, #tpu.memory_space<vmem>>, vector<1x16xf32>,
        %parallel_loop3A_932 = vector.shape_cast %parallel_loop3A_931 : vector<1x16xf32> to vector<16xf32>
        %parallel_loop3A_933 = vector.shape_cast %parallel_loop3A_912 : vector<16xf32> to vector<1x16xf32>
        tpu.vector_store %arg8[%parallel_loop3A_929, %parallel_loop3A_930], %parallel_loop3A_933 {add = true, strides = array<i32>} : memref<32x1024xf32, #tpu.memory_space<vmem>>, vector<1x16xf32>,
        %parallel_loop3A_934 = arith.constant 24 : i32
        %parallel_loop3A_935 = arith.addi %parallel_loop3A_934, %parallel_loop3A_548 : i32
        %parallel_loop3A_936 = arith.index_cast %parallel_loop3A_935 : i32 to index
        %parallel_loop3A_937 = arith.index_cast %parallel_loop3A_908 : i32 to index
        %parallel_loop3A_938 = tpu.vector_load %arg8[%parallel_loop3A_936, %parallel_loop3A_937] {strides = array<i32>} : memref<32x1024xf32, #tpu.memory_space<vmem>>, vector<1x16xf32>,
        %parallel_loop3A_939 = vector.shape_cast %parallel_loop3A_938 : vector<1x16xf32> to vector<16xf32>
        %parallel_loop3A_940 = vector.shape_cast %parallel_loop3A_912 : vector<16xf32> to vector<1x16xf32>
        tpu.vector_store %arg8[%parallel_loop3A_936, %parallel_loop3A_937], %parallel_loop3A_940 {add = true, strides = array<i32>} : memref<32x1024xf32, #tpu.memory_space<vmem>>, vector<1x16xf32>,
        %parallel_loop3A_941 = arith.constant 176 : i32
        %parallel_loop3A_942 = arith.addi %parallel_loop3A_566, %parallel_loop3A_941 : i32
        %parallel_loop3A_943 = arith.index_cast %parallel_loop3A_548 : i32 to index
        %parallel_loop3A_944 = arith.index_cast %parallel_loop3A_942 : i32 to index
        %parallel_loop3A_945 = tpu.vector_load %arg10[%parallel_loop3A_943, %parallel_loop3A_944] {strides = array<i32>} : memref<8x1024xf32, #tpu.memory_space<vmem>>, vector<1x16xf32>,
        %parallel_loop3A_946 = vector.shape_cast %parallel_loop3A_945 : vector<1x16xf32> to vector<16xf32>
        %parallel_loop3A_947 = arith.constant 0 : i32
        %parallel_loop3A_948 = arith.addi %parallel_loop3A_947, %parallel_loop3A_548 : i32
        %parallel_loop3A_949 = arith.index_cast %parallel_loop3A_948 : i32 to index
        %parallel_loop3A_950 = arith.index_cast %parallel_loop3A_942 : i32 to index
        %parallel_loop3A_951 = tpu.vector_load %arg8[%parallel_loop3A_949, %parallel_loop3A_950] {strides = array<i32>} : memref<32x1024xf32, #tpu.memory_space<vmem>>, vector<1x16xf32>,
        %parallel_loop3A_952 = vector.shape_cast %parallel_loop3A_951 : vector<1x16xf32> to vector<16xf32>
        %parallel_loop3A_953 = vector.shape_cast %parallel_loop3A_946 : vector<16xf32> to vector<1x16xf32>
        tpu.vector_store %arg8[%parallel_loop3A_949, %parallel_loop3A_950], %parallel_loop3A_953 {add = true, strides = array<i32>} : memref<32x1024xf32, #tpu.memory_space<vmem>>, vector<1x16xf32>,
        %parallel_loop3A_954 = arith.constant 8 : i32
        %parallel_loop3A_955 = arith.addi %parallel_loop3A_954, %parallel_loop3A_548 : i32
        %parallel_loop3A_956 = arith.index_cast %parallel_loop3A_955 : i32 to index
        %parallel_loop3A_957 = arith.index_cast %parallel_loop3A_942 : i32 to index
        %parallel_loop3A_958 = tpu.vector_load %arg8[%parallel_loop3A_956, %parallel_loop3A_957] {strides = array<i32>} : memref<32x1024xf32, #tpu.memory_space<vmem>>, vector<1x16xf32>,
        %parallel_loop3A_959 = vector.shape_cast %parallel_loop3A_958 : vector<1x16xf32> to vector<16xf32>
        %parallel_loop3A_960 = vector.shape_cast %parallel_loop3A_946 : vector<16xf32> to vector<1x16xf32>
        tpu.vector_store %arg8[%parallel_loop3A_956, %parallel_loop3A_957], %parallel_loop3A_960 {add = true, strides = array<i32>} : memref<32x1024xf32, #tpu.memory_space<vmem>>, vector<1x16xf32>,
        %parallel_loop3A_961 = arith.constant 16 : i32
        %parallel_loop3A_962 = arith.addi %parallel_loop3A_961, %parallel_loop3A_548 : i32
        %parallel_loop3A_963 = arith.index_cast %parallel_loop3A_962 : i32 to index
        %parallel_loop3A_964 = arith.index_cast %parallel_loop3A_942 : i32 to index
        %parallel_loop3A_965 = tpu.vector_load %arg8[%parallel_loop3A_963, %parallel_loop3A_964] {strides = array<i32>} : memref<32x1024xf32, #tpu.memory_space<vmem>>, vector<1x16xf32>,
        %parallel_loop3A_966 = vector.shape_cast %parallel_loop3A_965 : vector<1x16xf32> to vector<16xf32>
        %parallel_loop3A_967 = vector.shape_cast %parallel_loop3A_946 : vector<16xf32> to vector<1x16xf32>
        tpu.vector_store %arg8[%parallel_loop3A_963, %parallel_loop3A_964], %parallel_loop3A_967 {add = true, strides = array<i32>} : memref<32x1024xf32, #tpu.memory_space<vmem>>, vector<1x16xf32>,
        %parallel_loop3A_968 = arith.constant 24 : i32
        %parallel_loop3A_969 = arith.addi %parallel_loop3A_968, %parallel_loop3A_548 : i32
        %parallel_loop3A_970 = arith.index_cast %parallel_loop3A_969 : i32 to index
        %parallel_loop3A_971 = arith.index_cast %parallel_loop3A_942 : i32 to index
        %parallel_loop3A_972 = tpu.vector_load %arg8[%parallel_loop3A_970, %parallel_loop3A_971] {strides = array<i32>} : memref<32x1024xf32, #tpu.memory_space<vmem>>, vector<1x16xf32>,
        %parallel_loop3A_973 = vector.shape_cast %parallel_loop3A_972 : vector<1x16xf32> to vector<16xf32>
        %parallel_loop3A_974 = vector.shape_cast %parallel_loop3A_946 : vector<16xf32> to vector<1x16xf32>
        tpu.vector_store %arg8[%parallel_loop3A_970, %parallel_loop3A_971], %parallel_loop3A_974 {add = true, strides = array<i32>} : memref<32x1024xf32, #tpu.memory_space<vmem>>, vector<1x16xf32>,
        %parallel_loop3A_975 = arith.constant 192 : i32
        %parallel_loop3A_976 = arith.addi %parallel_loop3A_566, %parallel_loop3A_975 : i32
        %parallel_loop3A_977 = arith.index_cast %parallel_loop3A_548 : i32 to index
        %parallel_loop3A_978 = arith.index_cast %parallel_loop3A_976 : i32 to index
        %parallel_loop3A_979 = tpu.vector_load %arg10[%parallel_loop3A_977, %parallel_loop3A_978] {strides = array<i32>} : memref<8x1024xf32, #tpu.memory_space<vmem>>, vector<1x16xf32>,
        %parallel_loop3A_980 = vector.shape_cast %parallel_loop3A_979 : vector<1x16xf32> to vector<16xf32>
        %parallel_loop3A_981 = arith.constant 0 : i32
        %parallel_loop3A_982 = arith.addi %parallel_loop3A_981, %parallel_loop3A_548 : i32
        %parallel_loop3A_983 = arith.index_cast %parallel_loop3A_982 : i32 to index
        %parallel_loop3A_984 = arith.index_cast %parallel_loop3A_976 : i32 to index
        %parallel_loop3A_985 = tpu.vector_load %arg8[%parallel_loop3A_983, %parallel_loop3A_984] {strides = array<i32>} : memref<32x1024xf32, #tpu.memory_space<vmem>>, vector<1x16xf32>,
        %parallel_loop3A_986 = vector.shape_cast %parallel_loop3A_985 : vector<1x16xf32> to vector<16xf32>
        %parallel_loop3A_987 = vector.shape_cast %parallel_loop3A_980 : vector<16xf32> to vector<1x16xf32>
        tpu.vector_store %arg8[%parallel_loop3A_983, %parallel_loop3A_984], %parallel_loop3A_987 {add = true, strides = array<i32>} : memref<32x1024xf32, #tpu.memory_space<vmem>>, vector<1x16xf32>,
        %parallel_loop3A_988 = arith.constant 8 : i32
        %parallel_loop3A_989 = arith.addi %parallel_loop3A_988, %parallel_loop3A_548 : i32
        %parallel_loop3A_990 = arith.index_cast %parallel_loop3A_989 : i32 to index
        %parallel_loop3A_991 = arith.index_cast %parallel_loop3A_976 : i32 to index
        %parallel_loop3A_992 = tpu.vector_load %arg8[%parallel_loop3A_990, %parallel_loop3A_991] {strides = array<i32>} : memref<32x1024xf32, #tpu.memory_space<vmem>>, vector<1x16xf32>,
        %parallel_loop3A_993 = vector.shape_cast %parallel_loop3A_992 : vector<1x16xf32> to vector<16xf32>
        %parallel_loop3A_994 = vector.shape_cast %parallel_loop3A_980 : vector<16xf32> to vector<1x16xf32>
        tpu.vector_store %arg8[%parallel_loop3A_990, %parallel_loop3A_991], %parallel_loop3A_994 {add = true, strides = array<i32>} : memref<32x1024xf32, #tpu.memory_space<vmem>>, vector<1x16xf32>,
        %parallel_loop3A_995 = arith.constant 16 : i32
        %parallel_loop3A_996 = arith.addi %parallel_loop3A_995, %parallel_loop3A_548 : i32
        %parallel_loop3A_997 = arith.index_cast %parallel_loop3A_996 : i32 to index
        %parallel_loop3A_998 = arith.index_cast %parallel_loop3A_976 : i32 to index
        %parallel_loop3A_999 = tpu.vector_load %arg8[%parallel_loop3A_997, %parallel_loop3A_998] {strides = array<i32>} : memref<32x1024xf32, #tpu.memory_space<vmem>>, vector<1x16xf32>,
        %parallel_loop3A_1000 = vector.shape_cast %parallel_loop3A_999 : vector<1x16xf32> to vector<16xf32>
        %parallel_loop3A_1001 = vector.shape_cast %parallel_loop3A_980 : vector<16xf32> to vector<1x16xf32>
        tpu.vector_store %arg8[%parallel_loop3A_997, %parallel_loop3A_998], %parallel_loop3A_1001 {add = true, strides = array<i32>} : memref<32x1024xf32, #tpu.memory_space<vmem>>, vector<1x16xf32>,
        %parallel_loop3A_1002 = arith.constant 24 : i32
        %parallel_loop3A_1003 = arith.addi %parallel_loop3A_1002, %parallel_loop3A_548 : i32
        %parallel_loop3A_1004 = arith.index_cast %parallel_loop3A_1003 : i32 to index
        %parallel_loop3A_1005 = arith.index_cast %parallel_loop3A_976 : i32 to index
        %parallel_loop3A_1006 = tpu.vector_load %arg8[%parallel_loop3A_1004, %parallel_loop3A_1005] {strides = array<i32>} : memref<32x1024xf32, #tpu.memory_space<vmem>>, vector<1x16xf32>,
        %parallel_loop3A_1007 = vector.shape_cast %parallel_loop3A_1006 : vector<1x16xf32> to vector<16xf32>
        %parallel_loop3A_1008 = vector.shape_cast %parallel_loop3A_980 : vector<16xf32> to vector<1x16xf32>
        tpu.vector_store %arg8[%parallel_loop3A_1004, %parallel_loop3A_1005], %parallel_loop3A_1008 {add = true, strides = array<i32>} : memref<32x1024xf32, #tpu.memory_space<vmem>>, vector<1x16xf32>,
        %parallel_loop3A_1009 = arith.constant 208 : i32
        %parallel_loop3A_1010 = arith.addi %parallel_loop3A_566, %parallel_loop3A_1009 : i32
        %parallel_loop3A_1011 = arith.index_cast %parallel_loop3A_548 : i32 to index
        %parallel_loop3A_1012 = arith.index_cast %parallel_loop3A_1010 : i32 to index
        %parallel_loop3A_1013 = tpu.vector_load %arg10[%parallel_loop3A_1011, %parallel_loop3A_1012] {strides = array<i32>} : memref<8x1024xf32, #tpu.memory_space<vmem>>, vector<1x16xf32>,
        %parallel_loop3A_1014 = vector.shape_cast %parallel_loop3A_1013 : vector<1x16xf32> to vector<16xf32>
        %parallel_loop3A_1015 = arith.constant 0 : i32
        %parallel_loop3A_1016 = arith.addi %parallel_loop3A_1015, %parallel_loop3A_548 : i32
        %parallel_loop3A_1017 = arith.index_cast %parallel_loop3A_1016 : i32 to index
        %parallel_loop3A_1018 = arith.index_cast %parallel_loop3A_1010 : i32 to index
        %parallel_loop3A_1019 = tpu.vector_load %arg8[%parallel_loop3A_1017, %parallel_loop3A_1018] {strides = array<i32>} : memref<32x1024xf32, #tpu.memory_space<vmem>>, vector<1x16xf32>,
        %parallel_loop3A_1020 = vector.shape_cast %parallel_loop3A_1019 : vector<1x16xf32> to vector<16xf32>
        %parallel_loop3A_1021 = vector.shape_cast %parallel_loop3A_1014 : vector<16xf32> to vector<1x16xf32>
        tpu.vector_store %arg8[%parallel_loop3A_1017, %parallel_loop3A_1018], %parallel_loop3A_1021 {add = true, strides = array<i32>} : memref<32x1024xf32, #tpu.memory_space<vmem>>, vector<1x16xf32>,
        %parallel_loop3A_1022 = arith.constant 8 : i32
        %parallel_loop3A_1023 = arith.addi %parallel_loop3A_1022, %parallel_loop3A_548 : i32
        %parallel_loop3A_1024 = arith.index_cast %parallel_loop3A_1023 : i32 to index
        %parallel_loop3A_1025 = arith.index_cast %parallel_loop3A_1010 : i32 to index
        %parallel_loop3A_1026 = tpu.vector_load %arg8[%parallel_loop3A_1024, %parallel_loop3A_1025] {strides = array<i32>} : memref<32x1024xf32, #tpu.memory_space<vmem>>, vector<1x16xf32>,
        %parallel_loop3A_1027 = vector.shape_cast %parallel_loop3A_1026 : vector<1x16xf32> to vector<16xf32>
        %parallel_loop3A_1028 = vector.shape_cast %parallel_loop3A_1014 : vector<16xf32> to vector<1x16xf32>
        tpu.vector_store %arg8[%parallel_loop3A_1024, %parallel_loop3A_1025], %parallel_loop3A_1028 {add = true, strides = array<i32>} : memref<32x1024xf32, #tpu.memory_space<vmem>>, vector<1x16xf32>,
        %parallel_loop3A_1029 = arith.constant 16 : i32
        %parallel_loop3A_1030 = arith.addi %parallel_loop3A_1029, %parallel_loop3A_548 : i32
        %parallel_loop3A_1031 = arith.index_cast %parallel_loop3A_1030 : i32 to index
        %parallel_loop3A_1032 = arith.index_cast %parallel_loop3A_1010 : i32 to index
        %parallel_loop3A_1033 = tpu.vector_load %arg8[%parallel_loop3A_1031, %parallel_loop3A_1032] {strides = array<i32>} : memref<32x1024xf32, #tpu.memory_space<vmem>>, vector<1x16xf32>,
        %parallel_loop3A_1034 = vector.shape_cast %parallel_loop3A_1033 : vector<1x16xf32> to vector<16xf32>
        %parallel_loop3A_1035 = vector.shape_cast %parallel_loop3A_1014 : vector<16xf32> to vector<1x16xf32>
        tpu.vector_store %arg8[%parallel_loop3A_1031, %parallel_loop3A_1032], %parallel_loop3A_1035 {add = true, strides = array<i32>} : memref<32x1024xf32, #tpu.memory_space<vmem>>, vector<1x16xf32>,
        %parallel_loop3A_1036 = arith.constant 24 : i32
        %parallel_loop3A_1037 = arith.addi %parallel_loop3A_1036, %parallel_loop3A_548 : i32
        %parallel_loop3A_1038 = arith.index_cast %parallel_loop3A_1037 : i32 to index
        %parallel_loop3A_1039 = arith.index_cast %parallel_loop3A_1010 : i32 to index
        %parallel_loop3A_1040 = tpu.vector_load %arg8[%parallel_loop3A_1038, %parallel_loop3A_1039] {strides = array<i32>} : memref<32x1024xf32, #tpu.memory_space<vmem>>, vector<1x16xf32>,
        %parallel_loop3A_1041 = vector.shape_cast %parallel_loop3A_1040 : vector<1x16xf32> to vector<16xf32>
        %parallel_loop3A_1042 = vector.shape_cast %parallel_loop3A_1014 : vector<16xf32> to vector<1x16xf32>
        tpu.vector_store %arg8[%parallel_loop3A_1038, %parallel_loop3A_1039], %parallel_loop3A_1042 {add = true, strides = array<i32>} : memref<32x1024xf32, #tpu.memory_space<vmem>>, vector<1x16xf32>,
        %parallel_loop3A_1043 = arith.constant 224 : i32
        %parallel_loop3A_1044 = arith.addi %parallel_loop3A_566, %parallel_loop3A_1043 : i32
        %parallel_loop3A_1045 = arith.index_cast %parallel_loop3A_548 : i32 to index
        %parallel_loop3A_1046 = arith.index_cast %parallel_loop3A_1044 : i32 to index
        %parallel_loop3A_1047 = tpu.vector_load %arg10[%parallel_loop3A_1045, %parallel_loop3A_1046] {strides = array<i32>} : memref<8x1024xf32, #tpu.memory_space<vmem>>, vector<1x16xf32>,
        %parallel_loop3A_1048 = vector.shape_cast %parallel_loop3A_1047 : vector<1x16xf32> to vector<16xf32>
        %parallel_loop3A_1049 = arith.constant 0 : i32
        %parallel_loop3A_1050 = arith.addi %parallel_loop3A_1049, %parallel_loop3A_548 : i32
        %parallel_loop3A_1051 = arith.index_cast %parallel_loop3A_1050 : i32 to index
        %parallel_loop3A_1052 = arith.index_cast %parallel_loop3A_1044 : i32 to index
        %parallel_loop3A_1053 = tpu.vector_load %arg8[%parallel_loop3A_1051, %parallel_loop3A_1052] {strides = array<i32>} : memref<32x1024xf32, #tpu.memory_space<vmem>>, vector<1x16xf32>,
        %parallel_loop3A_1054 = vector.shape_cast %parallel_loop3A_1053 : vector<1x16xf32> to vector<16xf32>
        %parallel_loop3A_1055 = vector.shape_cast %parallel_loop3A_1048 : vector<16xf32> to vector<1x16xf32>
        tpu.vector_store %arg8[%parallel_loop3A_1051, %parallel_loop3A_1052], %parallel_loop3A_1055 {add = true, strides = array<i32>} : memref<32x1024xf32, #tpu.memory_space<vmem>>, vector<1x16xf32>,
        %parallel_loop3A_1056 = arith.constant 8 : i32
        %parallel_loop3A_1057 = arith.addi %parallel_loop3A_1056, %parallel_loop3A_548 : i32
        %parallel_loop3A_1058 = arith.index_cast %parallel_loop3A_1057 : i32 to index
        %parallel_loop3A_1059 = arith.index_cast %parallel_loop3A_1044 : i32 to index
        %parallel_loop3A_1060 = tpu.vector_load %arg8[%parallel_loop3A_1058, %parallel_loop3A_1059] {strides = array<i32>} : memref<32x1024xf32, #tpu.memory_space<vmem>>, vector<1x16xf32>,
        %parallel_loop3A_1061 = vector.shape_cast %parallel_loop3A_1060 : vector<1x16xf32> to vector<16xf32>
        %parallel_loop3A_1062 = vector.shape_cast %parallel_loop3A_1048 : vector<16xf32> to vector<1x16xf32>
        tpu.vector_store %arg8[%parallel_loop3A_1058, %parallel_loop3A_1059], %parallel_loop3A_1062 {add = true, strides = array<i32>} : memref<32x1024xf32, #tpu.memory_space<vmem>>, vector<1x16xf32>,
        %parallel_loop3A_1063 = arith.constant 16 : i32
        %parallel_loop3A_1064 = arith.addi %parallel_loop3A_1063, %parallel_loop3A_548 : i32
        %parallel_loop3A_1065 = arith.index_cast %parallel_loop3A_1064 : i32 to index
        %parallel_loop3A_1066 = arith.index_cast %parallel_loop3A_1044 : i32 to index
        %parallel_loop3A_1067 = tpu.vector_load %arg8[%parallel_loop3A_1065, %parallel_loop3A_1066] {strides = array<i32>} : memref<32x1024xf32, #tpu.memory_space<vmem>>, vector<1x16xf32>,
        %parallel_loop3A_1068 = vector.shape_cast %parallel_loop3A_1067 : vector<1x16xf32> to vector<16xf32>
        %parallel_loop3A_1069 = vector.shape_cast %parallel_loop3A_1048 : vector<16xf32> to vector<1x16xf32>
        tpu.vector_store %arg8[%parallel_loop3A_1065, %parallel_loop3A_1066], %parallel_loop3A_1069 {add = true, strides = array<i32>} : memref<32x1024xf32, #tpu.memory_space<vmem>>, vector<1x16xf32>,
        %parallel_loop3A_1070 = arith.constant 24 : i32
        %parallel_loop3A_1071 = arith.addi %parallel_loop3A_1070, %parallel_loop3A_548 : i32
        %parallel_loop3A_1072 = arith.index_cast %parallel_loop3A_1071 : i32 to index
        %parallel_loop3A_1073 = arith.index_cast %parallel_loop3A_1044 : i32 to index
        %parallel_loop3A_1074 = tpu.vector_load %arg8[%parallel_loop3A_1072, %parallel_loop3A_1073] {strides = array<i32>} : memref<32x1024xf32, #tpu.memory_space<vmem>>, vector<1x16xf32>,
        %parallel_loop3A_1075 = vector.shape_cast %parallel_loop3A_1074 : vector<1x16xf32> to vector<16xf32>
        %parallel_loop3A_1076 = vector.shape_cast %parallel_loop3A_1048 : vector<16xf32> to vector<1x16xf32>
        tpu.vector_store %arg8[%parallel_loop3A_1072, %parallel_loop3A_1073], %parallel_loop3A_1076 {add = true, strides = array<i32>} : memref<32x1024xf32, #tpu.memory_space<vmem>>, vector<1x16xf32>,
        %parallel_loop3A_1077 = arith.constant 240 : i32
        %parallel_loop3A_1078 = arith.addi %parallel_loop3A_566, %parallel_loop3A_1077 : i32
        %parallel_loop3A_1079 = arith.index_cast %parallel_loop3A_548 : i32 to index
        %parallel_loop3A_1080 = arith.index_cast %parallel_loop3A_1078 : i32 to index
        %parallel_loop3A_1081 = tpu.vector_load %arg10[%parallel_loop3A_1079, %parallel_loop3A_1080] {strides = array<i32>} : memref<8x1024xf32, #tpu.memory_space<vmem>>, vector<1x16xf32>,
        %parallel_loop3A_1082 = vector.shape_cast %parallel_loop3A_1081 : vector<1x16xf32> to vector<16xf32>
        %parallel_loop3A_1083 = arith.constant 0 : i32
        %parallel_loop3A_1084 = arith.addi %parallel_loop3A_1083, %parallel_loop3A_548 : i32
        %parallel_loop3A_1085 = arith.index_cast %parallel_loop3A_1084 : i32 to index
        %parallel_loop3A_1086 = arith.index_cast %parallel_loop3A_1078 : i32 to index
        %parallel_loop3A_1087 = tpu.vector_load %arg8[%parallel_loop3A_1085, %parallel_loop3A_1086] {strides = array<i32>} : memref<32x1024xf32, #tpu.memory_space<vmem>>, vector<1x16xf32>,
        %parallel_loop3A_1088 = vector.shape_cast %parallel_loop3A_1087 : vector<1x16xf32> to vector<16xf32>
        %parallel_loop3A_1089 = vector.shape_cast %parallel_loop3A_1082 : vector<16xf32> to vector<1x16xf32>
        tpu.vector_store %arg8[%parallel_loop3A_1085, %parallel_loop3A_1086], %parallel_loop3A_1089 {add = true, strides = array<i32>} : memref<32x1024xf32, #tpu.memory_space<vmem>>, vector<1x16xf32>,
        %parallel_loop3A_1090 = arith.constant 8 : i32
        %parallel_loop3A_1091 = arith.addi %parallel_loop3A_1090, %parallel_loop3A_548 : i32
        %parallel_loop3A_1092 = arith.index_cast %parallel_loop3A_1091 : i32 to index
        %parallel_loop3A_1093 = arith.index_cast %parallel_loop3A_1078 : i32 to index
        %parallel_loop3A_1094 = tpu.vector_load %arg8[%parallel_loop3A_1092, %parallel_loop3A_1093] {strides = array<i32>} : memref<32x1024xf32, #tpu.memory_space<vmem>>, vector<1x16xf32>,
        %parallel_loop3A_1095 = vector.shape_cast %parallel_loop3A_1094 : vector<1x16xf32> to vector<16xf32>
        %parallel_loop3A_1096 = vector.shape_cast %parallel_loop3A_1082 : vector<16xf32> to vector<1x16xf32>
        tpu.vector_store %arg8[%parallel_loop3A_1092, %parallel_loop3A_1093], %parallel_loop3A_1096 {add = true, strides = array<i32>} : memref<32x1024xf32, #tpu.memory_space<vmem>>, vector<1x16xf32>,
        %parallel_loop3A_1097 = arith.constant 16 : i32
        %parallel_loop3A_1098 = arith.addi %parallel_loop3A_1097, %parallel_loop3A_548 : i32
        %parallel_loop3A_1099 = arith.index_cast %parallel_loop3A_1098 : i32 to index
        %parallel_loop3A_1100 = arith.index_cast %parallel_loop3A_1078 : i32 to index
        %parallel_loop3A_1101 = tpu.vector_load %arg8[%parallel_loop3A_1099, %parallel_loop3A_1100] {strides = array<i32>} : memref<32x1024xf32, #tpu.memory_space<vmem>>, vector<1x16xf32>,
        %parallel_loop3A_1102 = vector.shape_cast %parallel_loop3A_1101 : vector<1x16xf32> to vector<16xf32>
        %parallel_loop3A_1103 = vector.shape_cast %parallel_loop3A_1082 : vector<16xf32> to vector<1x16xf32>
        tpu.vector_store %arg8[%parallel_loop3A_1099, %parallel_loop3A_1100], %parallel_loop3A_1103 {add = true, strides = array<i32>} : memref<32x1024xf32, #tpu.memory_space<vmem>>, vector<1x16xf32>,
        %parallel_loop3A_1104 = arith.constant 24 : i32
        %parallel_loop3A_1105 = arith.addi %parallel_loop3A_1104, %parallel_loop3A_548 : i32
        %parallel_loop3A_1106 = arith.index_cast %parallel_loop3A_1105 : i32 to index
        %parallel_loop3A_1107 = arith.index_cast %parallel_loop3A_1078 : i32 to index
        %parallel_loop3A_1108 = tpu.vector_load %arg8[%parallel_loop3A_1106, %parallel_loop3A_1107] {strides = array<i32>} : memref<32x1024xf32, #tpu.memory_space<vmem>>, vector<1x16xf32>,
        %parallel_loop3A_1109 = vector.shape_cast %parallel_loop3A_1108 : vector<1x16xf32> to vector<16xf32>
        %parallel_loop3A_1110 = vector.shape_cast %parallel_loop3A_1082 : vector<16xf32> to vector<1x16xf32>
        tpu.vector_store %arg8[%parallel_loop3A_1106, %parallel_loop3A_1107], %parallel_loop3A_1110 {add = true, strides = array<i32>} : memref<32x1024xf32, #tpu.memory_space<vmem>>, vector<1x16xf32>,
      } {sc.loop_unroll_factor = 1 : i64, sc.parallel_access}
      %dma_start3A_467 = arith.constant 0 : i32
      %dma_start3A_468 = arith.constant 0 : i32
      %dma_start3A_469 = arith.constant 0 : i32
      %dma_start3A_470 = tpu.memref_slice %arg8[%dma_start3A_468, %dma_start3A_469] : memref<32x1024xf32, #tpu.memory_space<vmem>> -> memref<8x1024xf32, #tpu.memory_space<vmem>>
      %dma_start3A_471 = arith.constant 0 : i32
      %dma_start3A_472 = tpu.memref_slice %arg5[%dma_start3A_467, %add3A_385, %dma_start3A_471] : memref<4x8192x1024xf32, #tpu.memory_space<hbm>> -> memref<1x8x1024xf32, #tpu.memory_space<hbm>>
      %dma_start3A_473 = tpu.memref_squeeze %dma_start3A_472 : memref<1x8x1024xf32, #tpu.memory_space<hbm>> -> memref<8x1024xf32, #tpu.memory_space<hbm>>
      %dma_start3A_474 = arith.constant 0 : i32
      %dma_start3A_475 = tpu.memref_slice %arg5[%dma_start3A_467, %add3A_385, %dma_start3A_474] : memref<4x8192x1024xf32, #tpu.memory_space<hbm>> -> memref<1x8x1024xf32, #tpu.memory_space<hbm>>
      %dma_start3A_476 = tpu.memref_squeeze %dma_start3A_475 : memref<1x8x1024xf32, #tpu.memory_space<hbm>> -> memref<8x1024xf32, #tpu.memory_space<hbm>>
      %dma_start3A_477 = arith.constant 0 : i32
      %dma_start3A_478 = arith.constant 0 : i32
      %dma_start3A_479 = tpu.memref_slice %arg8[%dma_start3A_477, %dma_start3A_478] : memref<32x1024xf32, #tpu.memory_space<vmem>> -> memref<8x1024xf32, #tpu.memory_space<vmem>>
      tpu.enqueue_dma source(%dma_start3A_479 : memref<8x1024xf32, #tpu.memory_space<vmem>>) target(%dma_start3A_476 : memref<8x1024xf32, #tpu.memory_space<hbm>>) target_semaphore(%arg14 : memref<!tpu.dma_semaphore, #tpu.memory_space<semaphore_mem>>)
      %dma_start3A_480 = arith.constant 1 : i32
      %dma_start3A_481 = arith.constant 8 : i32
      %dma_start3A_482 = arith.constant 0 : i32
      %dma_start3A_483 = tpu.memref_slice %arg8[%dma_start3A_481, %dma_start3A_482] : memref<32x1024xf32, #tpu.memory_space<vmem>> -> memref<8x1024xf32, #tpu.memory_space<vmem>>
      %dma_start3A_484 = arith.constant 0 : i32
      %dma_start3A_485 = tpu.memref_slice %arg5[%dma_start3A_480, %add3A_385, %dma_start3A_484] : memref<4x8192x1024xf32, #tpu.memory_space<hbm>> -> memref<1x8x1024xf32, #tpu.memory_space<hbm>>
      %dma_start3A_486 = tpu.memref_squeeze %dma_start3A_485 : memref<1x8x1024xf32, #tpu.memory_space<hbm>> -> memref<8x1024xf32, #tpu.memory_space<hbm>>
      %dma_start3A_487 = arith.constant 0 : i32
      %dma_start3A_488 = tpu.memref_slice %arg5[%dma_start3A_480, %add3A_385, %dma_start3A_487] : memref<4x8192x1024xf32, #tpu.memory_space<hbm>> -> memref<1x8x1024xf32, #tpu.memory_space<hbm>>
      %dma_start3A_489 = tpu.memref_squeeze %dma_start3A_488 : memref<1x8x1024xf32, #tpu.memory_space<hbm>> -> memref<8x1024xf32, #tpu.memory_space<hbm>>
      %dma_start3A_490 = arith.constant 8 : i32
      %dma_start3A_491 = arith.constant 0 : i32
      %dma_start3A_492 = tpu.memref_slice %arg8[%dma_start3A_490, %dma_start3A_491] : memref<32x1024xf32, #tpu.memory_space<vmem>> -> memref<8x1024xf32, #tpu.memory_space<vmem>>
      tpu.enqueue_dma source(%dma_start3A_492 : memref<8x1024xf32, #tpu.memory_space<vmem>>) target(%dma_start3A_489 : memref<8x1024xf32, #tpu.memory_space<hbm>>) target_semaphore(%arg14 : memref<!tpu.dma_semaphore, #tpu.memory_space<semaphore_mem>>)
      %dma_start3A_493 = arith.constant 2 : i32
      %dma_start3A_494 = arith.constant 16 : i32
      %dma_start3A_495 = arith.constant 0 : i32
      %dma_start3A_496 = tpu.memref_slice %arg8[%dma_start3A_494, %dma_start3A_495] : memref<32x1024xf32, #tpu.memory_space<vmem>> -> memref<8x1024xf32, #tpu.memory_space<vmem>>
      %dma_start3A_497 = arith.constant 0 : i32
      %dma_start3A_498 = tpu.memref_slice %arg5[%dma_start3A_493, %add3A_385, %dma_start3A_497] : memref<4x8192x1024xf32, #tpu.memory_space<hbm>> -> memref<1x8x1024xf32, #tpu.memory_space<hbm>>
      %dma_start3A_499 = tpu.memref_squeeze %dma_start3A_498 : memref<1x8x1024xf32, #tpu.memory_space<hbm>> -> memref<8x1024xf32, #tpu.memory_space<hbm>>
      %dma_start3A_500 = arith.constant 0 : i32
      %dma_start3A_501 = tpu.memref_slice %arg5[%dma_start3A_493, %add3A_385, %dma_start3A_500] : memref<4x8192x1024xf32, #tpu.memory_space<hbm>> -> memref<1x8x1024xf32, #tpu.memory_space<hbm>>
      %dma_start3A_502 = tpu.memref_squeeze %dma_start3A_501 : memref<1x8x1024xf32, #tpu.memory_space<hbm>> -> memref<8x1024xf32, #tpu.memory_space<hbm>>
      %dma_start3A_503 = arith.constant 16 : i32
      %dma_start3A_504 = arith.constant 0 : i32
      %dma_start3A_505 = tpu.memref_slice %arg8[%dma_start3A_503, %dma_start3A_504] : memref<32x1024xf32, #tpu.memory_space<vmem>> -> memref<8x1024xf32, #tpu.memory_space<vmem>>
      tpu.enqueue_dma source(%dma_start3A_505 : memref<8x1024xf32, #tpu.memory_space<vmem>>) target(%dma_start3A_502 : memref<8x1024xf32, #tpu.memory_space<hbm>>) target_semaphore(%arg14 : memref<!tpu.dma_semaphore, #tpu.memory_space<semaphore_mem>>)
      %dma_start3A_506 = arith.constant 3 : i32
      %dma_start3A_507 = arith.constant 24 : i32
      %dma_start3A_508 = arith.constant 0 : i32
      %dma_start3A_509 = tpu.memref_slice %arg8[%dma_start3A_507, %dma_start3A_508] : memref<32x1024xf32, #tpu.memory_space<vmem>> -> memref<8x1024xf32, #tpu.memory_space<vmem>>
      %dma_start3A_510 = arith.constant 0 : i32
      %dma_start3A_511 = tpu.memref_slice %arg5[%dma_start3A_506, %add3A_385, %dma_start3A_510] : memref<4x8192x1024xf32, #tpu.memory_space<hbm>> -> memref<1x8x1024xf32, #tpu.memory_space<hbm>>
      %dma_start3A_512 = tpu.memref_squeeze %dma_start3A_511 : memref<1x8x1024xf32, #tpu.memory_space<hbm>> -> memref<8x1024xf32, #tpu.memory_space<hbm>>
      %dma_start3A_513 = arith.constant 0 : i32
      %dma_start3A_514 = tpu.memref_slice %arg5[%dma_start3A_506, %add3A_385, %dma_start3A_513] : memref<4x8192x1024xf32, #tpu.memory_space<hbm>> -> memref<1x8x1024xf32, #tpu.memory_space<hbm>>
      %dma_start3A_515 = tpu.memref_squeeze %dma_start3A_514 : memref<1x8x1024xf32, #tpu.memory_space<hbm>> -> memref<8x1024xf32, #tpu.memory_space<hbm>>
      %dma_start3A_516 = arith.constant 24 : i32
      %dma_start3A_517 = arith.constant 0 : i32
      %dma_start3A_518 = tpu.memref_slice %arg8[%dma_start3A_516, %dma_start3A_517] : memref<32x1024xf32, #tpu.memory_space<vmem>> -> memref<8x1024xf32, #tpu.memory_space<vmem>>
      tpu.enqueue_dma source(%dma_start3A_518 : memref<8x1024xf32, #tpu.memory_space<vmem>>) target(%dma_start3A_515 : memref<8x1024xf32, #tpu.memory_space<hbm>>) target_semaphore(%arg14 : memref<!tpu.dma_semaphore, #tpu.memory_space<semaphore_mem>>)
      %lt3A_519 = arith.constant 15 : i32
      %lt3A_520 = arith.cmpi slt, %scan3A_235, %lt3A_519 : i32
      %convert_element_type3A_521 = arith.extui %lt3A_520 : i1 to i32
      %cond3A_522 = arith.constant 0 : i32
      %cond3A_523 = arith.cmpi ne, %convert_element_type3A_521, %cond3A_522 : i32
      scf.if %cond3A_523 {
        %add3A_524 = arith.constant 16 : i32
        %add3A_525 = arith.addi %add3A_385, %add3A_524 : i32
        %dma_start3A_526 = arith.constant 0 : i32
        %dma_start3A_527 = tpu.memref_slice %arg4[%add3A_525, %dma_start3A_526] : memref<8192x1024xf32, #tpu.memory_space<hbm>> -> memref<8x1024xf32, #tpu.memory_space<hbm>>
        %dma_start3A_528 = arith.constant 0 : i32
        %dma_start3A_529 = tpu.memref_slice %arg4[%add3A_525, %dma_start3A_528] : memref<8192x1024xf32, #tpu.memory_space<hbm>> -> memref<8x1024xf32, #tpu.memory_space<hbm>>
        tpu.enqueue_dma source(%dma_start3A_529 : memref<8x1024xf32, #tpu.memory_space<hbm>>) target(%arg10 : memref<8x1024xf32, #tpu.memory_space<vmem>>) target_semaphore(%arg16 : memref<!tpu.dma_semaphore, #tpu.memory_space<semaphore_mem>>)
        %dma_start3A_530 = arith.constant 0 : i32
        %dma_start3A_531 = arith.constant 1 : i32
        %dma_start3A_532 = arith.constant 0 : i32
        %dma_start3A_533 = tpu.memref_slice %arg6[%dma_start3A_531, %dma_start3A_532] : memref<2x32xi32, #tpu.memory_space<vmem>> -> memref<1x8xi32, #tpu.memory_space<vmem>>
        %dma_start3A_534 = tpu.memref_squeeze %dma_start3A_533 : memref<1x8xi32, #tpu.memory_space<vmem>> -> memref<8xi32, #tpu.memory_space<vmem>>
        %dma_start3A_535 = tpu.memref_slice %arg2[%dma_start3A_530, %add3A_525] : memref<4x8192xi32, #tpu.memory_space<hbm>> -> memref<1x8xi32, #tpu.memory_space<hbm>>
        %dma_start3A_536 = tpu.memref_squeeze %dma_start3A_535 : memref<1x8xi32, #tpu.memory_space<hbm>> -> memref<8xi32, #tpu.memory_space<hbm>>
        %dma_start3A_537 = arith.constant 0 : i32
        %dma_start3A_538 = tpu.memref_slice %arg6[%dma_start3A_531, %dma_start3A_537] : memref<2x32xi32, #tpu.memory_space<vmem>> -> memref<1x8xi32, #tpu.memory_space<vmem>>
        %dma_start3A_539 = tpu.memref_squeeze %dma_start3A_538 : memref<1x8xi32, #tpu.memory_space<vmem>> -> memref<8xi32, #tpu.memory_space<vmem>>
        %dma_start3A_540 = tpu.memref_slice %arg2[%dma_start3A_530, %add3A_525] : memref<4x8192xi32, #tpu.memory_space<hbm>> -> memref<1x8xi32, #tpu.memory_space<hbm>>
        %dma_start3A_541 = tpu.memref_squeeze %dma_start3A_540 : memref<1x8xi32, #tpu.memory_space<hbm>> -> memref<8xi32, #tpu.memory_space<hbm>>
        tpu.enqueue_dma source(%dma_start3A_541 : memref<8xi32, #tpu.memory_space<hbm>>) target(%dma_start3A_539 : memref<8xi32, #tpu.memory_space<vmem>>) target_semaphore(%arg18 : memref<!tpu.dma_semaphore, #tpu.memory_space<semaphore_mem>>)
        %dma_start3A_542 = arith.constant 1 : i32
        %dma_start3A_543 = arith.constant 1 : i32
        %dma_start3A_544 = arith.constant 8 : i32
        %dma_start3A_545 = tpu.memref_slice %arg6[%dma_start3A_543, %dma_start3A_544] : memref<2x32xi32, #tpu.memory_space<vmem>> -> memref<1x8xi32, #tpu.memory_space<vmem>>
        %dma_start3A_546 = tpu.memref_squeeze %dma_start3A_545 : memref<1x8xi32, #tpu.memory_space<vmem>> -> memref<8xi32, #tpu.memory_space<vmem>>
        %dma_start3A_547 = tpu.memref_slice %arg2[%dma_start3A_542, %add3A_525] : memref<4x8192xi32, #tpu.memory_space<hbm>> -> memref<1x8xi32, #tpu.memory_space<hbm>>
        %dma_start3A_548 = tpu.memref_squeeze %dma_start3A_547 : memref<1x8xi32, #tpu.memory_space<hbm>> -> memref<8xi32, #tpu.memory_space<hbm>>
        %dma_start3A_549 = arith.constant 8 : i32
        %dma_start3A_550 = tpu.memref_slice %arg6[%dma_start3A_543, %dma_start3A_549] : memref<2x32xi32, #tpu.memory_space<vmem>> -> memref<1x8xi32, #tpu.memory_space<vmem>>
        %dma_start3A_551 = tpu.memref_squeeze %dma_start3A_550 : memref<1x8xi32, #tpu.memory_space<vmem>> -> memref<8xi32, #tpu.memory_space<vmem>>
        %dma_start3A_552 = tpu.memref_slice %arg2[%dma_start3A_542, %add3A_525] : memref<4x8192xi32, #tpu.memory_space<hbm>> -> memref<1x8xi32, #tpu.memory_space<hbm>>
        %dma_start3A_553 = tpu.memref_squeeze %dma_start3A_552 : memref<1x8xi32, #tpu.memory_space<hbm>> -> memref<8xi32, #tpu.memory_space<hbm>>
        tpu.enqueue_dma source(%dma_start3A_553 : memref<8xi32, #tpu.memory_space<hbm>>) target(%dma_start3A_551 : memref<8xi32, #tpu.memory_space<vmem>>) target_semaphore(%arg18 : memref<!tpu.dma_semaphore, #tpu.memory_space<semaphore_mem>>)
        %dma_start3A_554 = arith.constant 2 : i32
        %dma_start3A_555 = arith.constant 1 : i32
        %dma_start3A_556 = arith.constant 16 : i32
        %dma_start3A_557 = tpu.memref_slice %arg6[%dma_start3A_555, %dma_start3A_556] : memref<2x32xi32, #tpu.memory_space<vmem>> -> memref<1x8xi32, #tpu.memory_space<vmem>>
        %dma_start3A_558 = tpu.memref_squeeze %dma_start3A_557 : memref<1x8xi32, #tpu.memory_space<vmem>> -> memref<8xi32, #tpu.memory_space<vmem>>
        %dma_start3A_559 = tpu.memref_slice %arg2[%dma_start3A_554, %add3A_525] : memref<4x8192xi32, #tpu.memory_space<hbm>> -> memref<1x8xi32, #tpu.memory_space<hbm>>
        %dma_start3A_560 = tpu.memref_squeeze %dma_start3A_559 : memref<1x8xi32, #tpu.memory_space<hbm>> -> memref<8xi32, #tpu.memory_space<hbm>>
        %dma_start3A_561 = arith.constant 16 : i32
        %dma_start3A_562 = tpu.memref_slice %arg6[%dma_start3A_555, %dma_start3A_561] : memref<2x32xi32, #tpu.memory_space<vmem>> -> memref<1x8xi32, #tpu.memory_space<vmem>>
        %dma_start3A_563 = tpu.memref_squeeze %dma_start3A_562 : memref<1x8xi32, #tpu.memory_space<vmem>> -> memref<8xi32, #tpu.memory_space<vmem>>
        %dma_start3A_564 = tpu.memref_slice %arg2[%dma_start3A_554, %add3A_525] : memref<4x8192xi32, #tpu.memory_space<hbm>> -> memref<1x8xi32, #tpu.memory_space<hbm>>
        %dma_start3A_565 = tpu.memref_squeeze %dma_start3A_564 : memref<1x8xi32, #tpu.memory_space<hbm>> -> memref<8xi32, #tpu.memory_space<hbm>>
        tpu.enqueue_dma source(%dma_start3A_565 : memref<8xi32, #tpu.memory_space<hbm>>) target(%dma_start3A_563 : memref<8xi32, #tpu.memory_space<vmem>>) target_semaphore(%arg18 : memref<!tpu.dma_semaphore, #tpu.memory_space<semaphore_mem>>)
        %dma_start3A_566 = arith.constant 3 : i32
        %dma_start3A_567 = arith.constant 1 : i32
        %dma_start3A_568 = arith.constant 24 : i32
        %dma_start3A_569 = tpu.memref_slice %arg6[%dma_start3A_567, %dma_start3A_568] : memref<2x32xi32, #tpu.memory_space<vmem>> -> memref<1x8xi32, #tpu.memory_space<vmem>>
        %dma_start3A_570 = tpu.memref_squeeze %dma_start3A_569 : memref<1x8xi32, #tpu.memory_space<vmem>> -> memref<8xi32, #tpu.memory_space<vmem>>
        %dma_start3A_571 = tpu.memref_slice %arg2[%dma_start3A_566, %add3A_525] : memref<4x8192xi32, #tpu.memory_space<hbm>> -> memref<1x8xi32, #tpu.memory_space<hbm>>
        %dma_start3A_572 = tpu.memref_squeeze %dma_start3A_571 : memref<1x8xi32, #tpu.memory_space<hbm>> -> memref<8xi32, #tpu.memory_space<hbm>>
        %dma_start3A_573 = arith.constant 24 : i32
        %dma_start3A_574 = tpu.memref_slice %arg6[%dma_start3A_567, %dma_start3A_573] : memref<2x32xi32, #tpu.memory_space<vmem>> -> memref<1x8xi32, #tpu.memory_space<vmem>>
        %dma_start3A_575 = tpu.memref_squeeze %dma_start3A_574 : memref<1x8xi32, #tpu.memory_space<vmem>> -> memref<8xi32, #tpu.memory_space<vmem>>
        %dma_start3A_576 = tpu.memref_slice %arg2[%dma_start3A_566, %add3A_525] : memref<4x8192xi32, #tpu.memory_space<hbm>> -> memref<1x8xi32, #tpu.memory_space<hbm>>
        %dma_start3A_577 = tpu.memref_squeeze %dma_start3A_576 : memref<1x8xi32, #tpu.memory_space<hbm>> -> memref<8xi32, #tpu.memory_space<hbm>>
        tpu.enqueue_dma source(%dma_start3A_577 : memref<8xi32, #tpu.memory_space<hbm>>) target(%dma_start3A_575 : memref<8xi32, #tpu.memory_space<vmem>>) target_semaphore(%arg18 : memref<!tpu.dma_semaphore, #tpu.memory_space<semaphore_mem>>)
      } else {
      }
    }
    %scan3A_174 = arith.constant 16 : i32
    %dma_wait3A_175 = arith.constant 0 : i32
    %dma_wait3A_176 = arith.constant 0 : i32
    %dma_wait3A_177 = arith.constant 0 : i32
    %dma_wait3A_178 = tpu.memref_slice %arg8[%dma_wait3A_176, %dma_wait3A_177] : memref<32x1024xf32, #tpu.memory_space<vmem>> -> memref<8x1024xf32, #tpu.memory_space<vmem>>
    %dma_wait3A_179 = arith.constant 0 : i32
    %dma_wait3A_180 = arith.constant 0 : i32
    %dma_wait3A_181 = tpu.memref_slice %arg5[%dma_wait3A_175, %dma_wait3A_179, %dma_wait3A_180] : memref<4x8192x1024xf32, #tpu.memory_space<hbm>> -> memref<1x8x1024xf32, #tpu.memory_space<hbm>>
    %dma_wait3A_182 = tpu.memref_squeeze %dma_wait3A_181 : memref<1x8x1024xf32, #tpu.memory_space<hbm>> -> memref<8x1024xf32, #tpu.memory_space<hbm>>
    %dma_wait3A_183 = arith.constant 0 : i32
    %dma_wait3A_184 = arith.constant 0 : i32
    %dma_wait3A_185 = tpu.memref_slice %arg5[%dma_wait3A_175, %dma_wait3A_183, %dma_wait3A_184] : memref<4x8192x1024xf32, #tpu.memory_space<hbm>> -> memref<1x8x1024xf32, #tpu.memory_space<hbm>>
    %dma_wait3A_186 = tpu.memref_squeeze %dma_wait3A_185 : memref<1x8x1024xf32, #tpu.memory_space<hbm>> -> memref<8x1024xf32, #tpu.memory_space<hbm>>
    %dma_wait3A_187 = arith.constant 0 : i32
    %dma_wait3A_188 = arith.constant 0 : i32
    %dma_wait3A_189 = tpu.memref_slice %arg8[%dma_wait3A_187, %dma_wait3A_188] : memref<32x1024xf32, #tpu.memory_space<vmem>> -> memref<8x1024xf32, #tpu.memory_space<vmem>>
    tpu.wait_dma2 semaphore(%arg14 : memref<!tpu.dma_semaphore, #tpu.memory_space<semaphore_mem>>) src(%dma_wait3A_189 : memref<8x1024xf32, #tpu.memory_space<vmem>>) dst(%dma_wait3A_186 : memref<8x1024xf32, #tpu.memory_space<hbm>>)
    %dma_wait3A_190 = arith.constant 0 : i32
    %dma_wait3A_191 = arith.constant 8 : i32
    %dma_wait3A_192 = arith.constant 0 : i32
    %dma_wait3A_193 = tpu.memref_slice %arg8[%dma_wait3A_191, %dma_wait3A_192] : memref<32x1024xf32, #tpu.memory_space<vmem>> -> memref<8x1024xf32, #tpu.memory_space<vmem>>
    %dma_wait3A_194 = arith.constant 0 : i32
    %dma_wait3A_195 = arith.constant 0 : i32
    %dma_wait3A_196 = tpu.memref_slice %arg5[%dma_wait3A_190, %dma_wait3A_194, %dma_wait3A_195] : memref<4x8192x1024xf32, #tpu.memory_space<hbm>> -> memref<1x8x1024xf32, #tpu.memory_space<hbm>>
    %dma_wait3A_197 = tpu.memref_squeeze %dma_wait3A_196 : memref<1x8x1024xf32, #tpu.memory_space<hbm>> -> memref<8x1024xf32, #tpu.memory_space<hbm>>
    %dma_wait3A_198 = arith.constant 0 : i32
    %dma_wait3A_199 = arith.constant 0 : i32
    %dma_wait3A_200 = tpu.memref_slice %arg5[%dma_wait3A_190, %dma_wait3A_198, %dma_wait3A_199] : memref<4x8192x1024xf32, #tpu.memory_space<hbm>> -> memref<1x8x1024xf32, #tpu.memory_space<hbm>>
    %dma_wait3A_201 = tpu.memref_squeeze %dma_wait3A_200 : memref<1x8x1024xf32, #tpu.memory_space<hbm>> -> memref<8x1024xf32, #tpu.memory_space<hbm>>
    %dma_wait3A_202 = arith.constant 8 : i32
    %dma_wait3A_203 = arith.constant 0 : i32
    %dma_wait3A_204 = tpu.memref_slice %arg8[%dma_wait3A_202, %dma_wait3A_203] : memref<32x1024xf32, #tpu.memory_space<vmem>> -> memref<8x1024xf32, #tpu.memory_space<vmem>>
    tpu.wait_dma2 semaphore(%arg14 : memref<!tpu.dma_semaphore, #tpu.memory_space<semaphore_mem>>) src(%dma_wait3A_204 : memref<8x1024xf32, #tpu.memory_space<vmem>>) dst(%dma_wait3A_201 : memref<8x1024xf32, #tpu.memory_space<hbm>>)
    %dma_wait3A_205 = arith.constant 0 : i32
    %dma_wait3A_206 = arith.constant 16 : i32
    %dma_wait3A_207 = arith.constant 0 : i32
    %dma_wait3A_208 = tpu.memref_slice %arg8[%dma_wait3A_206, %dma_wait3A_207] : memref<32x1024xf32, #tpu.memory_space<vmem>> -> memref<8x1024xf32, #tpu.memory_space<vmem>>
    %dma_wait3A_209 = arith.constant 0 : i32
    %dma_wait3A_210 = arith.constant 0 : i32
    %dma_wait3A_211 = tpu.memref_slice %arg5[%dma_wait3A_205, %dma_wait3A_209, %dma_wait3A_210] : memref<4x8192x1024xf32, #tpu.memory_space<hbm>> -> memref<1x8x1024xf32, #tpu.memory_space<hbm>>
    %dma_wait3A_212 = tpu.memref_squeeze %dma_wait3A_211 : memref<1x8x1024xf32, #tpu.memory_space<hbm>> -> memref<8x1024xf32, #tpu.memory_space<hbm>>
    %dma_wait3A_213 = arith.constant 0 : i32
    %dma_wait3A_214 = arith.constant 0 : i32
    %dma_wait3A_215 = tpu.memref_slice %arg5[%dma_wait3A_205, %dma_wait3A_213, %dma_wait3A_214] : memref<4x8192x1024xf32, #tpu.memory_space<hbm>> -> memref<1x8x1024xf32, #tpu.memory_space<hbm>>
    %dma_wait3A_216 = tpu.memref_squeeze %dma_wait3A_215 : memref<1x8x1024xf32, #tpu.memory_space<hbm>> -> memref<8x1024xf32, #tpu.memory_space<hbm>>
    %dma_wait3A_217 = arith.constant 16 : i32
    %dma_wait3A_218 = arith.constant 0 : i32
    %dma_wait3A_219 = tpu.memref_slice %arg8[%dma_wait3A_217, %dma_wait3A_218] : memref<32x1024xf32, #tpu.memory_space<vmem>> -> memref<8x1024xf32, #tpu.memory_space<vmem>>
    tpu.wait_dma2 semaphore(%arg14 : memref<!tpu.dma_semaphore, #tpu.memory_space<semaphore_mem>>) src(%dma_wait3A_219 : memref<8x1024xf32, #tpu.memory_space<vmem>>) dst(%dma_wait3A_216 : memref<8x1024xf32, #tpu.memory_space<hbm>>)
    %dma_wait3A_220 = arith.constant 0 : i32
    %dma_wait3A_221 = arith.constant 24 : i32
    %dma_wait3A_222 = arith.constant 0 : i32
    %dma_wait3A_223 = tpu.memref_slice %arg8[%dma_wait3A_221, %dma_wait3A_222] : memref<32x1024xf32, #tpu.memory_space<vmem>> -> memref<8x1024xf32, #tpu.memory_space<vmem>>
    %dma_wait3A_224 = arith.constant 0 : i32
    %dma_wait3A_225 = arith.constant 0 : i32
    %dma_wait3A_226 = tpu.memref_slice %arg5[%dma_wait3A_220, %dma_wait3A_224, %dma_wait3A_225] : memref<4x8192x1024xf32, #tpu.memory_space<hbm>> -> memref<1x8x1024xf32, #tpu.memory_space<hbm>>
    %dma_wait3A_227 = tpu.memref_squeeze %dma_wait3A_226 : memref<1x8x1024xf32, #tpu.memory_space<hbm>> -> memref<8x1024xf32, #tpu.memory_space<hbm>>
    %dma_wait3A_228 = arith.constant 0 : i32
    %dma_wait3A_229 = arith.constant 0 : i32
    %dma_wait3A_230 = tpu.memref_slice %arg5[%dma_wait3A_220, %dma_wait3A_228, %dma_wait3A_229] : memref<4x8192x1024xf32, #tpu.memory_space<hbm>> -> memref<1x8x1024xf32, #tpu.memory_space<hbm>>
    %dma_wait3A_231 = tpu.memref_squeeze %dma_wait3A_230 : memref<1x8x1024xf32, #tpu.memory_space<hbm>> -> memref<8x1024xf32, #tpu.memory_space<hbm>>
    %dma_wait3A_232 = arith.constant 24 : i32
    %dma_wait3A_233 = arith.constant 0 : i32
    %dma_wait3A_234 = tpu.memref_slice %arg8[%dma_wait3A_232, %dma_wait3A_233] : memref<32x1024xf32, #tpu.memory_space<vmem>> -> memref<8x1024xf32, #tpu.memory_space<vmem>>
    tpu.wait_dma2 semaphore(%arg14 : memref<!tpu.dma_semaphore, #tpu.memory_space<semaphore_mem>>) src(%dma_wait3A_234 : memref<8x1024xf32, #tpu.memory_space<vmem>>) dst(%dma_wait3A_231 : memref<8x1024xf32, #tpu.memory_space<hbm>>)
    return
  }
}

</mosaic_0001>

<sc_bundles>
// kernel: kernel.3.cloned.1.call-start
scs
__scs_entry_jumppad:
0x0: {  	(pc) =	sbr.rel $0x88, $3  }
0x1: {  	(tag) =	ssettag $0x0;
	lr =	simm.s32 $0x1  }
0x2: {  	[smem:$0x3F9E] =	sst lr;
	_ =	strace $0xD0000000  }
0x3: {  	_ = 	snop  }
0x4: {  	_ = 	snop  }
0x5: {  	_ = 	snop  }
0x6: {  	_ = 	snop  }
0x7: {  	_ = 	snop  }
__scs_overlays_trampoline_lowered:
0x8: {  	[smem:$0x3FAD] =	sst s0  }
0x9: {  	[smem:$0x3FAE] =	sst s1  }
0xa: {  	[smem:$0x3FAF] =	sst s2  }
0xb: {  	[smem:$0x3FB0] =	sst s3  }
0xc: {  	[smem:$0x3FB1] =	sst s4  }
0xd: {  	[smem:$0x3FB2] =	sst s5  }
0xe: {  	[smem:$0x3FB3] =	sst s6  }
0xf: {  	[smem:$0x3FB4] =	sst s7  }
0x10: {  	[smem:$0x3FB5] =	sst s8  }
0x11: {  	[smem:$0x3FB6] =	sst s9;
	s0 =	simm.s32 @!p0 $0x0  }
0x12: {  	s1 =	sld [smem:$0x3F9C];
	s0 =	simm.s32 @p0 $0x1  }
0x13: {  	[smem:$0x3FB7] =	sst s0;
	s0 =	simm.s32 @!p1 $0x0  }
0x14: {  	s2 =	sld [smem:$0x3F9B];
	s0 =	simm.s32 @p1 $0x1  }
0x15: {  	[smem:$0x3FB8] =	sst s0;
	s0 =	simm.s32 @!p2 $0x0  }
0x16: {  	s3 =	sld [smem:$0x3FDB];
	s0 =	simm.s32 @p2 $0x1  }
0x17: {  	s4 =	simm.s32 $0x1BF5;
	[smem:$0x3FBA] =	sst s0  }
0x18: {  	s0 =	sld [smem:$0x3F9D];
	_ =	swait.ge [sflag:s4], $0x0  }
0x19: {  	s7 =	sld [smem:$0x3F9E]  }
0x1a: {  	s8 =	sadd.s32 $0xFFFFE003, lr  }
0x1b: {  	s9 =	sadd.s32 $0xFFFFFEF7, lr;
	s5 =	simm.s32 $0xFFFFFFFF;
	p2 =	slt.u32 s8, $0xFFFFF086  }
0x1c: {  	p1 =	slt.u32 s9, $0xF7A;
	s5 =	simm.s32 @!p2 $0x0  }
0x1d: {  	s5 =	simm.s32 @p1 $0x1;
	p0 =	seq.s32 s7, s2  }
0x1e: {  	s7 =	smul.u32 @!p0 $0xF7A, s2;
	p2 =	seq.s32 @!p0 s5, $0x0  }
0x1f: {  	s9 =	smul.u32 $0xF7A, s1;
	s8 =	simm.s32 @!p0 $0x1BF5;
	p2 =	por !p2, p0  }
0x20: {  	[sflag:s8] =	ssyncset.s32 @!p0 $0xFFFFF086;
	s6 =	sadd.s32 @!p0 s3, s7;
	s7 =	simm.s32 @!p0 $0x108  }
0x21: {  	s3 =	sadd.s32 s3, s9;
	s6 =	sadd.s32 @!p0 $0x88, s6;
	s7 =	simm.s32 @p2 $0x1082  }
0x22: {  	[simem:s7], [sflag:s8] =	dma.local @!p0 [hbm:s6], $0xF7A  }
0x23: {  	s9 =	sor.u32 $0xD0000000, s2;
	s6 =	simm.s32 $0x108;
	_ =	swait.ge @!p0 [sflag:s8], $0x0  }
0x24: {  	s3 =	sadd.s32 $0x88, s3;
	s6 =	simm.s32 @!p1 $0x1082;
	[sflag:s4] =	ssyncset.s32 $0xFFFFF086  }
0x25: {  	[simem:s6], [sflag:s4] =	dma.local [hbm:s3], $0xF7A  }
0x26: {  	[smem:$0x3F9E] =	sst s1;
	(tag) =	ssettag s2;
	_ =	strace s9  }
0x27: {  	s1 =	sld [smem:$0x3FAE]  }
0x28: {  	s2 =	sld [smem:$0x3FAF]  }
0x29: {  	s4 =	sld [smem:$0x3FB1]  }
0x2a: {  	p0 =	seq.s32 s5, $0x0;
	s5 =	sld [smem:$0x3FB2]  }
0x2b: {  	s6 =	sld [smem:$0x3FB3]  }
0x2c: {  	s7 =	sld [smem:$0x3FB4]  }
0x2d: {  	s3 =	simm.s32 $0x108;
	s8 =	sld [smem:$0x3FB5]  }
0x2e: {  	s3 =	simm.s32 @!p0 $0x1082;
	s9 =	sld [smem:$0x3FB6]  }
0x2f: {  	lr =	sadd.s32 s0, s3;
	s0 =	sld [smem:$0x3FAD]  }
0x30: {  	s3 =	sld [smem:$0x3FB0]  }
0x31: {  	[smem:$0x3FB9] =	sst s10  }
0x32: {  	s10 =	sld [smem:$0x3FB7];
	_ =	sdelay $0x3  }
0x33: {  	p0 =	seq.s32 s10, $0x1;
	s10 =	sld [smem:$0x3FB9];
	_ =	sdelay $0x3  }
0x34: {  	[smem:$0x3FB9] =	sst s10  }
0x35: {  	s10 =	sld [smem:$0x3FB8];
	_ =	sdelay $0x3  }
0x36: {  	p1 =	seq.s32 s10, $0x1;
	s10 =	sld [smem:$0x3FB9];
	_ =	sdelay $0x3  }
0x37: {  	[smem:$0x3FB9] =	sst s10  }
0x38: {  	s10 =	sld [smem:$0x3FBA]  }
0x39: {  	_ = 	snop;
	(pc) =	sbr.ind lr, $3  }
0x3a: {  	_ = 	snop  }
0x3b: {  	_ = 	snop  }
0x3c: {  	p2 =	seq.s32 s10, $0x1;
	s10 =	sld [smem:$0x3FB9]  }
0x3d: {  	_ =	shalt  }
0x3e: {  	_ =	shalt  }
0x3f: {  	_ =	shalt  }
0x40: {  	_ =	shalt  }
0x41: {  	_ =	shalt  }
0x42: {  	_ =	shalt  }
0x43: {  	_ =	shalt  }
0x44: {  	_ =	shalt  }
0x45: {  	_ =	shalt  }
0x46: {  	_ =	shalt  }
0x47: {  	_ =	shalt  }
0x48: {  	_ =	shalt  }
0x49: {  	_ =	shalt  }
0x4a: {  	_ =	shalt  }
0x4b: {  	_ =	shalt  }
0x4c: {  	_ =	shalt  }
0x4d: {  	_ =	shalt  }
0x4e: {  	_ =	shalt  }
0x4f: {  	_ =	shalt  }
0x50: {  	_ =	shalt  }
0x51: {  	_ =	shalt  }
0x52: {  	_ =	shalt  }
0x53: {  	_ =	shalt  }
0x54: {  	_ =	shalt  }
0x55: {  	_ =	shalt  }
0x56: {  	_ =	shalt  }
0x57: {  	_ =	shalt  }
0x58: {  	_ =	shalt  }
0x59: {  	_ =	shalt  }
0x5a: {  	_ =	shalt  }
0x5b: {  	_ =	shalt  }
0x5c: {  	_ =	shalt  }
0x5d: {  	_ =	shalt  }
0x5e: {  	_ =	shalt  }
0x5f: {  	_ =	shalt  }
0x60: {  	_ =	shalt  }
0x61: {  	_ =	shalt  }
0x62: {  	_ =	shalt  }
0x63: {  	_ =	shalt  }
0x64: {  	_ =	shalt  }
0x65: {  	_ =	shalt  }
0x66: {  	_ =	shalt  }
0x67: {  	_ =	shalt  }
0x68: {  	_ =	shalt  }
0x69: {  	_ =	shalt  }
0x6a: {  	_ =	shalt  }
0x6b: {  	_ =	shalt  }
0x6c: {  	_ =	shalt  }
0x6d: {  	_ =	shalt  }
0x6e: {  	_ =	shalt  }
0x6f: {  	_ =	shalt  }
0x70: {  	_ =	shalt  }
0x71: {  	_ =	shalt  }
0x72: {  	_ =	shalt  }
0x73: {  	_ =	shalt  }
0x74: {  	_ =	shalt  }
0x75: {  	_ =	shalt  }
0x76: {  	_ =	shalt  }
0x77: {  	_ =	shalt  }
0x78: {  	_ =	shalt  }
0x79: {  	_ =	shalt  }
0x7a: {  	_ =	shalt  }
0x7b: {  	_ =	shalt  }
0x7c: {  	_ =	shalt  }
0x7d: {  	_ =	shalt  }
0x7e: {  	_ =	shalt  }
0x7f: {  	_ =	shalt  }
0x80: {  	_ =	shalt  }
0x81: {  	_ =	shalt  }
0x82: {  	_ =	shalt  }
0x83: {  	_ =	shalt  }
0x84: {  	_ =	shalt  }
0x85: {  	_ =	shalt  }
0x86: {  	_ =	shalt  }
0x87: {  	_ =	shalt  }
.Lfunc_end0:
.L_simem_size_0:
called_computation_lowered:
.L_overlay_start_0:
0x88: {  	s2 =	sld [smem:$0x3FD9]  }
0x89: {  	s3 =	sld [smem:$0x3FFE];
	_ =	sdelay $0x1  }
0x8a: {  	s1 =	srdreg.scid  }
0x8b: {  	s0 =	sand.u32 $0x1, s1  }
0x8c: {  	s18 =	sshll.u32 s0, $0xA;
	s2 =	sadd.s32 s3, s2  }
0x8d: {  	s2 =	sadd.s32 s2, s18  }
0x8e: {  	[smem:$0x3FC5] =	sst s2  }
0x8f: {  	_ = 	snop  }
0x90: {  	s2 =	sld [smem:$0x3FC9]  }
0x91: {  	s19 =	sld [smem:$0x3FC8]  }
0x92: {  	s4 =	sld [smem:$0x3FC7]  }
0x93: {  	s5 =	sld [smem:$0x3FD0];
	(tm) =	ssettm $0x1  }
0x94: {  	s6 =	sld [smem:$0x3FFB];
	_ =	sdelay $0x3  }
0x95: {  	_ =	strace s6  }
0x96: {  	s6 =	sld [smem:$0x3FFC];
	_ =	sdelay $0x3  }
0x97: {  	_ =	strace s6  }
0x98: {  	s6 =	sld [smem:$0x3FFD];
	_ =	sdelay $0x3  }
0x99: {  	_ =	strace s6  }
0x9a: {  	_ =	strace $0x8FFFFFFF  }
0x9b: {  	s20 =	sld [smem:$0x3FDB];
	_ =	sdelay $0x1  }
0x9c: {  	s7 =	simm.s32 $_scs_section_size  }
0x9d: {  	s8 =	simm.s32 $_size__tile_overlayer_lowered;
	s9 =	simm.s32 $_tile_overlayer_lowered  }
0x9e: {  	s23 =	simm.s32 $0x1BFF;
	s22 =	sshll.u32 s9, $0x1;
	s6 =	sadd.s32 s7, s20  }
0x9f: {  	s10 =	simm.s32 $0x0;
	s21 =	sshll.u32 s8, $0x1;
	s8 =	sadd.s32 s22, s6  }
0xa0: {  	[timem:s10], [sflag:s23] =	dma.local [hbm:s8], s21  }
0xa1: {  	_ =	swait.ge [sflag:s23], s21  }
0xa2: {  	s7 =	ssub.s32 $0x0, s21;
	[sflag:s23] =	ssyncset.done $0x0  }
0xa3: {  	[sflag:s23] =	ssyncadd.s32 s7;
	_ =	sdelay $0x1  }
0xa4: {  	s24 =	simm.s32 $0x1B8B  }
0xa5: {  	_ =	swait.ge [sflag:s24], $0x1  }
0xa6: {  	[sflag:s24] =	ssyncset.done $0x0  }
0xa7: {  	s25 =	simm.s32 $0x1B8E;
	[sflag:s24] =	ssyncadd.s32 $0xFFFFFFFF  }
0xa8: {  	s26 =	simm.s32 $execute0_lowered;
	[smem:$0x3FD2] =	sst s25  }
0xa9: {  	s7 =	sshll.u32 s26, $0x1;
	_ =	strace $0x80000046;
	[dreg:$0x1] =	wrdreg $0xFFFFFFFF  }
0xaa: {  	s28 =	simm.s32 $_size_execute0_lowered;
	s6 =	sadd.s32 s6, s7;
	[dreg:$0x0] =	wrdreg $0x0  }
0xab: {  	s7 =	sshll.u32 s28, $0x1;
	[dreg:$0x2] =	wrdreg s6  }
0xac: {  	[dreg:$0x3] =	wrdreg s7  }
0xad: {  	[dreg:$0x4] =	wrdreg $0xC0  }
0xae: {  	_ =	task [dreg:s10], $0x5FFFF  }
0xaf: {  	[dreg:$0x1] =	wrdreg $0xFFFFFFFF  }
0xb0: {  	[dreg:$0x0] =	wrdreg $0x60  }
0xb1: {  	[dreg:$0x2] =	wrdreg s2  }
0xb2: {  	[dreg:$0x3] =	wrdreg s19  }
0xb3: {  	[dreg:$0x4] =	wrdreg s4  }
0xb4: {  	[dreg:$0x5] =	wrdreg s5  }
0xb5: {  	[dreg:$0x6] =	wrdreg $0x9  }
0xb6: {  	_ =	task.clear_ibuf [dreg:s10], $0x7FFFF;
	_ =	strace $0x90000046  }
0xb7: {  	s29 =	simm.s32 $0x9;
	_ =	strace $0x80000048  }
0xb8: {  	_ =	swait.ge [sflag:s29], $0x1  }
0xb9: {  	[sflag:s29] =	ssyncadd.s32 $0xFFFFFFFF  }
0xba: {  	_ =	strace $0x90000048  }
0xbb: {  	_ =	sfence  }
0xbc: {  	s30 =	sld [smem:$0x0];
	_ =	sdelay $0x2  }
0xbd: {  	s31 =	sshll.u32 s1, $0xD;
	s1 =	sshrl.u32 s1, $0x2  }
0xbe: {  	s3 =	sand.u32 $0x4000, s31;
	s1 =	sadd.s32 s1, s30  }
0xbf: {  	s0 =	sor.u32 s3, s0;
	s1 =	sshll.u32 s1, $0x11  }
0xc0: {  	s0 =	sor.u32 s1, s0  }
0xc1: {  	s0 =	sadd.s32 $0x8F2B, s0  }
0xc2: {  	[sflag:s0] =	ssyncadd.remote.s32 $0x1  }
0xc3: {  	_ =	sfence.sel $0xFFFF  }
0xc4: {  	[dreg:$0x0] =	wrdreg $0xFFFFFFFF;
	(pc) =	sbr.abs _section_cstart, $3  }
0xc5: {  	[dreg:$0x1] =	wrdreg $0xFFFFFFFF  }
0xc6: {  	_ =	task.clear_ibuf [dreg:s10], $0x2FFFF;
	_ =	strace $0x9FFFFFFF  }
0xc7: {  	(tm) =	ssettm $0x7FFFFFFF  }
tec
execute0_lowered:
.L_overlay_start_1:
0x0: {  	(tag) =	ssettag $0x1  }
0x1: {  	s5 =	rddreg [dreg:$0x0]  }
0x2: {  	s2 =	rddreg [dreg:$0x1]  }
0x3: {  	s8 =	rddreg [dreg:$0x2]  }
0x4: {  	s9 =	rddreg [dreg:$0x3]  }
0x5: {  	s6 =	simm.s32 $0x0;
	s0 =	srdreg.scid;
	s3 =	stileid.u32  }
0x6: {  	s30 =	simm.s32 $0x8;
	s14 =	simm.s32 $0x7;
	s17 =	simm.s32 $0x1  }
0x7: {  	s18 =	simm.s32 $0x5;
	s29 =	simm.s32 $0xA100;
	s31 =	simm.s32 $0x2  }
0x8: {  	s11 =	simm.s32 $0x6;
	[smem:$0x7FF] =	sst s6;
	s0 =	sand.u32 $0x1, s0  }
0x9: {  	s3 =	sshll.u32 s3, $0x9;
	s1 =	ssub.s32 $0x2, s0;
	s0 =	sshll.u32 s0, $0x8  }
0xa: {  	s10 =	sadd.s32 $0x10, s5;
	_ =	strace $0x80000047;
	s3 =	sor.u32 s0, s3  }
0xb: {  	s20 =	sshll.u32 s3, $0x7;
	[dreg:$0x5] =	wrdreg s3;
	s3 =	sshrl.u32 s3, $0x1  }
0xc: {  	s12 =	sadd.s32 $0x20, s5;
	s13 =	sadd.s32 $0x30, s5;
	s7 =	sadd.s32 s3, s10  }
0xd: {  	s4 =	sshrl.u32 s1, $0x1;
	s22 =	sadd.s32 s3, s12;
	[dreg:$0x8] =	wrdreg s7  }
0xe: {  	s21 =	sadd.s32 s5, s3;
	s3 =	sadd.s32 s3, s13;
	[dreg:$0x9] =	wrdreg s22  }
0xf: {  	s19 =	ssub.s32 s1, s4;
	s1 =	sadd.s32 s8, s20;
	[dreg:$0xa] =	wrdreg s3  }
0x10: {  	s16 =	simm.s32 $0x3;
	s28 =	sadd.s32 $0x300000, s9;
	[dreg:$0x6] =	wrdreg s1  }
0x11: {  	s4 =	simm.s32 $0x0;
	s0 =	smax.u32 s19, $0x1;
	[dreg:$0x7] =	wrdreg s21  }
0x12: {  	s8 =	simm.s32 $0xC100;
	s1 =	sadd.s32 $0x400, s1;
	[dreg:$0x10] =	wrdreg s0  }
0x13: {  	s23 =	sadd.s32 $0x1, s21;
	s24 =	sadd.s32 $0x11, s21;
	[dreg:$0xb] =	wrdreg s1  }
.Ltmp0:
0x14: {  	s25 =	sadd.s32 $0x21, s21;
	[dreg:$0xc] =	wrdreg s23;
	(pc) =	sbr.rel .LBB2_1-.Ltmp0, $4  }
0x15: {  	s26 =	sadd.s32 $0x31, s21;
	s21 =	sadd.s32 $0x100, s2;
	[dreg:$0xd] =	wrdreg s24  }
0x16: {  	v2 =	vlaneseq.u32;
	s22 =	sadd.s32 $0x200, s2;
	s7 =	smov.u32 s9;
	[dreg:$0xe] =	wrdreg s25  }
0x17: {  	vm0 =	vmmov $0xffff;
	v1 =	vshrl.u32 v2, $0x3;
	s0 =	simm.s32 $0xE100;
	[dreg:$0xf] =	wrdreg s26;
	s23 =	sadd.s32 $0x300, s2  }
0x18: {  	v0 =	vand.u32 $0x7, v2;
	v2 =	vor.u32 $0x8, v2;
	v1 =	vmul.u32 $0x8, v1;
	s24 =	sadd.s32 $0x100000, s9;
	s26 =	sadd.s32 $0x200000, s9;
	s25 =	simm.s32 $0x8100  }
.LBB2_10:
0x19: {  	s3 =	simm.s32 $0x4  }
0x1a: {  	_ =	swait.ge [sflag:s3], $0x2000  }
0x1b: {  	[sflag:s3] =	ssyncset.done $0x0  }
0x1c: {  	[sflag:s3] =	ssyncadd.s32 $0xFFFFE000  }
0x1d: {  	_ =	swait.ge [sflag:s3], $0x2000  }
0x1e: {  	[sflag:s3] =	ssyncset.done $0x0  }
0x1f: {  	[sflag:s3] =	ssyncadd.s32 $0xFFFFE000  }
0x20: {  	_ =	swait.ge [sflag:s3], $0x2000  }
0x21: {  	[sflag:s3] =	ssyncset.done $0x0  }
0x22: {  	[sflag:s3] =	ssyncadd.s32 $0xFFFFE000  }
0x23: {  	_ =	swait.ge [sflag:s3], $0x2000  }
0x24: {  	s4 =	rddreg [dreg:$0x11]  }
0x25: {  	s1 =	rddreg [dreg:$0x10];
	s4 =	sadd.s32 $0x1, s4  }
0x26: {  	p0 =	sne.s32 s4, s1  }
.Ltmp1:
0x27: {  	_ = 	snop;
	(pc) =	sbr.rel @!p0 .LBB2_11-.Ltmp1, $3  }
0x28: {  	_ =	sdelay $0x1  }
0x29: {  	[sflag:s3] =	ssyncset.done $0x0  }
0x2a: {  	[sflag:s3] =	ssyncadd.s32 $0xFFFFE000  }
.LBB2_1:
0x2b: {  	[dreg:$0x11] =	wrdreg s4  }
0x2c: {  	s1 =	rddreg [dreg:$0x6];
	s3 =	simm.s32 $0x10100  }
0x2d: {  	[tilespmem:s3], [sflag:$0x5] =	stream.linear.gather [hbm4b:s1+s6], $0x2000, $0x38;
	[tilespmem:$0x14100] =	vst v63  }
0x2e: {  	s4 =	rddreg [dreg:$0x7]  }
0x2f: {  	[tilespmem:s6], [sflag:$0x7] =	stream.linear.gather [hbm4b:s4+s6], $0x8, $0x38;
	[tilespmem:$0x14100] =	vst v63  }
0x30: {  	s5 =	rddreg [dreg:$0x8]  }
0x31: {  	[tilespmem:s30], [sflag:$0x7] =	stream.linear.gather [hbm4b:s5+s6], $0x8, $0x38;
	[tilespmem:$0x14100] =	vst v63  }
0x32: {  	s9 =	rddreg [dreg:$0x9];
	s15 =	simm.s32 $0x10  }
0x33: {  	[tilespmem:s15], [sflag:$0x7] =	stream.linear.gather [hbm4b:s9+s6], $0x8, $0x38;
	[tilespmem:$0x14100] =	vst v63  }
0x34: {  	s19 =	rddreg [dreg:$0xa];
	s20 =	simm.s32 $0x18  }
0x35: {  	[tilespmem:s20], [sflag:$0x7] =	stream.linear.gather [hbm4b:s19+s6], $0x8, $0x38;
	[tilespmem:$0x14100] =	vst v63  }
0x36: {  	s4 =	rddreg [dreg:$0xb];
	s5 =	simm.s32 $0x12100  }
0x37: {  	[tilespmem:s5], [sflag:$0x6] =	stream.linear.gather [hbm4b:s4+s6], $0x2000, $0x38;
	[tilespmem:$0x14100] =	vst v63  }
0x38: {  	s9 =	rddreg [dreg:$0xc];
	s15 =	simm.s32 $0x80  }
0x39: {  	[tilespmem:s15], [sflag:$0x8] =	stream.linear.gather [hbm4b:s9+s6], $0x8, $0x38;
	[tilespmem:$0x14100] =	vst v63  }
0x3a: {  	s19 =	rddreg [dreg:$0xd];
	s20 =	simm.s32 $0x88  }
0x3b: {  	[tilespmem:s20], [sflag:$0x8] =	stream.linear.gather [hbm4b:s19+s6], $0x8, $0x38;
	[tilespmem:$0x14100] =	vst v63  }
0x3c: {  	s4 =	rddreg [dreg:$0xe];
	s5 =	simm.s32 $0x90  }
0x3d: {  	[tilespmem:s5], [sflag:$0x8] =	stream.linear.gather [hbm4b:s4+s6], $0x8, $0x38;
	[tilespmem:$0x14100] =	vst v63  }
0x3e: {  	s9 =	rddreg [dreg:$0xf];
	s15 =	simm.s32 $0x98  }
0x3f: {  	[tilespmem:s15], [sflag:$0x8] =	stream.linear.gather [hbm4b:s9+s6], $0x8, $0x38;
	[tilespmem:$0x14100] =	vst v63  }
0x40: {  	_ =	swait.ge [sflag:s14], $0x8  }
0x41: {  	[sflag:s14] =	ssyncset.done $0x0  }
0x42: {  	[sflag:s14] =	ssyncadd.s32 $0xFFFFFFF8  }
0x43: {  	_ =	swait.ge [sflag:s14], $0x8  }
0x44: {  	[sflag:s14] =	ssyncset.done $0x0  }
0x45: {  	[sflag:s14] =	ssyncadd.s32 $0xFFFFFFF8  }
0x46: {  	_ =	swait.ge [sflag:s14], $0x8  }
0x47: {  	[sflag:s14] =	ssyncset.done $0x0  }
0x48: {  	[sflag:s14] =	ssyncadd.s32 $0xFFFFFFF8  }
0x49: {  	_ =	swait.ge [sflag:s14], $0x8  }
0x4a: {  	[sflag:s14] =	ssyncset.done $0x0  }
0x4b: {  	[sflag:s14] =	ssyncadd.s32 $0xFFFFFFF8  }
0x4c: {  	v3 =	vld [tilespmem:$0x0];
	_ =	sdelay $0x4  }
0x4d: {  	v4 =	vshll.u32 v3, $0x3  }
0x4e: {  	v3 =	vand.u32 $0x7, v3;
	v4 =	vand.u32 $0xFFFFFFC0, v4  }
0x4f: {  	v3 =	vor.u32 v3, v4  }
0x50: {  	v4 =	vperm.xlane v3, v0;
	_ =	sdelay $0x1  }
0x51: {  	v4 =	vadd.s32 v1, v4;
	_ =	sdelay $0x3  }
0x52: {  	s19 =	simm.s32 $0x100  }
0x53: {  	[tilespmem:s19], [sflag:$0x1] =	stream.indirect_vreg.gather [hbm4b:s2+s6], $0x80, v4, vm0, $0xb8;
	[tilespmem:$0x14100] =	vst v63  }
0x54: {  	s20 =	simm.s32 $0x900;
	v3 =	vperm.xlane v3, v2  }
0x55: {  	[tilespmem:s20], [sflag:$0x1] =	stream.indirect_vreg.gather [hbm4b:s21+s6], $0x80, v4, vm0, $0xb8;
	[tilespmem:$0x14100] =	vst v63  }
0x56: {  	s3 =	simm.s32 $0x1100;
	v3 =	vadd.s32 v1, v3  }
0x57: {  	[tilespmem:s3], [sflag:$0x1] =	stream.indirect_vreg.gather [hbm4b:s22+s6], $0x80, v4, vm0, $0xb8;
	[tilespmem:$0x14100] =	vst v63  }
0x58: {  	s4 =	simm.s32 $0x1900  }
0x59: {  	[tilespmem:s4], [sflag:$0x1] =	stream.indirect_vreg.gather [hbm4b:s23+s6], $0x80, v4, vm0, $0xb8;
	[tilespmem:$0x14100] =	vst v63  }
0x5a: {  	s5 =	simm.s32 $0x2100  }
0x5b: {  	[tilespmem:s5], [sflag:$0x1] =	stream.indirect_vreg.gather [hbm4b:s2+s6], $0x80, v3, vm0, $0xb8;
	[tilespmem:$0x14100] =	vst v63  }
0x5c: {  	s9 =	simm.s32 $0x2900  }
0x5d: {  	[tilespmem:s9], [sflag:$0x1] =	stream.indirect_vreg.gather [hbm4b:s21+s6], $0x80, v3, vm0, $0xb8;
	[tilespmem:$0x14100] =	vst v63  }
0x5e: {  	s15 =	simm.s32 $0x3100  }
0x5f: {  	[tilespmem:s15], [sflag:$0x1] =	stream.indirect_vreg.gather [hbm4b:s22+s6], $0x80, v3, vm0, $0xb8;
	[tilespmem:$0x14100] =	vst v63  }
0x60: {  	s19 =	simm.s32 $0x3900  }
0x61: {  	[tilespmem:s19], [sflag:$0x1] =	stream.indirect_vreg.gather [hbm4b:s23+s6], $0x80, v3, vm0, $0xb8;
	[tilespmem:$0x14100] =	vst v63  }
0x62: {  	v3 =	vld [tilespmem:$0x10];
	_ =	sdelay $0x4  }
0x63: {  	v63 =	vshll.u32 v3, $0x3  }
0x64: {  	v3 =	vand.u32 $0x7, v3;
	v4 =	vand.u32 $0xFFFFFFC0, v63  }
0x65: {  	v3 =	vor.u32 v3, v4  }
0x66: {  	v4 =	vperm.xlane v3, v0;
	_ =	sdelay $0x1  }
0x67: {  	v4 =	vadd.s32 v1, v4;
	_ =	sdelay $0x3  }
0x68: {  	s20 =	simm.s32 $0x4100  }
0x69: {  	[tilespmem:s20], [sflag:$0x1] =	stream.indirect_vreg.gather [hbm4b:s2+s6], $0x80, v4, vm0, $0xb8;
	[tilespmem:$0x14100] =	vst v63  }
0x6a: {  	s3 =	simm.s32 $0x4900;
	v3 =	vperm.xlane v3, v2  }
0x6b: {  	[tilespmem:s3], [sflag:$0x1] =	stream.indirect_vreg.gather [hbm4b:s21+s6], $0x80, v4, vm0, $0xb8;
	[tilespmem:$0x14100] =	vst v63  }
0x6c: {  	s4 =	simm.s32 $0x5100;
	v3 =	vadd.s32 v1, v3  }
0x6d: {  	[tilespmem:s4], [sflag:$0x1] =	stream.indirect_vreg.gather [hbm4b:s22+s6], $0x80, v4, vm0, $0xb8;
	[tilespmem:$0x14100] =	vst v63  }
0x6e: {  	s5 =	simm.s32 $0x5900  }
0x6f: {  	[tilespmem:s5], [sflag:$0x1] =	stream.indirect_vreg.gather [hbm4b:s23+s6], $0x80, v4, vm0, $0xb8;
	[tilespmem:$0x14100] =	vst v63  }
0x70: {  	s9 =	simm.s32 $0x6100  }
0x71: {  	[tilespmem:s9], [sflag:$0x1] =	stream.indirect_vreg.gather [hbm4b:s2+s6], $0x80, v3, vm0, $0xb8;
	[tilespmem:$0x14100] =	vst v63  }
0x72: {  	s15 =	simm.s32 $0x6900  }
0x73: {  	[tilespmem:s15], [sflag:$0x1] =	stream.indirect_vreg.gather [hbm4b:s21+s6], $0x80, v3, vm0, $0xb8;
	[tilespmem:$0x14100] =	vst v63  }
0x74: {  	s19 =	simm.s32 $0x7100  }
0x75: {  	[tilespmem:s19], [sflag:$0x1] =	stream.indirect_vreg.gather [hbm4b:s22+s6], $0x80, v3, vm0, $0xb8;
	[tilespmem:$0x14100] =	vst v63  }
0x76: {  	s20 =	simm.s32 $0x7900;
	s5 =	simm.s32 $0x0  }
0x77: {  	[tilespmem:s20], [sflag:$0x1] =	stream.indirect_vreg.gather [hbm4b:s23+s6], $0x80, v3, vm0, $0xb8;
	[tilespmem:$0x14100] =	vst v63  }
.LBB2_2:
0x78: {  	_ =	swait.ge [sflag:s17], $0x8000  }
0x79: {  	[sflag:s17] =	ssyncset.done $0x0  }
0x7a: {  	[sflag:s17] =	ssyncadd.s32 $0xFFFF8000  }
0x7b: {  	_ =	swait.ge [sflag:s18], $0x2000  }
0x7c: {  	p0 =	seq.s32 s5, $0x0;
	[sflag:s18] =	ssyncset.done $0x0  }
0x7d: {  	s1 =	simm.s32 @!p0 $0x4;
	[sflag:s18] =	ssyncadd.s32 $0xFFFFE000  }
0x7e: {  	_ =	swait.ge @!p0 [sflag:s1], $0x2000  }
0x7f: {  	[sflag:s1] =	ssyncset.done @!p0 $0x0  }
0x80: {  	[sflag:s1] =	ssyncadd.s32 @!p0 $0xFFFFE000  }
0x81: {  	_ =	swait.ge @!p0 [sflag:s1], $0x2000  }
0x82: {  	[sflag:s1] =	ssyncset.done @!p0 $0x0  }
0x83: {  	[sflag:s1] =	ssyncadd.s32 @!p0 $0xFFFFE000  }
0x84: {  	_ =	swait.ge @!p0 [sflag:s1], $0x2000  }
0x85: {  	[sflag:s1] =	ssyncset.done @!p0 $0x0  }
0x86: {  	[sflag:s1] =	ssyncadd.s32 @!p0 $0xFFFFE000  }
0x87: {  	_ =	swait.ge @!p0 [sflag:s1], $0x2000  }
0x88: {  	[sflag:s1] =	ssyncset.done @!p0 $0x0  }
0x89: {  	[sflag:s1] =	ssyncadd.s32 @!p0 $0xFFFFE000  }
0x8a: {  	_ =	swait.ge [sflag:s30], $0x8  }
0x8b: {  	[sflag:s30] =	ssyncset.done $0x0  }
0x8c: {  	[sflag:s30] =	ssyncadd.s32 $0xFFFFFFF8  }
0x8d: {  	_ =	swait.ge [sflag:s30], $0x8  }
0x8e: {  	[sflag:s30] =	ssyncset.done $0x0  }
0x8f: {  	[sflag:s30] =	ssyncadd.s32 $0xFFFFFFF8  }
0x90: {  	_ =	swait.ge [sflag:s30], $0x8  }
0x91: {  	[sflag:s30] =	ssyncset.done $0x0  }
0x92: {  	[sflag:s30] =	ssyncadd.s32 $0xFFFFFFF8  }
0x93: {  	_ =	swait.ge [sflag:s30], $0x8  }
0x94: {  	[sflag:s30] =	ssyncset.done $0x0  }
0x95: {  	[sflag:s30] =	ssyncadd.s32 $0xFFFFFFF8  }
0x96: {  	v3 =	vld [tilespmem:$0x80];
	_ =	sdelay $0x4  }
0x97: {  	v4 =	vshll.u32 v3, $0x3  }
0x98: {  	v3 =	vand.u32 $0x7, v3;
	v4 =	vand.u32 $0xFFFFFFC0, v4  }
0x99: {  	v3 =	vor.u32 v3, v4  }
0x9a: {  	v4 =	vperm.xlane v3, v0;
	_ =	sdelay $0x1  }
0x9b: {  	v4 =	vadd.s32 v1, v4;
	_ =	sdelay $0x3  }
0x9c: {  	s1 =	simm.s32 $0x0  }
0x9d: {  	[tilespmem:s25], [sflag:$0x2] =	stream.indirect_vreg.gather [hbm4b:s2+s1], $0x80, v4, vm0, $0xb8;
	[tilespmem:$0x14100] =	vst v63  }
0x9e: {  	s3 =	simm.s32 $0x8900;
	v3 =	vperm.xlane v3, v2  }
0x9f: {  	[tilespmem:s3], [sflag:$0x2] =	stream.indirect_vreg.gather [hbm4b:s21+s1], $0x80, v4, vm0, $0xb8;
	[tilespmem:$0x14100] =	vst v63  }
0xa0: {  	s20 =	simm.s32 $0x9100;
	v3 =	vadd.s32 v1, v3  }
0xa1: {  	[tilespmem:s20], [sflag:$0x2] =	stream.indirect_vreg.gather [hbm4b:s22+s1], $0x80, v4, vm0, $0xb8;
	[tilespmem:$0x14100] =	vst v63  }
0xa2: {  	s4 =	simm.s32 $0x9900  }
0xa3: {  	[tilespmem:s4], [sflag:$0x2] =	stream.indirect_vreg.gather [hbm4b:s23+s1], $0x80, v4, vm0, $0xb8;
	[tilespmem:$0x14100] =	vst v63  }
0xa4: {  	_ = 	snop  }
0xa5: {  	[tilespmem:s29], [sflag:$0x2] =	stream.indirect_vreg.gather [hbm4b:s2+s1], $0x80, v3, vm0, $0xb8;
	[tilespmem:$0x14100] =	vst v63  }
0xa6: {  	s9 =	simm.s32 $0xA900  }
0xa7: {  	[tilespmem:s9], [sflag:$0x2] =	stream.indirect_vreg.gather [hbm4b:s21+s1], $0x80, v3, vm0, $0xb8;
	[tilespmem:$0x14100] =	vst v63  }
0xa8: {  	s15 =	simm.s32 $0xB100  }
0xa9: {  	[tilespmem:s15], [sflag:$0x2] =	stream.indirect_vreg.gather [hbm4b:s22+s1], $0x80, v3, vm0, $0xb8;
	[tilespmem:$0x14100] =	vst v63  }
0xaa: {  	s19 =	simm.s32 $0xB900  }
0xab: {  	[tilespmem:s19], [sflag:$0x2] =	stream.indirect_vreg.gather [hbm4b:s23+s1], $0x80, v3, vm0, $0xb8;
	[tilespmem:$0x14100] =	vst v63  }
0xac: {  	v3 =	vld [tilespmem:$0x90];
	_ =	sdelay $0x4  }
0xad: {  	v4 =	vshll.u32 v3, $0x3  }
0xae: {  	v3 =	vand.u32 $0x7, v3;
	v4 =	vand.u32 $0xFFFFFFC0, v4  }
0xaf: {  	v3 =	vor.u32 v3, v4  }
0xb0: {  	v4 =	vperm.xlane v3, v0;
	_ =	sdelay $0x1  }
0xb1: {  	v4 =	vadd.s32 v1, v4;
	_ =	sdelay $0x4  }
0xb2: {  	[tilespmem:s8], [sflag:$0x2] =	stream.indirect_vreg.gather [hbm4b:s2+s1], $0x80, v4, vm0, $0xb8;
	[tilespmem:$0x14100] =	vst v63  }
0xb3: {  	s20 =	simm.s32 $0xC900;
	v3 =	vperm.xlane v3, v2  }
0xb4: {  	[tilespmem:s20], [sflag:$0x2] =	stream.indirect_vreg.gather [hbm4b:s21+s1], $0x80, v4, vm0, $0xb8;
	[tilespmem:$0x14100] =	vst v63  }
0xb5: {  	s4 =	simm.s32 $0xD100;
	v3 =	vadd.s32 v1, v3  }
0xb6: {  	[tilespmem:s4], [sflag:$0x2] =	stream.indirect_vreg.gather [hbm4b:s22+s1], $0x80, v4, vm0, $0xb8;
	[tilespmem:$0x14100] =	vst v63  }
0xb7: {  	s9 =	simm.s32 $0xD900  }
0xb8: {  	[tilespmem:s9], [sflag:$0x2] =	stream.indirect_vreg.gather [hbm4b:s23+s1], $0x80, v4, vm0, $0xb8;
	[tilespmem:$0x14100] =	vst v63  }
0xb9: {  	_ = 	snop  }
0xba: {  	[tilespmem:s0], [sflag:$0x2] =	stream.indirect_vreg.gather [hbm4b:s2+s1], $0x80, v3, vm0, $0xb8;
	[tilespmem:$0x14100] =	vst v63  }
0xbb: {  	s15 =	simm.s32 $0xE900  }
0xbc: {  	[tilespmem:s15], [sflag:$0x2] =	stream.indirect_vreg.gather [hbm4b:s21+s1], $0x80, v3, vm0, $0xb8;
	[tilespmem:$0x14100] =	vst v63  }
0xbd: {  	s19 =	simm.s32 $0xF100  }
0xbe: {  	[tilespmem:s19], [sflag:$0x2] =	stream.indirect_vreg.gather [hbm4b:s22+s1], $0x80, v3, vm0, $0xb8;
	[tilespmem:$0x14100] =	vst v63  }
0xbf: {  	s20 =	simm.s32 $0xF900  }
0xc0: {  	[tilespmem:s20], [sflag:$0x2] =	stream.indirect_vreg.gather [hbm4b:s23+s1], $0x80, v3, vm0, $0xb8;
	[tilespmem:$0x14100] =	vst v63  }
0xc1: {  	s4 =	sand.u32 $0x1800, s1;
	s1 =	sand.u32 $0x380, s1  }
0xc2: {  	s19 =	sor.u32 s1, s4  }
0xc3: {  	v3 =	vld [tilespmem:s19+$0x10570]  }
0xc4: {  	v4 =	vld [tilespmem:s19+$0x10100]  }
0xc5: {  	v5 =	vld [tilespmem:s19+$0x10110]  }
0xc6: {  	v6 =	vld [tilespmem:s19+$0x10120]  }
0xc7: {  	v7 =	vld [tilespmem:s19+$0x10130]  }
0xc8: {  	v8 =	vld [tilespmem:s19+$0x10140]  }
0xc9: {  	v9 =	vld [tilespmem:s19+$0x10150]  }
0xca: {  	v10 =	vld [tilespmem:s19+$0x10160]  }
0xcb: {  	v11 =	vld [tilespmem:s19+$0x10170]  }
0xcc: {  	v12 =	vld [tilespmem:s19+$0x10500]  }
0xcd: {  	v13 =	vld [tilespmem:s19+$0x10510]  }
0xce: {  	v14 =	vld [tilespmem:s19+$0x10520]  }
0xcf: {  	v15 =	vld [tilespmem:s19+$0x10530]  }
0xd0: {  	v16 =	vld [tilespmem:s19+$0x10540]  }
0xd1: {  	v17 =	vld [tilespmem:s19+$0x10550]  }
0xd2: {  	v18 =	vld [tilespmem:s19+$0x10560]  }
0xd3: {  	[tilespmem:s19+$0x6570] =	vst.add.f32.msk $0xffff, v3  }
0xd4: {  	[tilespmem:s19+$0x100] =	vst.add.f32.msk $0xffff, v4  }
0xd5: {  	[tilespmem:s19+$0x2100] =	vst.add.f32.msk $0xffff, v4  }
0xd6: {  	[tilespmem:s19+$0x4100] =	vst.add.f32.msk $0xffff, v4  }
0xd7: {  	[tilespmem:s19+$0x6100] =	vst.add.f32.msk $0xffff, v4  }
0xd8: {  	[tilespmem:s19+$0x110] =	vst.add.f32.msk $0xffff, v5  }
0xd9: {  	[tilespmem:s19+$0x2110] =	vst.add.f32.msk $0xffff, v5  }
0xda: {  	[tilespmem:s19+$0x4110] =	vst.add.f32.msk $0xffff, v5  }
0xdb: {  	[tilespmem:s19+$0x6110] =	vst.add.f32.msk $0xffff, v5  }
0xdc: {  	[tilespmem:s19+$0x120] =	vst.add.f32.msk $0xffff, v6  }
0xdd: {  	[tilespmem:s19+$0x2120] =	vst.add.f32.msk $0xffff, v6  }
0xde: {  	[tilespmem:s19+$0x4120] =	vst.add.f32.msk $0xffff, v6  }
0xdf: {  	[tilespmem:s19+$0x6120] =	vst.add.f32.msk $0xffff, v6  }
0xe0: {  	[tilespmem:s19+$0x130] =	vst.add.f32.msk $0xffff, v7  }
0xe1: {  	[tilespmem:s19+$0x2130] =	vst.add.f32.msk $0xffff, v7  }
0xe2: {  	[tilespmem:s19+$0x4130] =	vst.add.f32.msk $0xffff, v7  }
0xe3: {  	[tilespmem:s19+$0x6130] =	vst.add.f32.msk $0xffff, v7  }
0xe4: {  	[tilespmem:s19+$0x140] =	vst.add.f32.msk $0xffff, v8  }
0xe5: {  	[tilespmem:s19+$0x2140] =	vst.add.f32.msk $0xffff, v8  }
0xe6: {  	[tilespmem:s19+$0x4140] =	vst.add.f32.msk $0xffff, v8  }
0xe7: {  	[tilespmem:s19+$0x6140] =	vst.add.f32.msk $0xffff, v8  }
0xe8: {  	[tilespmem:s19+$0x150] =	vst.add.f32.msk $0xffff, v9  }
0xe9: {  	[tilespmem:s19+$0x2150] =	vst.add.f32.msk $0xffff, v9  }
0xea: {  	[tilespmem:s19+$0x4150] =	vst.add.f32.msk $0xffff, v9  }
0xeb: {  	[tilespmem:s19+$0x6150] =	vst.add.f32.msk $0xffff, v9  }
0xec: {  	[tilespmem:s19+$0x160] =	vst.add.f32.msk $0xffff, v10  }
0xed: {  	[tilespmem:s19+$0x2160] =	vst.add.f32.msk $0xffff, v10  }
0xee: {  	[tilespmem:s19+$0x4160] =	vst.add.f32.msk $0xffff, v10  }
0xef: {  	[tilespmem:s19+$0x6160] =	vst.add.f32.msk $0xffff, v10  }
0xf0: {  	[tilespmem:s19+$0x170] =	vst.add.f32.msk $0xffff, v11  }
0xf1: {  	[tilespmem:s19+$0x2170] =	vst.add.f32.msk $0xffff, v11  }
0xf2: {  	[tilespmem:s19+$0x4170] =	vst.add.f32.msk $0xffff, v11  }
0xf3: {  	[tilespmem:s19+$0x6170] =	vst.add.f32.msk $0xffff, v11  }
0xf4: {  	[tilespmem:s19+$0x500] =	vst.add.f32.msk $0xffff, v12  }
0xf5: {  	[tilespmem:s19+$0x2500] =	vst.add.f32.msk $0xffff, v12  }
0xf6: {  	[tilespmem:s19+$0x4500] =	vst.add.f32.msk $0xffff, v12  }
0xf7: {  	[tilespmem:s19+$0x6500] =	vst.add.f32.msk $0xffff, v12  }
0xf8: {  	[tilespmem:s19+$0x510] =	vst.add.f32.msk $0xffff, v13  }
0xf9: {  	[tilespmem:s19+$0x2510] =	vst.add.f32.msk $0xffff, v13  }
0xfa: {  	[tilespmem:s19+$0x4510] =	vst.add.f32.msk $0xffff, v13  }
0xfb: {  	[tilespmem:s19+$0x6510] =	vst.add.f32.msk $0xffff, v13  }
0xfc: {  	[tilespmem:s19+$0x520] =	vst.add.f32.msk $0xffff, v14  }
0xfd: {  	[tilespmem:s19+$0x2520] =	vst.add.f32.msk $0xffff, v14  }
0xfe: {  	[tilespmem:s19+$0x4520] =	vst.add.f32.msk $0xffff, v14  }
0xff: {  	[tilespmem:s19+$0x6520] =	vst.add.f32.msk $0xffff, v14  }
0x100: {  	[tilespmem:s19+$0x530] =	vst.add.f32.msk $0xffff, v15  }
0x101: {  	[tilespmem:s19+$0x2530] =	vst.add.f32.msk $0xffff, v15  }
0x102: {  	[tilespmem:s19+$0x4530] =	vst.add.f32.msk $0xffff, v15  }
0x103: {  	[tilespmem:s19+$0x6530] =	vst.add.f32.msk $0xffff, v15  }
0x104: {  	[tilespmem:s19+$0x540] =	vst.add.f32.msk $0xffff, v16  }
0x105: {  	[tilespmem:s19+$0x2540] =	vst.add.f32.msk $0xffff, v16  }
0x106: {  	[tilespmem:s19+$0x4540] =	vst.add.f32.msk $0xffff, v16  }
0x107: {  	[tilespmem:s19+$0x6540] =	vst.add.f32.msk $0xffff, v16  }
0x108: {  	[tilespmem:s19+$0x550] =	vst.add.f32.msk $0xffff, v17  }
0x109: {  	[tilespmem:s19+$0x2550] =	vst.add.f32.msk $0xffff, v17  }
0x10a: {  	[tilespmem:s19+$0x4550] =	vst.add.f32.msk $0xffff, v17  }
0x10b: {  	[tilespmem:s19+$0x6550] =	vst.add.f32.msk $0xffff, v17  }
0x10c: {  	[tilespmem:s19+$0x560] =	vst.add.f32.msk $0xffff, v18  }
0x10d: {  	[tilespmem:s19+$0x2560] =	vst.add.f32.msk $0xffff, v18  }
0x10e: {  	[tilespmem:s19+$0x4560] =	vst.add.f32.msk $0xffff, v18  }
0x10f: {  	[tilespmem:s19+$0x6560] =	vst.add.f32.msk $0xffff, v18  }
0x110: {  	s9 =	sshll.u32 s5, $0x4;
	s15 =	rddreg [dreg:$0x5]  }
0x111: {  	s20 =	simm.s32 $0x20;
	[tilespmem:s19+$0x570] =	vst.add.f32.msk $0xffff, v3;
	s15 =	sor.u32 s15, s9;
	s9 =	simm.s32 $0x800  }
0x112: {  	s3 =	sand.u32 $0x380, s20;
	s20 =	simm.s32 $0x40;
	[tilespmem:s19+$0x2570] =	vst.add.f32.msk $0xffff, v3;
	s1 =	sand.u32 $0x1800, s9  }
.LBB2_3:
0x113: {  	p0 =	sne.s32 s20, $0x3E0;
	[tilespmem:s19+$0x4570] =	vst.add.f32.msk $0xffff, v3;
	s19 =	sor.u32 s3, s1  }
0x114: {  	v3 =	vld [tilespmem:s19+$0x10570]  }
0x115: {  	v4 =	vld [tilespmem:s19+$0x10100]  }
0x116: {  	v5 =	vld [tilespmem:s19+$0x10110]  }
0x117: {  	v6 =	vld [tilespmem:s19+$0x10120]  }
0x118: {  	v7 =	vld [tilespmem:s19+$0x10130]  }
0x119: {  	[tilespmem:s19+$0x6570] =	vst.add.f32.msk $0xffff, v3  }
0x11a: {  	v8 =	vld [tilespmem:s19+$0x10140]  }
0x11b: {  	v9 =	vld [tilespmem:s19+$0x10150]  }
0x11c: {  	v10 =	vld [tilespmem:s19+$0x10160]  }
0x11d: {  	v11 =	vld [tilespmem:s19+$0x10170]  }
0x11e: {  	v12 =	vld [tilespmem:s19+$0x10500]  }
0x11f: {  	v13 =	vld [tilespmem:s19+$0x10510]  }
0x120: {  	v14 =	vld [tilespmem:s19+$0x10520]  }
0x121: {  	v15 =	vld [tilespmem:s19+$0x10530]  }
0x122: {  	v16 =	vld [tilespmem:s19+$0x10540]  }
0x123: {  	v17 =	vld [tilespmem:s19+$0x10550]  }
0x124: {  	v18 =	vld [tilespmem:s19+$0x10560]  }
0x125: {  	[tilespmem:s19+$0x100] =	vst.add.f32.msk $0xffff, v4  }
0x126: {  	[tilespmem:s19+$0x2100] =	vst.add.f32.msk $0xffff, v4  }
0x127: {  	[tilespmem:s19+$0x4100] =	vst.add.f32.msk $0xffff, v4  }
0x128: {  	[tilespmem:s19+$0x6100] =	vst.add.f32.msk $0xffff, v4  }
0x129: {  	[tilespmem:s19+$0x110] =	vst.add.f32.msk $0xffff, v5  }
0x12a: {  	[tilespmem:s19+$0x2110] =	vst.add.f32.msk $0xffff, v5  }
0x12b: {  	[tilespmem:s19+$0x4110] =	vst.add.f32.msk $0xffff, v5  }
0x12c: {  	[tilespmem:s19+$0x6110] =	vst.add.f32.msk $0xffff, v5  }
0x12d: {  	[tilespmem:s19+$0x120] =	vst.add.f32.msk $0xffff, v6  }
0x12e: {  	[tilespmem:s19+$0x2120] =	vst.add.f32.msk $0xffff, v6  }
0x12f: {  	[tilespmem:s19+$0x4120] =	vst.add.f32.msk $0xffff, v6  }
0x130: {  	[tilespmem:s19+$0x6120] =	vst.add.f32.msk $0xffff, v6  }
0x131: {  	[tilespmem:s19+$0x130] =	vst.add.f32.msk $0xffff, v7  }
0x132: {  	[tilespmem:s19+$0x2130] =	vst.add.f32.msk $0xffff, v7  }
0x133: {  	[tilespmem:s19+$0x4130] =	vst.add.f32.msk $0xffff, v7  }
0x134: {  	[tilespmem:s19+$0x6130] =	vst.add.f32.msk $0xffff, v7  }
0x135: {  	[tilespmem:s19+$0x140] =	vst.add.f32.msk $0xffff, v8  }
0x136: {  	[tilespmem:s19+$0x2140] =	vst.add.f32.msk $0xffff, v8  }
0x137: {  	[tilespmem:s19+$0x4140] =	vst.add.f32.msk $0xffff, v8  }
0x138: {  	[tilespmem:s19+$0x6140] =	vst.add.f32.msk $0xffff, v8  }
0x139: {  	[tilespmem:s19+$0x150] =	vst.add.f32.msk $0xffff, v9  }
0x13a: {  	[tilespmem:s19+$0x2150] =	vst.add.f32.msk $0xffff, v9  }
0x13b: {  	[tilespmem:s19+$0x4150] =	vst.add.f32.msk $0xffff, v9  }
0x13c: {  	[tilespmem:s19+$0x6150] =	vst.add.f32.msk $0xffff, v9  }
0x13d: {  	[tilespmem:s19+$0x160] =	vst.add.f32.msk $0xffff, v10  }
0x13e: {  	[tilespmem:s19+$0x2160] =	vst.add.f32.msk $0xffff, v10  }
0x13f: {  	[tilespmem:s19+$0x4160] =	vst.add.f32.msk $0xffff, v10  }
0x140: {  	[tilespmem:s19+$0x6160] =	vst.add.f32.msk $0xffff, v10  }
0x141: {  	[tilespmem:s19+$0x170] =	vst.add.f32.msk $0xffff, v11  }
0x142: {  	[tilespmem:s19+$0x2170] =	vst.add.f32.msk $0xffff, v11  }
0x143: {  	[tilespmem:s19+$0x4170] =	vst.add.f32.msk $0xffff, v11  }
0x144: {  	[tilespmem:s19+$0x6170] =	vst.add.f32.msk $0xffff, v11  }
0x145: {  	[tilespmem:s19+$0x500] =	vst.add.f32.msk $0xffff, v12  }
0x146: {  	[tilespmem:s19+$0x2500] =	vst.add.f32.msk $0xffff, v12  }
0x147: {  	[tilespmem:s19+$0x4500] =	vst.add.f32.msk $0xffff, v12  }
0x148: {  	[tilespmem:s19+$0x6500] =	vst.add.f32.msk $0xffff, v12  }
0x149: {  	[tilespmem:s19+$0x510] =	vst.add.f32.msk $0xffff, v13  }
0x14a: {  	[tilespmem:s19+$0x2510] =	vst.add.f32.msk $0xffff, v13  }
0x14b: {  	[tilespmem:s19+$0x4510] =	vst.add.f32.msk $0xffff, v13  }
0x14c: {  	[tilespmem:s19+$0x6510] =	vst.add.f32.msk $0xffff, v13  }
0x14d: {  	[tilespmem:s19+$0x520] =	vst.add.f32.msk $0xffff, v14  }
0x14e: {  	[tilespmem:s19+$0x2520] =	vst.add.f32.msk $0xffff, v14  }
0x14f: {  	[tilespmem:s19+$0x4520] =	vst.add.f32.msk $0xffff, v14  }
0x150: {  	[tilespmem:s19+$0x6520] =	vst.add.f32.msk $0xffff, v14  }
0x151: {  	[tilespmem:s19+$0x530] =	vst.add.f32.msk $0xffff, v15  }
0x152: {  	[tilespmem:s19+$0x2530] =	vst.add.f32.msk $0xffff, v15  }
0x153: {  	[tilespmem:s19+$0x4530] =	vst.add.f32.msk $0xffff, v15  }
0x154: {  	[tilespmem:s19+$0x6530] =	vst.add.f32.msk $0xffff, v15  }
0x155: {  	[tilespmem:s19+$0x540] =	vst.add.f32.msk $0xffff, v16  }
0x156: {  	[tilespmem:s19+$0x2540] =	vst.add.f32.msk $0xffff, v16  }
0x157: {  	[tilespmem:s19+$0x4540] =	vst.add.f32.msk $0xffff, v16  }
0x158: {  	[tilespmem:s19+$0x6540] =	vst.add.f32.msk $0xffff, v16  }
0x159: {  	[tilespmem:s19+$0x550] =	vst.add.f32.msk $0xffff, v17  }
0x15a: {  	[tilespmem:s19+$0x2550] =	vst.add.f32.msk $0xffff, v17  }
0x15b: {  	[tilespmem:s19+$0x4550] =	vst.add.f32.msk $0xffff, v17  }
0x15c: {  	[tilespmem:s19+$0x6550] =	vst.add.f32.msk $0xffff, v17  }
0x15d: {  	[tilespmem:s19+$0x560] =	vst.add.f32.msk $0xffff, v18  }
.Ltmp2:
0x15e: {  	[tilespmem:s19+$0x2560] =	vst.add.f32.msk $0xffff, v18;
	(pc) =	sbr.rel @p0 .LBB2_3-.Ltmp2, $4  }
0x15f: {  	[tilespmem:s19+$0x4560] =	vst.add.f32.msk $0xffff, v18  }
0x160: {  	[tilespmem:s19+$0x6560] =	vst.add.f32.msk $0xffff, v18  }
0x161: {  	s9 =	sadd.s32 $0x800, s9;
	[tilespmem:s19+$0x570] =	vst.add.f32.msk $0xffff, v3  }
0x162: {  	s3 =	sand.u32 $0x380, s20;
	s20 =	sadd.s32 $0x20, s20;
	s1 =	sand.u32 $0x1800, s9;
	[tilespmem:s19+$0x2570] =	vst.add.f32.msk $0xffff, v3  }
0x163: {  	s1 =	sor.u32 s3, s1;
	[tilespmem:s19+$0x4570] =	vst.add.f32.msk $0xffff, v3  }
0x164: {  	v3 =	vld [tilespmem:s1+$0x10570]  }
0x165: {  	v4 =	vld [tilespmem:s1+$0x10100]  }
0x166: {  	v5 =	vld [tilespmem:s1+$0x10110]  }
0x167: {  	v6 =	vld [tilespmem:s1+$0x10120]  }
0x168: {  	v7 =	vld [tilespmem:s1+$0x10130]  }
0x169: {  	v8 =	vld [tilespmem:s1+$0x10140]  }
0x16a: {  	v9 =	vld [tilespmem:s1+$0x10150]  }
0x16b: {  	v10 =	vld [tilespmem:s1+$0x10160]  }
0x16c: {  	v11 =	vld [tilespmem:s1+$0x10170]  }
0x16d: {  	v12 =	vld [tilespmem:s1+$0x10500]  }
0x16e: {  	v13 =	vld [tilespmem:s1+$0x10510]  }
0x16f: {  	v14 =	vld [tilespmem:s1+$0x10520]  }
0x170: {  	v15 =	vld [tilespmem:s1+$0x10530]  }
0x171: {  	v16 =	vld [tilespmem:s1+$0x10540]  }
0x172: {  	v17 =	vld [tilespmem:s1+$0x10550]  }
0x173: {  	v18 =	vld [tilespmem:s1+$0x10560]  }
0x174: {  	[tilespmem:s1+$0x6570] =	vst.add.f32.msk $0xffff, v3  }
0x175: {  	[tilespmem:s1+$0x100] =	vst.add.f32.msk $0xffff, v4  }
0x176: {  	[tilespmem:s1+$0x2100] =	vst.add.f32.msk $0xffff, v4  }
0x177: {  	[tilespmem:s1+$0x4100] =	vst.add.f32.msk $0xffff, v4  }
0x178: {  	[tilespmem:s1+$0x6100] =	vst.add.f32.msk $0xffff, v4  }
0x179: {  	[tilespmem:s1+$0x110] =	vst.add.f32.msk $0xffff, v5  }
0x17a: {  	[tilespmem:s1+$0x2110] =	vst.add.f32.msk $0xffff, v5  }
0x17b: {  	[tilespmem:s1+$0x4110] =	vst.add.f32.msk $0xffff, v5  }
0x17c: {  	[tilespmem:s1+$0x6110] =	vst.add.f32.msk $0xffff, v5  }
0x17d: {  	[tilespmem:s1+$0x120] =	vst.add.f32.msk $0xffff, v6  }
0x17e: {  	[tilespmem:s1+$0x2120] =	vst.add.f32.msk $0xffff, v6  }
0x17f: {  	[tilespmem:s1+$0x4120] =	vst.add.f32.msk $0xffff, v6  }
0x180: {  	[tilespmem:s1+$0x6120] =	vst.add.f32.msk $0xffff, v6  }
0x181: {  	[tilespmem:s1+$0x130] =	vst.add.f32.msk $0xffff, v7  }
0x182: {  	[tilespmem:s1+$0x2130] =	vst.add.f32.msk $0xffff, v7  }
0x183: {  	[tilespmem:s1+$0x4130] =	vst.add.f32.msk $0xffff, v7  }
0x184: {  	[tilespmem:s1+$0x6130] =	vst.add.f32.msk $0xffff, v7  }
0x185: {  	[tilespmem:s1+$0x140] =	vst.add.f32.msk $0xffff, v8  }
0x186: {  	[tilespmem:s1+$0x2140] =	vst.add.f32.msk $0xffff, v8  }
0x187: {  	[tilespmem:s1+$0x4140] =	vst.add.f32.msk $0xffff, v8  }
0x188: {  	[tilespmem:s1+$0x6140] =	vst.add.f32.msk $0xffff, v8  }
0x189: {  	[tilespmem:s1+$0x150] =	vst.add.f32.msk $0xffff, v9  }
0x18a: {  	[tilespmem:s1+$0x2150] =	vst.add.f32.msk $0xffff, v9  }
0x18b: {  	[tilespmem:s1+$0x4150] =	vst.add.f32.msk $0xffff, v9  }
0x18c: {  	[tilespmem:s1+$0x6150] =	vst.add.f32.msk $0xffff, v9  }
0x18d: {  	[tilespmem:s1+$0x160] =	vst.add.f32.msk $0xffff, v10  }
0x18e: {  	[tilespmem:s1+$0x2160] =	vst.add.f32.msk $0xffff, v10  }
0x18f: {  	[tilespmem:s1+$0x4160] =	vst.add.f32.msk $0xffff, v10  }
0x190: {  	[tilespmem:s1+$0x6160] =	vst.add.f32.msk $0xffff, v10  }
0x191: {  	[tilespmem:s1+$0x170] =	vst.add.f32.msk $0xffff, v11  }
0x192: {  	[tilespmem:s1+$0x2170] =	vst.add.f32.msk $0xffff, v11  }
0x193: {  	[tilespmem:s1+$0x4170] =	vst.add.f32.msk $0xffff, v11  }
0x194: {  	[tilespmem:s1+$0x6170] =	vst.add.f32.msk $0xffff, v11  }
0x195: {  	[tilespmem:s1+$0x500] =	vst.add.f32.msk $0xffff, v12  }
0x196: {  	[tilespmem:s1+$0x2500] =	vst.add.f32.msk $0xffff, v12  }
0x197: {  	[tilespmem:s1+$0x4500] =	vst.add.f32.msk $0xffff, v12  }
0x198: {  	[tilespmem:s1+$0x6500] =	vst.add.f32.msk $0xffff, v12  }
0x199: {  	[tilespmem:s1+$0x510] =	vst.add.f32.msk $0xffff, v13  }
0x19a: {  	[tilespmem:s1+$0x2510] =	vst.add.f32.msk $0xffff, v13  }
0x19b: {  	[tilespmem:s1+$0x4510] =	vst.add.f32.msk $0xffff, v13  }
0x19c: {  	[tilespmem:s1+$0x6510] =	vst.add.f32.msk $0xffff, v13  }
0x19d: {  	[tilespmem:s1+$0x520] =	vst.add.f32.msk $0xffff, v14  }
0x19e: {  	[tilespmem:s1+$0x2520] =	vst.add.f32.msk $0xffff, v14  }
0x19f: {  	[tilespmem:s1+$0x4520] =	vst.add.f32.msk $0xffff, v14  }
0x1a0: {  	[tilespmem:s1+$0x6520] =	vst.add.f32.msk $0xffff, v14  }
0x1a1: {  	[tilespmem:s1+$0x530] =	vst.add.f32.msk $0xffff, v15  }
0x1a2: {  	[tilespmem:s1+$0x2530] =	vst.add.f32.msk $0xffff, v15  }
0x1a3: {  	[tilespmem:s1+$0x4530] =	vst.add.f32.msk $0xffff, v15  }
0x1a4: {  	[tilespmem:s1+$0x6530] =	vst.add.f32.msk $0xffff, v15  }
0x1a5: {  	[tilespmem:s1+$0x540] =	vst.add.f32.msk $0xffff, v16  }
0x1a6: {  	[tilespmem:s1+$0x2540] =	vst.add.f32.msk $0xffff, v16  }
0x1a7: {  	[tilespmem:s1+$0x4540] =	vst.add.f32.msk $0xffff, v16  }
0x1a8: {  	[tilespmem:s1+$0x6540] =	vst.add.f32.msk $0xffff, v16  }
0x1a9: {  	[tilespmem:s1+$0x550] =	vst.add.f32.msk $0xffff, v17  }
0x1aa: {  	[tilespmem:s1+$0x2550] =	vst.add.f32.msk $0xffff, v17  }
0x1ab: {  	[tilespmem:s1+$0x4550] =	vst.add.f32.msk $0xffff, v17  }
0x1ac: {  	[tilespmem:s1+$0x6550] =	vst.add.f32.msk $0xffff, v17  }
0x1ad: {  	[tilespmem:s1+$0x560] =	vst.add.f32.msk $0xffff, v18  }
0x1ae: {  	[tilespmem:s1+$0x2560] =	vst.add.f32.msk $0xffff, v18  }
0x1af: {  	[tilespmem:s1+$0x4560] =	vst.add.f32.msk $0xffff, v18  }
0x1b0: {  	[tilespmem:s1+$0x6560] =	vst.add.f32.msk $0xffff, v18  }
0x1b1: {  	[tilespmem:s1+$0x570] =	vst.add.f32.msk $0xffff, v3  }
0x1b2: {  	s19 =	sshll.u32 s15, $0x7;
	[tilespmem:s1+$0x2570] =	vst.add.f32.msk $0xffff, v3  }
0x1b3: {  	s4 =	simm.s32 $0x100;
	p0 =	seq.s32 s5, $0xF;
	s3 =	sadd.s32 s7, s19;
	[tilespmem:s1+$0x4570] =	vst.add.f32.msk $0xffff, v3  }
0x1b4: {  	[hbm4b:s3+s6] =	stream.linear.scatter [tilespmem:s4], [sflag:$0x3], $0x2000, $0x38;
	[tilespmem:$0x14100] =	vst v63  }
0x1b5: {  	s20 =	simm.s32 $0x2100;
	s9 =	sadd.s32 s19, s24;
	s1 =	sadd.s32 @!p0 $0x10, s15  }
0x1b6: {  	[hbm4b:s9+s6] =	stream.linear.scatter [tilespmem:s20], [sflag:$0x3], $0x2000, $0x38;
	[tilespmem:$0x14100] =	vst v63  }
0x1b7: {  	s3 =	sadd.s32 s19, s26;
	s4 =	simm.s32 $0x4100;
	s9 =	sadd.s32 s19, s28  }
0x1b8: {  	[hbm4b:s3+s6] =	stream.linear.scatter [tilespmem:s4], [sflag:$0x3], $0x2000, $0x38;
	[tilespmem:$0x14100] =	vst v63  }
0x1b9: {  	s20 =	simm.s32 $0x6100;
	s3 =	sshll.u32 @!p0 s1, $0x7;
	s4 =	rddreg [dreg:$0x2]  }
0x1ba: {  	[hbm4b:s9+s6] =	stream.linear.scatter [tilespmem:s20], [sflag:$0x3], $0x2000, $0x38;
	[tilespmem:$0x14100] =	vst v63  }
0x1bb: {  	s3 =	sadd.s32 @!p0 s4, s3;
	s4 =	simm.s32 @!p0 $0x0;
	s9 =	simm.s32 @!p0 $0x10100  }
0x1bc: {  	[tilespmem:s9], [sflag:$0x5] =	stream.linear.gather @!p0 [hbm4b:s3+s4], $0x2000, $0x38;
	[tilespmem:$0x14100] =	vst v63  }
0x1bd: {  	s3 =	sshll.u32 @!p0 s1, $0x2  }
0x1be: {  	s1 =	sand.u32 @!p0 $0x70, s1;
	s3 =	sand.u32 @!p0 $0x7FFFFE00, s3  }
0x1bf: {  	s1 =	sor.u32 @!p0 s1, s3  }
0x1c0: {  	s3 =	rddreg [dreg:$0x0];
	s1 =	sshrl.u32 @!p0 s1, $0x3  }
0x1c1: {  	s3 =	sadd.s32 @!p0 s3, s1  }
0x1c2: {  	[tilespmem:s4], [sflag:$0x7] =	stream.linear.gather @!p0 [hbm4b:s3+s4], $0x8, $0x38;
	[tilespmem:$0x14100] =	vst v63  }
0x1c3: {  	s9 =	simm.s32 @!p0 $0x8;
	s3 =	sadd.s32 @!p0 s1, s10  }
0x1c4: {  	[tilespmem:s9], [sflag:$0x7] =	stream.linear.gather @!p0 [hbm4b:s3+s4], $0x8, $0x38;
	[tilespmem:$0x14100] =	vst v63  }
0x1c5: {  	s3 =	sadd.s32 @!p0 s1, s12;
	s9 =	simm.s32 @!p0 $0x10  }
0x1c6: {  	[tilespmem:s9], [sflag:$0x7] =	stream.linear.gather @!p0 [hbm4b:s3+s4], $0x8, $0x38;
	[tilespmem:$0x14100] =	vst v63  }
0x1c7: {  	s1 =	sadd.s32 @!p0 s1, s13;
	s3 =	simm.s32 @!p0 $0x18  }
0x1c8: {  	[tilespmem:s3], [sflag:$0x7] =	stream.linear.gather @!p0 [hbm4b:s1+s4], $0x8, $0x38;
	[tilespmem:$0x14100] =	vst v63  }
0x1c9: {  	_ =	swait.ge [sflag:s31], $0x8000  }
0x1ca: {  	[sflag:s31] =	ssyncset.done $0x0  }
0x1cb: {  	[sflag:s31] =	ssyncadd.s32 $0xFFFF8000  }
0x1cc: {  	_ =	swait.ge [sflag:s11], $0x2000  }
0x1cd: {  	[sflag:s11] =	ssyncset.done $0x0  }
0x1ce: {  	[sflag:s11] =	ssyncadd.s32 $0xFFFFE000  }
0x1cf: {  	_ =	swait.ge [sflag:s16], $0x2000  }
0x1d0: {  	[sflag:s16] =	ssyncset.done $0x0  }
0x1d1: {  	[sflag:s16] =	ssyncadd.s32 $0xFFFFE000  }
0x1d2: {  	_ =	swait.ge [sflag:s16], $0x2000  }
0x1d3: {  	[sflag:s16] =	ssyncset.done $0x0  }
0x1d4: {  	[sflag:s16] =	ssyncadd.s32 $0xFFFFE000  }
0x1d5: {  	_ =	swait.ge [sflag:s16], $0x2000  }
.Ltmp3:
0x1d6: {  	[sflag:s16] =	ssyncset.done $0x0;
	(pc) =	sbr.rel @p0 .LBB2_6-.Ltmp3, $4  }
0x1d7: {  	[sflag:s16] =	ssyncadd.s32 $0xFFFFE000  }
0x1d8: {  	_ =	swait.ge [sflag:s16], $0x2000  }
0x1d9: {  	[sflag:s16] =	ssyncset.done $0x0  }
0x1da: {  	[sflag:s16] =	ssyncadd.s32 $0xFFFFE000  }
0x1db: {  	_ =	swait.ge [sflag:s14], $0x8  }
0x1dc: {  	[sflag:s14] =	ssyncset.done $0x0  }
0x1dd: {  	[sflag:s14] =	ssyncadd.s32 $0xFFFFFFF8  }
0x1de: {  	_ =	swait.ge [sflag:s14], $0x8  }
0x1df: {  	[sflag:s14] =	ssyncset.done $0x0  }
0x1e0: {  	[sflag:s14] =	ssyncadd.s32 $0xFFFFFFF8  }
0x1e1: {  	_ =	swait.ge [sflag:s14], $0x8  }
0x1e2: {  	[sflag:s14] =	ssyncset.done $0x0  }
0x1e3: {  	[sflag:s14] =	ssyncadd.s32 $0xFFFFFFF8  }
0x1e4: {  	_ =	swait.ge [sflag:s14], $0x8  }
0x1e5: {  	[sflag:s14] =	ssyncset.done $0x0  }
0x1e6: {  	[sflag:s14] =	ssyncadd.s32 $0xFFFFFFF8  }
0x1e7: {  	v3 =	vld [tilespmem:$0x0];
	_ =	sdelay $0x4  }
0x1e8: {  	v4 =	vshll.u32 v3, $0x3  }
0x1e9: {  	v3 =	vand.u32 $0x7, v3;
	v4 =	vand.u32 $0xFFFFFFC0, v4  }
0x1ea: {  	v3 =	vor.u32 v3, v4  }
0x1eb: {  	v4 =	vperm.xlane v3, v0;
	_ =	sdelay $0x1  }
0x1ec: {  	v4 =	vadd.s32 v1, v4;
	_ =	sdelay $0x3  }
0x1ed: {  	s1 =	simm.s32 $0x100  }
0x1ee: {  	[tilespmem:s1], [sflag:$0x1] =	stream.indirect_vreg.gather [hbm4b:s2+s6], $0x80, v4, vm0, $0xb8;
	[tilespmem:$0x14100] =	vst v63  }
0x1ef: {  	s4 =	simm.s32 $0x900;
	v3 =	vperm.xlane v3, v2  }
0x1f0: {  	[tilespmem:s4], [sflag:$0x1] =	stream.indirect_vreg.gather [hbm4b:s21+s6], $0x80, v4, vm0, $0xb8;
	[tilespmem:$0x14100] =	vst v63  }
0x1f1: {  	s9 =	simm.s32 $0x1100;
	v3 =	vadd.s32 v1, v3  }
0x1f2: {  	[tilespmem:s9], [sflag:$0x1] =	stream.indirect_vreg.gather [hbm4b:s22+s6], $0x80, v4, vm0, $0xb8;
	[tilespmem:$0x14100] =	vst v63  }
0x1f3: {  	s20 =	simm.s32 $0x1900  }
0x1f4: {  	[tilespmem:s20], [sflag:$0x1] =	stream.indirect_vreg.gather [hbm4b:s23+s6], $0x80, v4, vm0, $0xb8;
	[tilespmem:$0x14100] =	vst v63  }
0x1f5: {  	s3 =	simm.s32 $0x2100  }
0x1f6: {  	[tilespmem:s3], [sflag:$0x1] =	stream.indirect_vreg.gather [hbm4b:s2+s6], $0x80, v3, vm0, $0xb8;
	[tilespmem:$0x14100] =	vst v63  }
0x1f7: {  	s4 =	simm.s32 $0x2900  }
0x1f8: {  	[tilespmem:s4], [sflag:$0x1] =	stream.indirect_vreg.gather [hbm4b:s21+s6], $0x80, v3, vm0, $0xb8;
	[tilespmem:$0x14100] =	vst v63  }
0x1f9: {  	s9 =	simm.s32 $0x3100  }
0x1fa: {  	[tilespmem:s9], [sflag:$0x1] =	stream.indirect_vreg.gather [hbm4b:s22+s6], $0x80, v3, vm0, $0xb8;
	[tilespmem:$0x14100] =	vst v63  }
0x1fb: {  	s20 =	simm.s32 $0x3900  }
0x1fc: {  	[tilespmem:s20], [sflag:$0x1] =	stream.indirect_vreg.gather [hbm4b:s23+s6], $0x80, v3, vm0, $0xb8;
	[tilespmem:$0x14100] =	vst v63  }
0x1fd: {  	v3 =	vld [tilespmem:$0x10];
	_ =	sdelay $0x4  }
0x1fe: {  	v63 =	vshll.u32 v3, $0x3  }
0x1ff: {  	v3 =	vand.u32 $0x7, v3;
	v4 =	vand.u32 $0xFFFFFFC0, v63  }
0x200: {  	v3 =	vor.u32 v3, v4  }
0x201: {  	v4 =	vperm.xlane v3, v0;
	_ =	sdelay $0x1  }
0x202: {  	v4 =	vadd.s32 v1, v4;
	_ =	sdelay $0x3  }
0x203: {  	s3 =	simm.s32 $0x4100  }
0x204: {  	[tilespmem:s3], [sflag:$0x1] =	stream.indirect_vreg.gather [hbm4b:s2+s6], $0x80, v4, vm0, $0xb8;
	[tilespmem:$0x14100] =	vst v63  }
0x205: {  	s4 =	simm.s32 $0x4900;
	v3 =	vperm.xlane v3, v2  }
0x206: {  	[tilespmem:s4], [sflag:$0x1] =	stream.indirect_vreg.gather [hbm4b:s21+s6], $0x80, v4, vm0, $0xb8;
	[tilespmem:$0x14100] =	vst v63  }
0x207: {  	s9 =	simm.s32 $0x5100;
	v3 =	vadd.s32 v1, v3  }
0x208: {  	[tilespmem:s9], [sflag:$0x1] =	stream.indirect_vreg.gather [hbm4b:s22+s6], $0x80, v4, vm0, $0xb8;
	[tilespmem:$0x14100] =	vst v63  }
0x209: {  	s20 =	simm.s32 $0x5900  }
0x20a: {  	[tilespmem:s20], [sflag:$0x1] =	stream.indirect_vreg.gather [hbm4b:s23+s6], $0x80, v4, vm0, $0xb8;
	[tilespmem:$0x14100] =	vst v63  }
0x20b: {  	s3 =	simm.s32 $0x6100  }
0x20c: {  	[tilespmem:s3], [sflag:$0x1] =	stream.indirect_vreg.gather [hbm4b:s2+s6], $0x80, v3, vm0, $0xb8;
	[tilespmem:$0x14100] =	vst v63  }
0x20d: {  	s4 =	simm.s32 $0x6900  }
0x20e: {  	[tilespmem:s4], [sflag:$0x1] =	stream.indirect_vreg.gather [hbm4b:s21+s6], $0x80, v3, vm0, $0xb8;
	[tilespmem:$0x14100] =	vst v63  }
0x20f: {  	s9 =	simm.s32 $0x7100  }
0x210: {  	[tilespmem:s9], [sflag:$0x1] =	stream.indirect_vreg.gather [hbm4b:s22+s6], $0x80, v3, vm0, $0xb8;
	[tilespmem:$0x14100] =	vst v63  }
0x211: {  	s20 =	simm.s32 $0x7900  }
0x212: {  	[tilespmem:s20], [sflag:$0x1] =	stream.indirect_vreg.gather [hbm4b:s23+s6], $0x80, v3, vm0, $0xb8;
	[tilespmem:$0x14100] =	vst v63  }
.LBB2_6:
0x213: {  	s1 =	simm.s32 $0x0  }
0x214: {  	s3 =	sand.u32 $0x1800, s1;
	s1 =	sand.u32 $0x380, s1  }
0x215: {  	s9 =	sor.u32 s1, s3  }
0x216: {  	v3 =	vld [tilespmem:s9+$0x12570]  }
0x217: {  	v4 =	vld [tilespmem:s9+$0x12100]  }
0x218: {  	v5 =	vld [tilespmem:s9+$0x12110]  }
0x219: {  	v6 =	vld [tilespmem:s9+$0x12120]  }
0x21a: {  	v7 =	vld [tilespmem:s9+$0x12130]  }
0x21b: {  	v8 =	vld [tilespmem:s9+$0x12140]  }
0x21c: {  	v9 =	vld [tilespmem:s9+$0x12150]  }
0x21d: {  	v10 =	vld [tilespmem:s9+$0x12160]  }
0x21e: {  	v11 =	vld [tilespmem:s9+$0x12170]  }
0x21f: {  	v12 =	vld [tilespmem:s9+$0x12500]  }
0x220: {  	v13 =	vld [tilespmem:s9+$0x12510]  }
0x221: {  	v14 =	vld [tilespmem:s9+$0x12520]  }
0x222: {  	v15 =	vld [tilespmem:s9+$0x12530]  }
0x223: {  	v16 =	vld [tilespmem:s9+$0x12540]  }
0x224: {  	v17 =	vld [tilespmem:s9+$0x12550]  }
0x225: {  	v18 =	vld [tilespmem:s9+$0x12560]  }
0x226: {  	[tilespmem:s9+$0xE570] =	vst.add.f32.msk $0xffff, v3  }
0x227: {  	[tilespmem:s9+$0x8100] =	vst.add.f32.msk $0xffff, v4  }
0x228: {  	[tilespmem:s9+$0xA100] =	vst.add.f32.msk $0xffff, v4  }
0x229: {  	[tilespmem:s9+$0xC100] =	vst.add.f32.msk $0xffff, v4  }
0x22a: {  	[tilespmem:s9+$0xE100] =	vst.add.f32.msk $0xffff, v4  }
0x22b: {  	[tilespmem:s9+$0x8110] =	vst.add.f32.msk $0xffff, v5  }
0x22c: {  	[tilespmem:s9+$0xA110] =	vst.add.f32.msk $0xffff, v5  }
0x22d: {  	[tilespmem:s9+$0xC110] =	vst.add.f32.msk $0xffff, v5  }
0x22e: {  	[tilespmem:s9+$0xE110] =	vst.add.f32.msk $0xffff, v5  }
0x22f: {  	[tilespmem:s9+$0x8120] =	vst.add.f32.msk $0xffff, v6  }
0x230: {  	[tilespmem:s9+$0xA120] =	vst.add.f32.msk $0xffff, v6  }
0x231: {  	[tilespmem:s9+$0xC120] =	vst.add.f32.msk $0xffff, v6  }
0x232: {  	[tilespmem:s9+$0xE120] =	vst.add.f32.msk $0xffff, v6  }
0x233: {  	[tilespmem:s9+$0x8130] =	vst.add.f32.msk $0xffff, v7  }
0x234: {  	[tilespmem:s9+$0xA130] =	vst.add.f32.msk $0xffff, v7  }
0x235: {  	[tilespmem:s9+$0xC130] =	vst.add.f32.msk $0xffff, v7  }
0x236: {  	[tilespmem:s9+$0xE130] =	vst.add.f32.msk $0xffff, v7  }
0x237: {  	[tilespmem:s9+$0x8140] =	vst.add.f32.msk $0xffff, v8  }
0x238: {  	[tilespmem:s9+$0xA140] =	vst.add.f32.msk $0xffff, v8  }
0x239: {  	[tilespmem:s9+$0xC140] =	vst.add.f32.msk $0xffff, v8  }
0x23a: {  	[tilespmem:s9+$0xE140] =	vst.add.f32.msk $0xffff, v8  }
0x23b: {  	[tilespmem:s9+$0x8150] =	vst.add.f32.msk $0xffff, v9  }
0x23c: {  	[tilespmem:s9+$0xA150] =	vst.add.f32.msk $0xffff, v9  }
0x23d: {  	[tilespmem:s9+$0xC150] =	vst.add.f32.msk $0xffff, v9  }
0x23e: {  	[tilespmem:s9+$0xE150] =	vst.add.f32.msk $0xffff, v9  }
0x23f: {  	[tilespmem:s9+$0x8160] =	vst.add.f32.msk $0xffff, v10  }
0x240: {  	[tilespmem:s9+$0xA160] =	vst.add.f32.msk $0xffff, v10  }
0x241: {  	[tilespmem:s9+$0xC160] =	vst.add.f32.msk $0xffff, v10  }
0x242: {  	[tilespmem:s9+$0xE160] =	vst.add.f32.msk $0xffff, v10  }
0x243: {  	[tilespmem:s9+$0x8170] =	vst.add.f32.msk $0xffff, v11  }
0x244: {  	[tilespmem:s9+$0xA170] =	vst.add.f32.msk $0xffff, v11  }
0x245: {  	[tilespmem:s9+$0xC170] =	vst.add.f32.msk $0xffff, v11  }
0x246: {  	[tilespmem:s9+$0xE170] =	vst.add.f32.msk $0xffff, v11  }
0x247: {  	[tilespmem:s9+$0x8500] =	vst.add.f32.msk $0xffff, v12  }
0x248: {  	[tilespmem:s9+$0xA500] =	vst.add.f32.msk $0xffff, v12  }
0x249: {  	[tilespmem:s9+$0xC500] =	vst.add.f32.msk $0xffff, v12  }
0x24a: {  	[tilespmem:s9+$0xE500] =	vst.add.f32.msk $0xffff, v12  }
0x24b: {  	[tilespmem:s9+$0x8510] =	vst.add.f32.msk $0xffff, v13  }
0x24c: {  	[tilespmem:s9+$0xA510] =	vst.add.f32.msk $0xffff, v13  }
0x24d: {  	[tilespmem:s9+$0xC510] =	vst.add.f32.msk $0xffff, v13  }
0x24e: {  	[tilespmem:s9+$0xE510] =	vst.add.f32.msk $0xffff, v13  }
0x24f: {  	[tilespmem:s9+$0x8520] =	vst.add.f32.msk $0xffff, v14  }
0x250: {  	[tilespmem:s9+$0xA520] =	vst.add.f32.msk $0xffff, v14  }
0x251: {  	[tilespmem:s9+$0xC520] =	vst.add.f32.msk $0xffff, v14  }
0x252: {  	[tilespmem:s9+$0xE520] =	vst.add.f32.msk $0xffff, v14  }
0x253: {  	[tilespmem:s9+$0x8530] =	vst.add.f32.msk $0xffff, v15  }
0x254: {  	[tilespmem:s9+$0xA530] =	vst.add.f32.msk $0xffff, v15  }
0x255: {  	[tilespmem:s9+$0xC530] =	vst.add.f32.msk $0xffff, v15  }
0x256: {  	[tilespmem:s9+$0xE530] =	vst.add.f32.msk $0xffff, v15  }
0x257: {  	[tilespmem:s9+$0x8540] =	vst.add.f32.msk $0xffff, v16  }
0x258: {  	[tilespmem:s9+$0xA540] =	vst.add.f32.msk $0xffff, v16  }
0x259: {  	[tilespmem:s9+$0xC540] =	vst.add.f32.msk $0xffff, v16  }
0x25a: {  	[tilespmem:s9+$0xE540] =	vst.add.f32.msk $0xffff, v16  }
0x25b: {  	[tilespmem:s9+$0x8550] =	vst.add.f32.msk $0xffff, v17  }
0x25c: {  	[tilespmem:s9+$0xA550] =	vst.add.f32.msk $0xffff, v17  }
0x25d: {  	[tilespmem:s9+$0xC550] =	vst.add.f32.msk $0xffff, v17  }
0x25e: {  	[tilespmem:s9+$0xE550] =	vst.add.f32.msk $0xffff, v17  }
0x25f: {  	[tilespmem:s9+$0x8560] =	vst.add.f32.msk $0xffff, v18  }
0x260: {  	[tilespmem:s9+$0xA560] =	vst.add.f32.msk $0xffff, v18  }
0x261: {  	[tilespmem:s9+$0xC560] =	vst.add.f32.msk $0xffff, v18  }
0x262: {  	[tilespmem:s9+$0xE560] =	vst.add.f32.msk $0xffff, v18  }
0x263: {  	s4 =	simm.s32 $0x20;
	s20 =	simm.s32 $0x800;
	[tilespmem:s9+$0x8570] =	vst.add.f32.msk $0xffff, v3  }
0x264: {  	s4 =	sand.u32 $0x380, s4;
	s3 =	sand.u32 $0x1800, s20;
	s1 =	simm.s32 $0x40;
	[tilespmem:s9+$0xA570] =	vst.add.f32.msk $0xffff, v3  }
.LBB2_7:
0x265: {  	p1 =	sne.s32 s1, $0x3E0;
	[tilespmem:s9+$0xC570] =	vst.add.f32.msk $0xffff, v3;
	s9 =	sor.u32 s4, s3  }
0x266: {  	v3 =	vld [tilespmem:s9+$0x12570]  }
0x267: {  	v4 =	vld [tilespmem:s9+$0x12100]  }
0x268: {  	v5 =	vld [tilespmem:s9+$0x12110]  }
0x269: {  	v6 =	vld [tilespmem:s9+$0x12120]  }
0x26a: {  	v7 =	vld [tilespmem:s9+$0x12130]  }
0x26b: {  	[tilespmem:s9+$0xE570] =	vst.add.f32.msk $0xffff, v3  }
0x26c: {  	v8 =	vld [tilespmem:s9+$0x12140]  }
0x26d: {  	v9 =	vld [tilespmem:s9+$0x12150]  }
0x26e: {  	v10 =	vld [tilespmem:s9+$0x12160]  }
0x26f: {  	v11 =	vld [tilespmem:s9+$0x12170]  }
0x270: {  	v12 =	vld [tilespmem:s9+$0x12500]  }
0x271: {  	v13 =	vld [tilespmem:s9+$0x12510]  }
0x272: {  	v14 =	vld [tilespmem:s9+$0x12520]  }
0x273: {  	v15 =	vld [tilespmem:s9+$0x12530]  }
0x274: {  	v16 =	vld [tilespmem:s9+$0x12540]  }
0x275: {  	v17 =	vld [tilespmem:s9+$0x12550]  }
0x276: {  	v18 =	vld [tilespmem:s9+$0x12560]  }
0x277: {  	[tilespmem:s9+$0x8100] =	vst.add.f32.msk $0xffff, v4  }
0x278: {  	[tilespmem:s9+$0xA100] =	vst.add.f32.msk $0xffff, v4  }
0x279: {  	[tilespmem:s9+$0xC100] =	vst.add.f32.msk $0xffff, v4  }
0x27a: {  	[tilespmem:s9+$0xE100] =	vst.add.f32.msk $0xffff, v4  }
0x27b: {  	[tilespmem:s9+$0x8110] =	vst.add.f32.msk $0xffff, v5  }
0x27c: {  	[tilespmem:s9+$0xA110] =	vst.add.f32.msk $0xffff, v5  }
0x27d: {  	[tilespmem:s9+$0xC110] =	vst.add.f32.msk $0xffff, v5  }
0x27e: {  	[tilespmem:s9+$0xE110] =	vst.add.f32.msk $0xffff, v5  }
0x27f: {  	[tilespmem:s9+$0x8120] =	vst.add.f32.msk $0xffff, v6  }
0x280: {  	[tilespmem:s9+$0xA120] =	vst.add.f32.msk $0xffff, v6  }
0x281: {  	[tilespmem:s9+$0xC120] =	vst.add.f32.msk $0xffff, v6  }
0x282: {  	[tilespmem:s9+$0xE120] =	vst.add.f32.msk $0xffff, v6  }
0x283: {  	[tilespmem:s9+$0x8130] =	vst.add.f32.msk $0xffff, v7  }
0x284: {  	[tilespmem:s9+$0xA130] =	vst.add.f32.msk $0xffff, v7  }
0x285: {  	[tilespmem:s9+$0xC130] =	vst.add.f32.msk $0xffff, v7  }
0x286: {  	[tilespmem:s9+$0xE130] =	vst.add.f32.msk $0xffff, v7  }
0x287: {  	[tilespmem:s9+$0x8140] =	vst.add.f32.msk $0xffff, v8  }
0x288: {  	[tilespmem:s9+$0xA140] =	vst.add.f32.msk $0xffff, v8  }
0x289: {  	[tilespmem:s9+$0xC140] =	vst.add.f32.msk $0xffff, v8  }
0x28a: {  	[tilespmem:s9+$0xE140] =	vst.add.f32.msk $0xffff, v8  }
0x28b: {  	[tilespmem:s9+$0x8150] =	vst.add.f32.msk $0xffff, v9  }
0x28c: {  	[tilespmem:s9+$0xA150] =	vst.add.f32.msk $0xffff, v9  }
0x28d: {  	[tilespmem:s9+$0xC150] =	vst.add.f32.msk $0xffff, v9  }
0x28e: {  	[tilespmem:s9+$0xE150] =	vst.add.f32.msk $0xffff, v9  }
0x28f: {  	[tilespmem:s9+$0x8160] =	vst.add.f32.msk $0xffff, v10  }
0x290: {  	[tilespmem:s9+$0xA160] =	vst.add.f32.msk $0xffff, v10  }
0x291: {  	[tilespmem:s9+$0xC160] =	vst.add.f32.msk $0xffff, v10  }
0x292: {  	[tilespmem:s9+$0xE160] =	vst.add.f32.msk $0xffff, v10  }
0x293: {  	[tilespmem:s9+$0x8170] =	vst.add.f32.msk $0xffff, v11  }
0x294: {  	[tilespmem:s9+$0xA170] =	vst.add.f32.msk $0xffff, v11  }
0x295: {  	[tilespmem:s9+$0xC170] =	vst.add.f32.msk $0xffff, v11  }
0x296: {  	[tilespmem:s9+$0xE170] =	vst.add.f32.msk $0xffff, v11  }
0x297: {  	[tilespmem:s9+$0x8500] =	vst.add.f32.msk $0xffff, v12  }
0x298: {  	[tilespmem:s9+$0xA500] =	vst.add.f32.msk $0xffff, v12  }
0x299: {  	[tilespmem:s9+$0xC500] =	vst.add.f32.msk $0xffff, v12  }
0x29a: {  	[tilespmem:s9+$0xE500] =	vst.add.f32.msk $0xffff, v12  }
0x29b: {  	[tilespmem:s9+$0x8510] =	vst.add.f32.msk $0xffff, v13  }
0x29c: {  	[tilespmem:s9+$0xA510] =	vst.add.f32.msk $0xffff, v13  }
0x29d: {  	[tilespmem:s9+$0xC510] =	vst.add.f32.msk $0xffff, v13  }
0x29e: {  	[tilespmem:s9+$0xE510] =	vst.add.f32.msk $0xffff, v13  }
0x29f: {  	[tilespmem:s9+$0x8520] =	vst.add.f32.msk $0xffff, v14  }
0x2a0: {  	[tilespmem:s9+$0xA520] =	vst.add.f32.msk $0xffff, v14  }
0x2a1: {  	[tilespmem:s9+$0xC520] =	vst.add.f32.msk $0xffff, v14  }
0x2a2: {  	[tilespmem:s9+$0xE520] =	vst.add.f32.msk $0xffff, v14  }
0x2a3: {  	[tilespmem:s9+$0x8530] =	vst.add.f32.msk $0xffff, v15  }
0x2a4: {  	[tilespmem:s9+$0xA530] =	vst.add.f32.msk $0xffff, v15  }
0x2a5: {  	[tilespmem:s9+$0xC530] =	vst.add.f32.msk $0xffff, v15  }
0x2a6: {  	[tilespmem:s9+$0xE530] =	vst.add.f32.msk $0xffff, v15  }
0x2a7: {  	[tilespmem:s9+$0x8540] =	vst.add.f32.msk $0xffff, v16  }
0x2a8: {  	[tilespmem:s9+$0xA540] =	vst.add.f32.msk $0xffff, v16  }
0x2a9: {  	[tilespmem:s9+$0xC540] =	vst.add.f32.msk $0xffff, v16  }
0x2aa: {  	[tilespmem:s9+$0xE540] =	vst.add.f32.msk $0xffff, v16  }
0x2ab: {  	[tilespmem:s9+$0x8550] =	vst.add.f32.msk $0xffff, v17  }
0x2ac: {  	[tilespmem:s9+$0xA550] =	vst.add.f32.msk $0xffff, v17  }
0x2ad: {  	[tilespmem:s9+$0xC550] =	vst.add.f32.msk $0xffff, v17  }
0x2ae: {  	[tilespmem:s9+$0xE550] =	vst.add.f32.msk $0xffff, v17  }
0x2af: {  	[tilespmem:s9+$0x8560] =	vst.add.f32.msk $0xffff, v18  }
.Ltmp4:
0x2b0: {  	[tilespmem:s9+$0xA560] =	vst.add.f32.msk $0xffff, v18;
	(pc) =	sbr.rel @p1 .LBB2_7-.Ltmp4, $4  }
0x2b1: {  	[tilespmem:s9+$0xC560] =	vst.add.f32.msk $0xffff, v18  }
0x2b2: {  	[tilespmem:s9+$0xE560] =	vst.add.f32.msk $0xffff, v18  }
0x2b3: {  	s20 =	sadd.s32 $0x800, s20;
	[tilespmem:s9+$0x8570] =	vst.add.f32.msk $0xffff, v3  }
0x2b4: {  	s4 =	sand.u32 $0x380, s1;
	s1 =	sadd.s32 $0x20, s1;
	s3 =	sand.u32 $0x1800, s20;
	[tilespmem:s9+$0xA570] =	vst.add.f32.msk $0xffff, v3  }
0x2b5: {  	s1 =	sor.u32 s4, s3;
	[tilespmem:s9+$0xC570] =	vst.add.f32.msk $0xffff, v3  }
0x2b6: {  	v3 =	vld [tilespmem:s1+$0x12570]  }
0x2b7: {  	v4 =	vld [tilespmem:s1+$0x12100]  }
0x2b8: {  	v5 =	vld [tilespmem:s1+$0x12110]  }
0x2b9: {  	v6 =	vld [tilespmem:s1+$0x12120]  }
0x2ba: {  	v7 =	vld [tilespmem:s1+$0x12130]  }
0x2bb: {  	v8 =	vld [tilespmem:s1+$0x12140]  }
0x2bc: {  	v9 =	vld [tilespmem:s1+$0x12150]  }
0x2bd: {  	v10 =	vld [tilespmem:s1+$0x12160]  }
0x2be: {  	v11 =	vld [tilespmem:s1+$0x12170]  }
0x2bf: {  	v12 =	vld [tilespmem:s1+$0x12500]  }
0x2c0: {  	v13 =	vld [tilespmem:s1+$0x12510]  }
0x2c1: {  	v14 =	vld [tilespmem:s1+$0x12520]  }
0x2c2: {  	v15 =	vld [tilespmem:s1+$0x12530]  }
0x2c3: {  	v16 =	vld [tilespmem:s1+$0x12540]  }
0x2c4: {  	v17 =	vld [tilespmem:s1+$0x12550]  }
0x2c5: {  	v18 =	vld [tilespmem:s1+$0x12560]  }
0x2c6: {  	[tilespmem:s1+$0xE570] =	vst.add.f32.msk $0xffff, v3  }
0x2c7: {  	[tilespmem:s1+$0x8100] =	vst.add.f32.msk $0xffff, v4  }
0x2c8: {  	[tilespmem:s1+$0xA100] =	vst.add.f32.msk $0xffff, v4  }
0x2c9: {  	[tilespmem:s1+$0xC100] =	vst.add.f32.msk $0xffff, v4  }
0x2ca: {  	[tilespmem:s1+$0xE100] =	vst.add.f32.msk $0xffff, v4  }
0x2cb: {  	[tilespmem:s1+$0x8110] =	vst.add.f32.msk $0xffff, v5  }
0x2cc: {  	[tilespmem:s1+$0xA110] =	vst.add.f32.msk $0xffff, v5  }
0x2cd: {  	[tilespmem:s1+$0xC110] =	vst.add.f32.msk $0xffff, v5  }
0x2ce: {  	[tilespmem:s1+$0xE110] =	vst.add.f32.msk $0xffff, v5  }
0x2cf: {  	[tilespmem:s1+$0x8120] =	vst.add.f32.msk $0xffff, v6  }
0x2d0: {  	[tilespmem:s1+$0xA120] =	vst.add.f32.msk $0xffff, v6  }
0x2d1: {  	[tilespmem:s1+$0xC120] =	vst.add.f32.msk $0xffff, v6  }
0x2d2: {  	[tilespmem:s1+$0xE120] =	vst.add.f32.msk $0xffff, v6  }
0x2d3: {  	[tilespmem:s1+$0x8130] =	vst.add.f32.msk $0xffff, v7  }
0x2d4: {  	[tilespmem:s1+$0xA130] =	vst.add.f32.msk $0xffff, v7  }
0x2d5: {  	[tilespmem:s1+$0xC130] =	vst.add.f32.msk $0xffff, v7  }
0x2d6: {  	[tilespmem:s1+$0xE130] =	vst.add.f32.msk $0xffff, v7  }
0x2d7: {  	[tilespmem:s1+$0x8140] =	vst.add.f32.msk $0xffff, v8  }
0x2d8: {  	[tilespmem:s1+$0xA140] =	vst.add.f32.msk $0xffff, v8  }
0x2d9: {  	[tilespmem:s1+$0xC140] =	vst.add.f32.msk $0xffff, v8  }
0x2da: {  	[tilespmem:s1+$0xE140] =	vst.add.f32.msk $0xffff, v8  }
0x2db: {  	[tilespmem:s1+$0x8150] =	vst.add.f32.msk $0xffff, v9  }
0x2dc: {  	[tilespmem:s1+$0xA150] =	vst.add.f32.msk $0xffff, v9  }
0x2dd: {  	[tilespmem:s1+$0xC150] =	vst.add.f32.msk $0xffff, v9  }
0x2de: {  	[tilespmem:s1+$0xE150] =	vst.add.f32.msk $0xffff, v9  }
0x2df: {  	[tilespmem:s1+$0x8160] =	vst.add.f32.msk $0xffff, v10  }
0x2e0: {  	[tilespmem:s1+$0xA160] =	vst.add.f32.msk $0xffff, v10  }
0x2e1: {  	[tilespmem:s1+$0xC160] =	vst.add.f32.msk $0xffff, v10  }
0x2e2: {  	[tilespmem:s1+$0xE160] =	vst.add.f32.msk $0xffff, v10  }
0x2e3: {  	[tilespmem:s1+$0x8170] =	vst.add.f32.msk $0xffff, v11  }
0x2e4: {  	[tilespmem:s1+$0xA170] =	vst.add.f32.msk $0xffff, v11  }
0x2e5: {  	[tilespmem:s1+$0xC170] =	vst.add.f32.msk $0xffff, v11  }
0x2e6: {  	[tilespmem:s1+$0xE170] =	vst.add.f32.msk $0xffff, v11  }
0x2e7: {  	[tilespmem:s1+$0x8500] =	vst.add.f32.msk $0xffff, v12  }
0x2e8: {  	[tilespmem:s1+$0xA500] =	vst.add.f32.msk $0xffff, v12  }
0x2e9: {  	[tilespmem:s1+$0xC500] =	vst.add.f32.msk $0xffff, v12  }
0x2ea: {  	[tilespmem:s1+$0xE500] =	vst.add.f32.msk $0xffff, v12  }
0x2eb: {  	[tilespmem:s1+$0x8510] =	vst.add.f32.msk $0xffff, v13  }
0x2ec: {  	[tilespmem:s1+$0xA510] =	vst.add.f32.msk $0xffff, v13  }
0x2ed: {  	[tilespmem:s1+$0xC510] =	vst.add.f32.msk $0xffff, v13  }
0x2ee: {  	[tilespmem:s1+$0xE510] =	vst.add.f32.msk $0xffff, v13  }
0x2ef: {  	[tilespmem:s1+$0x8520] =	vst.add.f32.msk $0xffff, v14  }
0x2f0: {  	[tilespmem:s1+$0xA520] =	vst.add.f32.msk $0xffff, v14  }
0x2f1: {  	[tilespmem:s1+$0xC520] =	vst.add.f32.msk $0xffff, v14  }
0x2f2: {  	[tilespmem:s1+$0xE520] =	vst.add.f32.msk $0xffff, v14  }
0x2f3: {  	[tilespmem:s1+$0x8530] =	vst.add.f32.msk $0xffff, v15  }
0x2f4: {  	[tilespmem:s1+$0xA530] =	vst.add.f32.msk $0xffff, v15  }
0x2f5: {  	[tilespmem:s1+$0xC530] =	vst.add.f32.msk $0xffff, v15  }
0x2f6: {  	[tilespmem:s1+$0xE530] =	vst.add.f32.msk $0xffff, v15  }
0x2f7: {  	[tilespmem:s1+$0x8540] =	vst.add.f32.msk $0xffff, v16  }
0x2f8: {  	[tilespmem:s1+$0xA540] =	vst.add.f32.msk $0xffff, v16  }
0x2f9: {  	[tilespmem:s1+$0xC540] =	vst.add.f32.msk $0xffff, v16  }
0x2fa: {  	[tilespmem:s1+$0xE540] =	vst.add.f32.msk $0xffff, v16  }
0x2fb: {  	[tilespmem:s1+$0x8550] =	vst.add.f32.msk $0xffff, v17  }
0x2fc: {  	[tilespmem:s1+$0xA550] =	vst.add.f32.msk $0xffff, v17  }
0x2fd: {  	[tilespmem:s1+$0xC550] =	vst.add.f32.msk $0xffff, v17  }
0x2fe: {  	[tilespmem:s1+$0xE550] =	vst.add.f32.msk $0xffff, v17  }
0x2ff: {  	[tilespmem:s1+$0x8560] =	vst.add.f32.msk $0xffff, v18  }
0x300: {  	[tilespmem:s1+$0xA560] =	vst.add.f32.msk $0xffff, v18  }
0x301: {  	[tilespmem:s1+$0xC560] =	vst.add.f32.msk $0xffff, v18  }
0x302: {  	[tilespmem:s1+$0xE560] =	vst.add.f32.msk $0xffff, v18  }
0x303: {  	[tilespmem:s1+$0x8570] =	vst.add.f32.msk $0xffff, v3  }
0x304: {  	s20 =	sor.u32 $0x400, s19;
	[tilespmem:s1+$0xA570] =	vst.add.f32.msk $0xffff, v3  }
0x305: {  	s4 =	sadd.s32 s7, s20;
	[tilespmem:s1+$0xC570] =	vst.add.f32.msk $0xffff, v3  }
0x306: {  	[hbm4b:s4+s6] =	stream.linear.scatter [tilespmem:s25], [sflag:$0x4], $0x2000, $0x38;
	[tilespmem:$0x14100] =	vst v63  }
0x307: {  	s9 =	sadd.s32 s20, s24  }
0x308: {  	[hbm4b:s9+s6] =	stream.linear.scatter [tilespmem:s29], [sflag:$0x4], $0x2000, $0x38;
	[tilespmem:$0x14100] =	vst v63  }
.Ltmp5:
0x309: {  	_ = 	snop;
	(pc) =	sbr.rel @p0 .LBB2_10-.Ltmp5, $4  }
0x30a: {  	s19 =	sadd.s32 s20, s26  }
0x30b: {  	[hbm4b:s19+s6] =	stream.linear.scatter [tilespmem:s8], [sflag:$0x4], $0x2000, $0x38;
	[tilespmem:$0x14100] =	vst v63  }
0x30c: {  	s20 =	sadd.s32 s20, s28  }
0x30d: {  	[hbm4b:s20+s6] =	stream.linear.scatter [tilespmem:s0], [sflag:$0x4], $0x2000, $0x38;
	[tilespmem:$0x14100] =	vst v63  }
0x30e: {  	s1 =	sadd.s32 $0x18, s15  }
0x30f: {  	s4 =	rddreg [dreg:$0x2];
	s3 =	sshll.u32 s1, $0x7  }
0x310: {  	s9 =	simm.s32 $0x12100;
	s15 =	sshll.u32 s1, $0x2;
	s3 =	sadd.s32 s4, s3  }
0x311: {  	[tilespmem:s9], [sflag:$0x6] =	stream.linear.gather [hbm4b:s3+s6], $0x2000, $0x38;
	[tilespmem:$0x14100] =	vst v63  }
0x312: {  	s1 =	sand.u32 $0x78, s1;
	s3 =	sand.u32 $0x7FFFFE00, s15  }
0x313: {  	s1 =	sor.u32 s1, s3  }
0x314: {  	s19 =	rddreg [dreg:$0x0];
	s1 =	sshrl.u32 s1, $0x3  }
0x315: {  	s20 =	simm.s32 $0x80;
	s3 =	sadd.s32 s19, s1  }
0x316: {  	[tilespmem:s20], [sflag:$0x8] =	stream.linear.gather [hbm4b:s3+s6], $0x8, $0x38;
	[tilespmem:$0x14100] =	vst v63  }
0x317: {  	s9 =	simm.s32 $0x88;
	s4 =	sadd.s32 s1, s10  }
0x318: {  	[tilespmem:s9], [sflag:$0x8] =	stream.linear.gather [hbm4b:s4+s6], $0x8, $0x38;
	[tilespmem:$0x14100] =	vst v63  }
.Ltmp6:
0x319: {  	_ = 	snop;
	(pc) =	sbr.rel .LBB2_2-.Ltmp6, $4  }
0x31a: {  	s15 =	sadd.s32 s1, s12;
	s19 =	simm.s32 $0x90  }
0x31b: {  	[tilespmem:s19], [sflag:$0x8] =	stream.linear.gather [hbm4b:s15+s6], $0x8, $0x38;
	[tilespmem:$0x14100] =	vst v63  }
0x31c: {  	s5 =	sadd.s32 $0x1, s5;
	s1 =	sadd.s32 s1, s13;
	s20 =	simm.s32 $0x98  }
0x31d: {  	[tilespmem:s20], [sflag:$0x8] =	stream.linear.gather [hbm4b:s1+s6], $0x8, $0x38;
	[tilespmem:$0x14100] =	vst v63  }
.LBB2_11:
0x31e: {  	_ =	sfence.sel $0x180000  }
0x31f: {  	[bflag:$0x0] =	sbarrier.arrive $0xFFFF  }
0x320: {  	_ =	strace $0x90000047  }
0x321: {  	s0 =	stileid.u32;
	[bflag:$0x2] =	sbarrier.arrive $0xFFFF  }
0x322: {  	p0 =	sne.s32 s0, $0x0;
	s0 =	rddreg [dreg:$0x4]  }
0x323: {  	s0 =	sadd.s32 @!p0 $0x100000, s0  }
0x324: {  	[sflag:s0] =	ssyncadd.tile.s32 @!p0 $0x1;
	_ =	shalt  }
.Lfunc_end2:
_tile_overlayer_lowered:
.L_overlay_start_2:
0x325: {  	(tag) =	ssettag $0x2  }
0x326: {  	s0 =	rddreg [dreg:$0x0];
	s2 =	stileid.u32  }
0x327: {  	s1 =	rddreg [dreg:$0x1];
	p0 =	sne.s32 s2, $0x0  }
0x328: {  	s3 =	rddreg [dreg:$0x2];
	[bflag:$0x3] =	sbarrier.arrive $0xFFFF;
	s2 =	simm.s32 @!p0 $0x1C09  }
0x329: {  	[timem:s3], [sflag:s2] =	dma.local @!p0 [hbm:s0], s1  }
0x32a: {  	s0 =	simm.s32 @!p0 $0x9  }
0x32b: {  	_ =	swait.ge @!p0 [sflag:s0], s1  }
0x32c: {  	s1 =	ssub.s32 @!p0 $0x0, s1;
	[sflag:s0] =	ssyncset.done @!p0 $0x0  }
0x32d: {  	[sflag:s0] =	ssyncadd.s32 @!p0 s1  }
0x32e: {  	[bflag:$0x3] =	sbarrier.arrive $0xFFFF  }
0x32f: {  	_ =	shalt  }

</sc_bundles>
